<compile_context>
chip_gen: v7x
topology: tpu7x:2x2x1
jax: 0.10.2.dev20260603
libtpu: 0.0.44.dev20260713+nightly
codegen_flags: <defaults>
</compile_context>

<pallas_src>
import functools

import jax
import jax.numpy as jnp
from jax import lax
from jax.experimental import pallas as pl
from jax.experimental.pallas import tpu as pltpu
from jax.experimental.pallas import tpu_sc as plsc

_NUM_NODES = 1000000
_H_DIM = 16
_BATCH = 16384

_NC = 2
_NS = 16
_NW = _NC * _NS
_B_PER_W = _BATCH // _NW

_GROUP = 16
_N_GROUPS = _B_PER_W // _GROUP
_N_PAR = 2
_TAIL_START = (_NUM_NODES // 128) * 128
_LAST_FULL_BLOCK = _TAIL_START - 128
_TAIL_SLICE = _NUM_NODES - 128


def _build_lookup():
    mesh = plsc.VectorSubcoreMesh(core_axis_name="c", subcore_axis_name="s")

    @functools.partial(
        pl.kernel,
        mesh=mesh,
        compiler_params=pltpu.CompilerParams(
            needs_layout_passes=False,
            disable_bounds_checks=True,
            disable_semaphore_checks=True,
        ),
        out_type=jax.ShapeDtypeStruct((_H_DIM, _BATCH), jnp.float32),
        scratch_types=[
            pltpu.VMEM((_B_PER_W,), jnp.int32),
            pltpu.VMEM((_N_PAR, _GROUP, _H_DIM, 128), jnp.float32),
            pltpu.VMEM((_H_DIM, 128), jnp.float32),
            pltpu.VMEM((_H_DIM, _B_PER_W), jnp.float32),
            pltpu.SemaphoreType.DMA,
        ],
    )
    def lookup(table_hbm, tail_hbm, idx_hbm, out_hbm,
               idx_v, bufs_v, tail_v, cols_v, sem):
        wid = lax.axis_index("s") * _NC + lax.axis_index("c")
        base = wid * _B_PER_W
        pltpu.sync_copy(idx_hbm.at[pl.ds(base, _B_PER_W)], idx_v)
        pltpu.sync_copy(tail_hbm, tail_v)

        lanes = lax.iota(jnp.int32, _H_DIM)

        def group_vecs(g):
            start = pl.multiple_of(g * _GROUP, _GROUP)
            kv = idx_v[pl.ds(start, _GROUP)]
            blk = jnp.minimum((kv >> 7) << 7, _LAST_FULL_BLOCK)
            return kv, blk

        def fetch_group(g, parity):
            _, blk = group_vecs(g)
            for j in range(_GROUP):
                bj = pl.multiple_of(blk[j], 128)
                pltpu.async_copy(
                    table_hbm.at[:, pl.ds(bj, 128)],
                    bufs_v.at[parity, j],
                    sem,
                )

        def consume_group(g, parity):
            kv, blk = group_vecs(g)
            off_main = jnp.minimum(kv - blk, 127)
            off_tail = jnp.clip(kv - _TAIL_SLICE, 0, 127)
            for j in range(_GROUP):
                pltpu.make_async_copy(
                    table_hbm.at[:, pl.ds(0, 128)],
                    bufs_v.at[parity, j],
                    sem,
                ).wait()
                col_main = plsc.load_gather(
                    bufs_v.at[parity, j],
                    [lanes, jnp.full((_H_DIM,), off_main[j], jnp.int32)],
                )
                col_tail = plsc.load_gather(
                    tail_v,
                    [lanes, jnp.full((_H_DIM,), off_tail[j], jnp.int32)],
                )
                tv = jnp.full((_H_DIM,), kv[j], jnp.int32) >= _TAIL_START
                col = jnp.where(tv, col_tail, col_main)
                plsc.store_scatter(
                    cols_v,
                    [lanes, jnp.full((_H_DIM,), g * _GROUP + j, jnp.int32)],
                    col,
                )

        fetch_group(0, 0)

        def body(h, carry):
            g = h * 2
            fetch_group(g + 1, 1)
            consume_group(g, 0)

            @pl.when(g + 2 < _N_GROUPS)
            def _():
                fetch_group(g + 2, 0)

            consume_group(g + 1, 1)
            return carry

        lax.fori_loop(0, _N_GROUPS // 2, body, 0)

        pltpu.sync_copy(cols_v, out_hbm.at[:, pl.ds(base, _B_PER_W)])

    return lookup


_lookup = _build_lookup()


def kernel(g, h, r, norm, table):
    table_t = table.T
    idx = h.reshape(_BATCH)
    tail = lax.slice(table_t, (0, _TAIL_SLICE), (_H_DIM, _NUM_NODES))
    out_t = _lookup(table_t, tail, idx)
    return out_t.T

# --- scband reference (transcript-rebuilt; emitter-appended) ---
"""Pipeline reference for scband-embedding-layer-15547781612314 (READ-ONLY COPY).

The authoritative reference and input builder live on the scoring server;
editing this copy changes nothing except your own understanding.
"""

import jax, jax.numpy as jnp
import numpy as np

NUM_NODES = 1000000
H_DIM = 16
BATCH = 16384

def setup_inputs(seed: int = 0) -> dict:
    key = jax.random.key(seed)
    k_g, k_h, k_r, k_norm, k_tab = jax.random.split(key, 5)
    g = jax.random.randint(k_g, (2, BATCH), 0, NUM_NODES, dtype=jnp.int64 if jax.config.jax_enable_x64 else jnp.int32).astype(jnp.int32)
    h = jax.random.randint(k_h, (BATCH, 1), 0, NUM_NODES).astype(jnp.int32)
    r = jax.random.randint(k_r, (BATCH,), 0, 16).astype(jnp.int32)
    norm = jax.random.uniform(k_norm, (BATCH,), dtype=jnp.float32)
    # Learned parameter: embedding table, nn.Embedding default init ~ N(0, 1)
    table = jax.random.normal(k_tab, (NUM_NODES, H_DIM), dtype=jnp.float32)
    return {"g": g, "h": h, "r": r, "norm": norm, "table": table}

def reference(g, h, r, norm, table):
    # forward: return self.embedding(h.squeeze())
    idx = jnp.squeeze(h)
    return jnp.take(table, idx, axis=0)

if __name__ == "__main__":
    import jax
    _d = setup_inputs()
    print(jax.jit(kernel)(*tuple(_d.values())))

</pallas_src>

<mosaic_0001>
#map = affine_map<(d0, d1) -> (0, 0)>
#map1 = affine_map<(d0, d1) -> (0)>
module attributes {stable_mosaic.version = 14 : i64} {
  func.func @lookup(%arg0: i32, %arg1: i32, %arg2: memref<16x1000000xf32, #tpu.memory_space<hbm>>, %arg3: memref<16x128xf32, #tpu.memory_space<hbm>>, %arg4: memref<16384xi32, #tpu.memory_space<hbm>>, %arg5: memref<16x16384xf32, #tpu.memory_space<hbm>>, %arg6: memref<512xi32, #tpu.memory_space<vmem>>, %arg7: memref<2x16x16x128xf32, #tpu.memory_space<vmem>>, %arg8: memref<16x128xf32, #tpu.memory_space<vmem>>, %arg9: memref<16x512xf32, #tpu.memory_space<vmem>>, %arg10: memref<!tpu.dma_semaphore, #tpu.memory_space<semaphore_mem>>) attributes {dimension_semantics = [#tpu.dimension_semantics<core_parallel>, #tpu.dimension_semantics<subcore_parallel>], iteration_bounds = array<i64: 2, 16>, scalar_prefetch = 0 : i64, scratch_operands = 5 : i64, tpu.core_type = #tpu.core_type<sc_vector_subcore>, window_params = [{transform_indices = #map}, {transform_indices = #map}, {transform_indices = #map1}, {transform_indices = #map}]} {
    %mul3A = arith.constant 2 : i32
    %mul3A_0 = arith.muli %arg1, %mul3A : i32
    %add3A = arith.addi %mul3A_0, %arg0 : i32
    %mul3A_1 = arith.constant 512 : i32
    %mul3A_2 = arith.muli %add3A, %mul3A_1 : i32
    "tpu.region"() ({
      %run_scoped3A = tpu.sem_alloc : memref<!tpu.dma_semaphore, #tpu.memory_space<semaphore_mem>>
      %dma_start3A_285 = tpu.memref_slice %arg4[%mul3A_2] : memref<16384xi32, #tpu.memory_space<hbm>> -> memref<512xi32, #tpu.memory_space<hbm>>
      %dma_start3A_286 = tpu.memref_slice %arg4[%mul3A_2] : memref<16384xi32, #tpu.memory_space<hbm>> -> memref<512xi32, #tpu.memory_space<hbm>>
      tpu.enqueue_dma source(%dma_start3A_286 : memref<512xi32, #tpu.memory_space<hbm>>) target(%arg6 : memref<512xi32, #tpu.memory_space<vmem>>) target_semaphore(%run_scoped3A : memref<!tpu.dma_semaphore, #tpu.memory_space<semaphore_mem>>)
      %dma_wait3A = tpu.memref_slice %arg4[%mul3A_2] : memref<16384xi32, #tpu.memory_space<hbm>> -> memref<512xi32, #tpu.memory_space<hbm>>
      %dma_wait3A_287 = tpu.memref_slice %arg4[%mul3A_2] : memref<16384xi32, #tpu.memory_space<hbm>> -> memref<512xi32, #tpu.memory_space<hbm>>
      tpu.wait_dma2 semaphore(%run_scoped3A : memref<!tpu.dma_semaphore, #tpu.memory_space<semaphore_mem>>) src(%dma_wait3A_287 : memref<512xi32, #tpu.memory_space<hbm>>) dst(%arg6 : memref<512xi32, #tpu.memory_space<vmem>>)
      tpu.yield
    }) : () -> ()
    "tpu.region"() ({
      %run_scoped3A = tpu.sem_alloc : memref<!tpu.dma_semaphore, #tpu.memory_space<semaphore_mem>>
      tpu.enqueue_dma source(%arg3 : memref<16x128xf32, #tpu.memory_space<hbm>>) target(%arg8 : memref<16x128xf32, #tpu.memory_space<vmem>>) target_semaphore(%run_scoped3A : memref<!tpu.dma_semaphore, #tpu.memory_space<semaphore_mem>>)
      tpu.wait_dma2 semaphore(%run_scoped3A : memref<!tpu.dma_semaphore, #tpu.memory_space<semaphore_mem>>) src(%arg3 : memref<16x128xf32, #tpu.memory_space<hbm>>) dst(%arg8 : memref<16x128xf32, #tpu.memory_space<vmem>>)
      tpu.yield
    }) : () -> ()
    %iota3A = tpu.iota {dimensions = array<i32: 0>} : vector<16xi32>
    %multiple_of3A = arith.constant 0 : i32
    %multiple_of3A_3 = tpu.assume_multiple %multiple_of3A, 16 : i32
    %get3A = arith.index_cast %multiple_of3A_3 : i32 to index
    %get3A_4 = tpu.vector_load %arg6[%get3A] {strides = array<i32>} : memref<512xi32, #tpu.memory_space<vmem>>, vector<16xi32>,
    %shift_right_arithmetic3A = arith.constant 7 : i32
    %shift_right_arithmetic3A_5 = vector.broadcast %shift_right_arithmetic3A : i32 to vector<16xi32>
    %shift_right_arithmetic3A_6 = arith.shrsi %get3A_4, %shift_right_arithmetic3A_5 : vector<16xi32>
    %shift_left3A = arith.constant 7 : i32
    %shift_left3A_7 = vector.broadcast %shift_left3A : i32 to vector<16xi32>
    %shift_left3A_8 = arith.shli %shift_right_arithmetic3A_6, %shift_left3A_7 : vector<16xi32>
    %min3A = arith.constant 999808 : i32
    %min3A_9 = vector.broadcast %min3A : i32 to vector<16xi32>
    %min3A_10 = arith.minsi %shift_left3A_8, %min3A_9 : vector<16xi32>
    %slice3A = vector.extract_strided_slice %min3A_10 {offsets = [0], sizes = [1], strides = [1]} : vector<16xi32> to vector<1xi32>
    %squeeze3A = vector.extract %slice3A[0] : i32 from vector<1xi32>
    %multiple_of3A_11 = tpu.assume_multiple %squeeze3A, 128 : i32
    %dma_start3A = arith.constant 0 : i32
    %dma_start3A_12 = arith.constant 0 : i32
    %dma_start3A_13 = arith.constant 0 : i32
    %dma_start3A_14 = arith.constant 0 : i32
    %dma_start3A_15 = tpu.memref_slice %arg7[%dma_start3A, %dma_start3A_12, %dma_start3A_13, %dma_start3A_14] : memref<2x16x16x128xf32, #tpu.memory_space<vmem>> -> memref<1x1x16x128xf32, #tpu.memory_space<vmem>>
    %dma_start3A_16 = tpu.memref_squeeze %dma_start3A_15 : memref<1x1x16x128xf32, #tpu.memory_space<vmem>> -> memref<16x128xf32, #tpu.memory_space<vmem>>
    %dma_start3A_17 = arith.constant 0 : i32
    %dma_start3A_18 = tpu.memref_slice %arg2[%dma_start3A_17, %multiple_of3A_11] : memref<16x1000000xf32, #tpu.memory_space<hbm>> -> memref<16x128xf32, #tpu.memory_space<hbm>>
    %dma_start3A_19 = arith.constant 0 : i32
    %dma_start3A_20 = arith.constant 0 : i32
    %dma_start3A_21 = tpu.memref_slice %arg7[%dma_start3A, %dma_start3A_12, %dma_start3A_19, %dma_start3A_20] : memref<2x16x16x128xf32, #tpu.memory_space<vmem>> -> memref<1x1x16x128xf32, #tpu.memory_space<vmem>>
    %dma_start3A_22 = tpu.memref_squeeze %dma_start3A_21 : memref<1x1x16x128xf32, #tpu.memory_space<vmem>> -> memref<16x128xf32, #tpu.memory_space<vmem>>
    %dma_start3A_23 = arith.constant 0 : i32
    %dma_start3A_24 = tpu.memref_slice %arg2[%dma_start3A_23, %multiple_of3A_11] : memref<16x1000000xf32, #tpu.memory_space<hbm>> -> memref<16x128xf32, #tpu.memory_space<hbm>>
    tpu.enqueue_dma source(%dma_start3A_24 : memref<16x128xf32, #tpu.memory_space<hbm>>) target(%dma_start3A_22 : memref<16x128xf32, #tpu.memory_space<vmem>>) target_semaphore(%arg10 : memref<!tpu.dma_semaphore, #tpu.memory_space<semaphore_mem>>)
    %slice3A_25 = vector.extract_strided_slice %min3A_10 {offsets = [1], sizes = [1], strides = [1]} : vector<16xi32> to vector<1xi32>
    %squeeze3A_26 = vector.extract %slice3A_25[0] : i32 from vector<1xi32>
    %multiple_of3A_27 = tpu.assume_multiple %squeeze3A_26, 128 : i32
    %dma_start3A_28 = arith.constant 0 : i32
    %dma_start3A_29 = arith.constant 1 : i32
    %dma_start3A_30 = arith.constant 0 : i32
    %dma_start3A_31 = arith.constant 0 : i32
    %dma_start3A_32 = tpu.memref_slice %arg7[%dma_start3A_28, %dma_start3A_29, %dma_start3A_30, %dma_start3A_31] : memref<2x16x16x128xf32, #tpu.memory_space<vmem>> -> memref<1x1x16x128xf32, #tpu.memory_space<vmem>>
    %dma_start3A_33 = tpu.memref_squeeze %dma_start3A_32 : memref<1x1x16x128xf32, #tpu.memory_space<vmem>> -> memref<16x128xf32, #tpu.memory_space<vmem>>
    %dma_start3A_34 = arith.constant 0 : i32
    %dma_start3A_35 = tpu.memref_slice %arg2[%dma_start3A_34, %multiple_of3A_27] : memref<16x1000000xf32, #tpu.memory_space<hbm>> -> memref<16x128xf32, #tpu.memory_space<hbm>>
    %dma_start3A_36 = arith.constant 0 : i32
    %dma_start3A_37 = arith.constant 0 : i32
    %dma_start3A_38 = tpu.memref_slice %arg7[%dma_start3A_28, %dma_start3A_29, %dma_start3A_36, %dma_start3A_37] : memref<2x16x16x128xf32, #tpu.memory_space<vmem>> -> memref<1x1x16x128xf32, #tpu.memory_space<vmem>>
    %dma_start3A_39 = tpu.memref_squeeze %dma_start3A_38 : memref<1x1x16x128xf32, #tpu.memory_space<vmem>> -> memref<16x128xf32, #tpu.memory_space<vmem>>
    %dma_start3A_40 = arith.constant 0 : i32
    %dma_start3A_41 = tpu.memref_slice %arg2[%dma_start3A_40, %multiple_of3A_27] : memref<16x1000000xf32, #tpu.memory_space<hbm>> -> memref<16x128xf32, #tpu.memory_space<hbm>>
    tpu.enqueue_dma source(%dma_start3A_41 : memref<16x128xf32, #tpu.memory_space<hbm>>) target(%dma_start3A_39 : memref<16x128xf32, #tpu.memory_space<vmem>>) target_semaphore(%arg10 : memref<!tpu.dma_semaphore, #tpu.memory_space<semaphore_mem>>)
    %slice3A_42 = vector.extract_strided_slice %min3A_10 {offsets = [2], sizes = [1], strides = [1]} : vector<16xi32> to vector<1xi32>
    %squeeze3A_43 = vector.extract %slice3A_42[0] : i32 from vector<1xi32>
    %multiple_of3A_44 = tpu.assume_multiple %squeeze3A_43, 128 : i32
    %dma_start3A_45 = arith.constant 0 : i32
    %dma_start3A_46 = arith.constant 2 : i32
    %dma_start3A_47 = arith.constant 0 : i32
    %dma_start3A_48 = arith.constant 0 : i32
    %dma_start3A_49 = tpu.memref_slice %arg7[%dma_start3A_45, %dma_start3A_46, %dma_start3A_47, %dma_start3A_48] : memref<2x16x16x128xf32, #tpu.memory_space<vmem>> -> memref<1x1x16x128xf32, #tpu.memory_space<vmem>>
    %dma_start3A_50 = tpu.memref_squeeze %dma_start3A_49 : memref<1x1x16x128xf32, #tpu.memory_space<vmem>> -> memref<16x128xf32, #tpu.memory_space<vmem>>
    %dma_start3A_51 = arith.constant 0 : i32
    %dma_start3A_52 = tpu.memref_slice %arg2[%dma_start3A_51, %multiple_of3A_44] : memref<16x1000000xf32, #tpu.memory_space<hbm>> -> memref<16x128xf32, #tpu.memory_space<hbm>>
    %dma_start3A_53 = arith.constant 0 : i32
    %dma_start3A_54 = arith.constant 0 : i32
    %dma_start3A_55 = tpu.memref_slice %arg7[%dma_start3A_45, %dma_start3A_46, %dma_start3A_53, %dma_start3A_54] : memref<2x16x16x128xf32, #tpu.memory_space<vmem>> -> memref<1x1x16x128xf32, #tpu.memory_space<vmem>>
    %dma_start3A_56 = tpu.memref_squeeze %dma_start3A_55 : memref<1x1x16x128xf32, #tpu.memory_space<vmem>> -> memref<16x128xf32, #tpu.memory_space<vmem>>
    %dma_start3A_57 = arith.constant 0 : i32
    %dma_start3A_58 = tpu.memref_slice %arg2[%dma_start3A_57, %multiple_of3A_44] : memref<16x1000000xf32, #tpu.memory_space<hbm>> -> memref<16x128xf32, #tpu.memory_space<hbm>>
    tpu.enqueue_dma source(%dma_start3A_58 : memref<16x128xf32, #tpu.memory_space<hbm>>) target(%dma_start3A_56 : memref<16x128xf32, #tpu.memory_space<vmem>>) target_semaphore(%arg10 : memref<!tpu.dma_semaphore, #tpu.memory_space<semaphore_mem>>)
    %slice3A_59 = vector.extract_strided_slice %min3A_10 {offsets = [3], sizes = [1], strides = [1]} : vector<16xi32> to vector<1xi32>
    %squeeze3A_60 = vector.extract %slice3A_59[0] : i32 from vector<1xi32>
    %multiple_of3A_61 = tpu.assume_multiple %squeeze3A_60, 128 : i32
    %dma_start3A_62 = arith.constant 0 : i32
    %dma_start3A_63 = arith.constant 3 : i32
    %dma_start3A_64 = arith.constant 0 : i32
    %dma_start3A_65 = arith.constant 0 : i32
    %dma_start3A_66 = tpu.memref_slice %arg7[%dma_start3A_62, %dma_start3A_63, %dma_start3A_64, %dma_start3A_65] : memref<2x16x16x128xf32, #tpu.memory_space<vmem>> -> memref<1x1x16x128xf32, #tpu.memory_space<vmem>>
    %dma_start3A_67 = tpu.memref_squeeze %dma_start3A_66 : memref<1x1x16x128xf32, #tpu.memory_space<vmem>> -> memref<16x128xf32, #tpu.memory_space<vmem>>
    %dma_start3A_68 = arith.constant 0 : i32
    %dma_start3A_69 = tpu.memref_slice %arg2[%dma_start3A_68, %multiple_of3A_61] : memref<16x1000000xf32, #tpu.memory_space<hbm>> -> memref<16x128xf32, #tpu.memory_space<hbm>>
    %dma_start3A_70 = arith.constant 0 : i32
    %dma_start3A_71 = arith.constant 0 : i32
    %dma_start3A_72 = tpu.memref_slice %arg7[%dma_start3A_62, %dma_start3A_63, %dma_start3A_70, %dma_start3A_71] : memref<2x16x16x128xf32, #tpu.memory_space<vmem>> -> memref<1x1x16x128xf32, #tpu.memory_space<vmem>>
    %dma_start3A_73 = tpu.memref_squeeze %dma_start3A_72 : memref<1x1x16x128xf32, #tpu.memory_space<vmem>> -> memref<16x128xf32, #tpu.memory_space<vmem>>
    %dma_start3A_74 = arith.constant 0 : i32
    %dma_start3A_75 = tpu.memref_slice %arg2[%dma_start3A_74, %multiple_of3A_61] : memref<16x1000000xf32, #tpu.memory_space<hbm>> -> memref<16x128xf32, #tpu.memory_space<hbm>>
    tpu.enqueue_dma source(%dma_start3A_75 : memref<16x128xf32, #tpu.memory_space<hbm>>) target(%dma_start3A_73 : memref<16x128xf32, #tpu.memory_space<vmem>>) target_semaphore(%arg10 : memref<!tpu.dma_semaphore, #tpu.memory_space<semaphore_mem>>)
    %slice3A_76 = vector.extract_strided_slice %min3A_10 {offsets = [4], sizes = [1], strides = [1]} : vector<16xi32> to vector<1xi32>
    %squeeze3A_77 = vector.extract %slice3A_76[0] : i32 from vector<1xi32>
    %multiple_of3A_78 = tpu.assume_multiple %squeeze3A_77, 128 : i32
    %dma_start3A_79 = arith.constant 0 : i32
    %dma_start3A_80 = arith.constant 4 : i32
    %dma_start3A_81 = arith.constant 0 : i32
    %dma_start3A_82 = arith.constant 0 : i32
    %dma_start3A_83 = tpu.memref_slice %arg7[%dma_start3A_79, %dma_start3A_80, %dma_start3A_81, %dma_start3A_82] : memref<2x16x16x128xf32, #tpu.memory_space<vmem>> -> memref<1x1x16x128xf32, #tpu.memory_space<vmem>>
    %dma_start3A_84 = tpu.memref_squeeze %dma_start3A_83 : memref<1x1x16x128xf32, #tpu.memory_space<vmem>> -> memref<16x128xf32, #tpu.memory_space<vmem>>
    %dma_start3A_85 = arith.constant 0 : i32
    %dma_start3A_86 = tpu.memref_slice %arg2[%dma_start3A_85, %multiple_of3A_78] : memref<16x1000000xf32, #tpu.memory_space<hbm>> -> memref<16x128xf32, #tpu.memory_space<hbm>>
    %dma_start3A_87 = arith.constant 0 : i32
    %dma_start3A_88 = arith.constant 0 : i32
    %dma_start3A_89 = tpu.memref_slice %arg7[%dma_start3A_79, %dma_start3A_80, %dma_start3A_87, %dma_start3A_88] : memref<2x16x16x128xf32, #tpu.memory_space<vmem>> -> memref<1x1x16x128xf32, #tpu.memory_space<vmem>>
    %dma_start3A_90 = tpu.memref_squeeze %dma_start3A_89 : memref<1x1x16x128xf32, #tpu.memory_space<vmem>> -> memref<16x128xf32, #tpu.memory_space<vmem>>
    %dma_start3A_91 = arith.constant 0 : i32
    %dma_start3A_92 = tpu.memref_slice %arg2[%dma_start3A_91, %multiple_of3A_78] : memref<16x1000000xf32, #tpu.memory_space<hbm>> -> memref<16x128xf32, #tpu.memory_space<hbm>>
    tpu.enqueue_dma source(%dma_start3A_92 : memref<16x128xf32, #tpu.memory_space<hbm>>) target(%dma_start3A_90 : memref<16x128xf32, #tpu.memory_space<vmem>>) target_semaphore(%arg10 : memref<!tpu.dma_semaphore, #tpu.memory_space<semaphore_mem>>)
    %slice3A_93 = vector.extract_strided_slice %min3A_10 {offsets = [5], sizes = [1], strides = [1]} : vector<16xi32> to vector<1xi32>
    %squeeze3A_94 = vector.extract %slice3A_93[0] : i32 from vector<1xi32>
    %multiple_of3A_95 = tpu.assume_multiple %squeeze3A_94, 128 : i32
    %dma_start3A_96 = arith.constant 0 : i32
    %dma_start3A_97 = arith.constant 5 : i32
    %dma_start3A_98 = arith.constant 0 : i32
    %dma_start3A_99 = arith.constant 0 : i32
    %dma_start3A_100 = tpu.memref_slice %arg7[%dma_start3A_96, %dma_start3A_97, %dma_start3A_98, %dma_start3A_99] : memref<2x16x16x128xf32, #tpu.memory_space<vmem>> -> memref<1x1x16x128xf32, #tpu.memory_space<vmem>>
    %dma_start3A_101 = tpu.memref_squeeze %dma_start3A_100 : memref<1x1x16x128xf32, #tpu.memory_space<vmem>> -> memref<16x128xf32, #tpu.memory_space<vmem>>
    %dma_start3A_102 = arith.constant 0 : i32
    %dma_start3A_103 = tpu.memref_slice %arg2[%dma_start3A_102, %multiple_of3A_95] : memref<16x1000000xf32, #tpu.memory_space<hbm>> -> memref<16x128xf32, #tpu.memory_space<hbm>>
    %dma_start3A_104 = arith.constant 0 : i32
    %dma_start3A_105 = arith.constant 0 : i32
    %dma_start3A_106 = tpu.memref_slice %arg7[%dma_start3A_96, %dma_start3A_97, %dma_start3A_104, %dma_start3A_105] : memref<2x16x16x128xf32, #tpu.memory_space<vmem>> -> memref<1x1x16x128xf32, #tpu.memory_space<vmem>>
    %dma_start3A_107 = tpu.memref_squeeze %dma_start3A_106 : memref<1x1x16x128xf32, #tpu.memory_space<vmem>> -> memref<16x128xf32, #tpu.memory_space<vmem>>
    %dma_start3A_108 = arith.constant 0 : i32
    %dma_start3A_109 = tpu.memref_slice %arg2[%dma_start3A_108, %multiple_of3A_95] : memref<16x1000000xf32, #tpu.memory_space<hbm>> -> memref<16x128xf32, #tpu.memory_space<hbm>>
    tpu.enqueue_dma source(%dma_start3A_109 : memref<16x128xf32, #tpu.memory_space<hbm>>) target(%dma_start3A_107 : memref<16x128xf32, #tpu.memory_space<vmem>>) target_semaphore(%arg10 : memref<!tpu.dma_semaphore, #tpu.memory_space<semaphore_mem>>)
    %slice3A_110 = vector.extract_strided_slice %min3A_10 {offsets = [6], sizes = [1], strides = [1]} : vector<16xi32> to vector<1xi32>
    %squeeze3A_111 = vector.extract %slice3A_110[0] : i32 from vector<1xi32>
    %multiple_of3A_112 = tpu.assume_multiple %squeeze3A_111, 128 : i32
    %dma_start3A_113 = arith.constant 0 : i32
    %dma_start3A_114 = arith.constant 6 : i32
    %dma_start3A_115 = arith.constant 0 : i32
    %dma_start3A_116 = arith.constant 0 : i32
    %dma_start3A_117 = tpu.memref_slice %arg7[%dma_start3A_113, %dma_start3A_114, %dma_start3A_115, %dma_start3A_116] : memref<2x16x16x128xf32, #tpu.memory_space<vmem>> -> memref<1x1x16x128xf32, #tpu.memory_space<vmem>>
    %dma_start3A_118 = tpu.memref_squeeze %dma_start3A_117 : memref<1x1x16x128xf32, #tpu.memory_space<vmem>> -> memref<16x128xf32, #tpu.memory_space<vmem>>
    %dma_start3A_119 = arith.constant 0 : i32
    %dma_start3A_120 = tpu.memref_slice %arg2[%dma_start3A_119, %multiple_of3A_112] : memref<16x1000000xf32, #tpu.memory_space<hbm>> -> memref<16x128xf32, #tpu.memory_space<hbm>>
    %dma_start3A_121 = arith.constant 0 : i32
    %dma_start3A_122 = arith.constant 0 : i32
    %dma_start3A_123 = tpu.memref_slice %arg7[%dma_start3A_113, %dma_start3A_114, %dma_start3A_121, %dma_start3A_122] : memref<2x16x16x128xf32, #tpu.memory_space<vmem>> -> memref<1x1x16x128xf32, #tpu.memory_space<vmem>>
    %dma_start3A_124 = tpu.memref_squeeze %dma_start3A_123 : memref<1x1x16x128xf32, #tpu.memory_space<vmem>> -> memref<16x128xf32, #tpu.memory_space<vmem>>
    %dma_start3A_125 = arith.constant 0 : i32
    %dma_start3A_126 = tpu.memref_slice %arg2[%dma_start3A_125, %multiple_of3A_112] : memref<16x1000000xf32, #tpu.memory_space<hbm>> -> memref<16x128xf32, #tpu.memory_space<hbm>>
    tpu.enqueue_dma source(%dma_start3A_126 : memref<16x128xf32, #tpu.memory_space<hbm>>) target(%dma_start3A_124 : memref<16x128xf32, #tpu.memory_space<vmem>>) target_semaphore(%arg10 : memref<!tpu.dma_semaphore, #tpu.memory_space<semaphore_mem>>)
    %slice3A_127 = vector.extract_strided_slice %min3A_10 {offsets = [7], sizes = [1], strides = [1]} : vector<16xi32> to vector<1xi32>
    %squeeze3A_128 = vector.extract %slice3A_127[0] : i32 from vector<1xi32>
    %multiple_of3A_129 = tpu.assume_multiple %squeeze3A_128, 128 : i32
    %dma_start3A_130 = arith.constant 0 : i32
    %dma_start3A_131 = arith.constant 7 : i32
    %dma_start3A_132 = arith.constant 0 : i32
    %dma_start3A_133 = arith.constant 0 : i32
    %dma_start3A_134 = tpu.memref_slice %arg7[%dma_start3A_130, %dma_start3A_131, %dma_start3A_132, %dma_start3A_133] : memref<2x16x16x128xf32, #tpu.memory_space<vmem>> -> memref<1x1x16x128xf32, #tpu.memory_space<vmem>>
    %dma_start3A_135 = tpu.memref_squeeze %dma_start3A_134 : memref<1x1x16x128xf32, #tpu.memory_space<vmem>> -> memref<16x128xf32, #tpu.memory_space<vmem>>
    %dma_start3A_136 = arith.constant 0 : i32
    %dma_start3A_137 = tpu.memref_slice %arg2[%dma_start3A_136, %multiple_of3A_129] : memref<16x1000000xf32, #tpu.memory_space<hbm>> -> memref<16x128xf32, #tpu.memory_space<hbm>>
    %dma_start3A_138 = arith.constant 0 : i32
    %dma_start3A_139 = arith.constant 0 : i32
    %dma_start3A_140 = tpu.memref_slice %arg7[%dma_start3A_130, %dma_start3A_131, %dma_start3A_138, %dma_start3A_139] : memref<2x16x16x128xf32, #tpu.memory_space<vmem>> -> memref<1x1x16x128xf32, #tpu.memory_space<vmem>>
    %dma_start3A_141 = tpu.memref_squeeze %dma_start3A_140 : memref<1x1x16x128xf32, #tpu.memory_space<vmem>> -> memref<16x128xf32, #tpu.memory_space<vmem>>
    %dma_start3A_142 = arith.constant 0 : i32
    %dma_start3A_143 = tpu.memref_slice %arg2[%dma_start3A_142, %multiple_of3A_129] : memref<16x1000000xf32, #tpu.memory_space<hbm>> -> memref<16x128xf32, #tpu.memory_space<hbm>>
    tpu.enqueue_dma source(%dma_start3A_143 : memref<16x128xf32, #tpu.memory_space<hbm>>) target(%dma_start3A_141 : memref<16x128xf32, #tpu.memory_space<vmem>>) target_semaphore(%arg10 : memref<!tpu.dma_semaphore, #tpu.memory_space<semaphore_mem>>)
    %slice3A_144 = vector.extract_strided_slice %min3A_10 {offsets = [8], sizes = [1], strides = [1]} : vector<16xi32> to vector<1xi32>
    %squeeze3A_145 = vector.extract %slice3A_144[0] : i32 from vector<1xi32>
    %multiple_of3A_146 = tpu.assume_multiple %squeeze3A_145, 128 : i32
    %dma_start3A_147 = arith.constant 0 : i32
    %dma_start3A_148 = arith.constant 8 : i32
    %dma_start3A_149 = arith.constant 0 : i32
    %dma_start3A_150 = arith.constant 0 : i32
    %dma_start3A_151 = tpu.memref_slice %arg7[%dma_start3A_147, %dma_start3A_148, %dma_start3A_149, %dma_start3A_150] : memref<2x16x16x128xf32, #tpu.memory_space<vmem>> -> memref<1x1x16x128xf32, #tpu.memory_space<vmem>>
    %dma_start3A_152 = tpu.memref_squeeze %dma_start3A_151 : memref<1x1x16x128xf32, #tpu.memory_space<vmem>> -> memref<16x128xf32, #tpu.memory_space<vmem>>
    %dma_start3A_153 = arith.constant 0 : i32
    %dma_start3A_154 = tpu.memref_slice %arg2[%dma_start3A_153, %multiple_of3A_146] : memref<16x1000000xf32, #tpu.memory_space<hbm>> -> memref<16x128xf32, #tpu.memory_space<hbm>>
    %dma_start3A_155 = arith.constant 0 : i32
    %dma_start3A_156 = arith.constant 0 : i32
    %dma_start3A_157 = tpu.memref_slice %arg7[%dma_start3A_147, %dma_start3A_148, %dma_start3A_155, %dma_start3A_156] : memref<2x16x16x128xf32, #tpu.memory_space<vmem>> -> memref<1x1x16x128xf32, #tpu.memory_space<vmem>>
    %dma_start3A_158 = tpu.memref_squeeze %dma_start3A_157 : memref<1x1x16x128xf32, #tpu.memory_space<vmem>> -> memref<16x128xf32, #tpu.memory_space<vmem>>
    %dma_start3A_159 = arith.constant 0 : i32
    %dma_start3A_160 = tpu.memref_slice %arg2[%dma_start3A_159, %multiple_of3A_146] : memref<16x1000000xf32, #tpu.memory_space<hbm>> -> memref<16x128xf32, #tpu.memory_space<hbm>>
    tpu.enqueue_dma source(%dma_start3A_160 : memref<16x128xf32, #tpu.memory_space<hbm>>) target(%dma_start3A_158 : memref<16x128xf32, #tpu.memory_space<vmem>>) target_semaphore(%arg10 : memref<!tpu.dma_semaphore, #tpu.memory_space<semaphore_mem>>)
    %slice3A_161 = vector.extract_strided_slice %min3A_10 {offsets = [9], sizes = [1], strides = [1]} : vector<16xi32> to vector<1xi32>
    %squeeze3A_162 = vector.extract %slice3A_161[0] : i32 from vector<1xi32>
    %multiple_of3A_163 = tpu.assume_multiple %squeeze3A_162, 128 : i32
    %dma_start3A_164 = arith.constant 0 : i32
    %dma_start3A_165 = arith.constant 9 : i32
    %dma_start3A_166 = arith.constant 0 : i32
    %dma_start3A_167 = arith.constant 0 : i32
    %dma_start3A_168 = tpu.memref_slice %arg7[%dma_start3A_164, %dma_start3A_165, %dma_start3A_166, %dma_start3A_167] : memref<2x16x16x128xf32, #tpu.memory_space<vmem>> -> memref<1x1x16x128xf32, #tpu.memory_space<vmem>>
    %dma_start3A_169 = tpu.memref_squeeze %dma_start3A_168 : memref<1x1x16x128xf32, #tpu.memory_space<vmem>> -> memref<16x128xf32, #tpu.memory_space<vmem>>
    %dma_start3A_170 = arith.constant 0 : i32
    %dma_start3A_171 = tpu.memref_slice %arg2[%dma_start3A_170, %multiple_of3A_163] : memref<16x1000000xf32, #tpu.memory_space<hbm>> -> memref<16x128xf32, #tpu.memory_space<hbm>>
    %dma_start3A_172 = arith.constant 0 : i32
    %dma_start3A_173 = arith.constant 0 : i32
    %dma_start3A_174 = tpu.memref_slice %arg7[%dma_start3A_164, %dma_start3A_165, %dma_start3A_172, %dma_start3A_173] : memref<2x16x16x128xf32, #tpu.memory_space<vmem>> -> memref<1x1x16x128xf32, #tpu.memory_space<vmem>>
    %dma_start3A_175 = tpu.memref_squeeze %dma_start3A_174 : memref<1x1x16x128xf32, #tpu.memory_space<vmem>> -> memref<16x128xf32, #tpu.memory_space<vmem>>
    %dma_start3A_176 = arith.constant 0 : i32
    %dma_start3A_177 = tpu.memref_slice %arg2[%dma_start3A_176, %multiple_of3A_163] : memref<16x1000000xf32, #tpu.memory_space<hbm>> -> memref<16x128xf32, #tpu.memory_space<hbm>>
    tpu.enqueue_dma source(%dma_start3A_177 : memref<16x128xf32, #tpu.memory_space<hbm>>) target(%dma_start3A_175 : memref<16x128xf32, #tpu.memory_space<vmem>>) target_semaphore(%arg10 : memref<!tpu.dma_semaphore, #tpu.memory_space<semaphore_mem>>)
    %slice3A_178 = vector.extract_strided_slice %min3A_10 {offsets = [10], sizes = [1], strides = [1]} : vector<16xi32> to vector<1xi32>
    %squeeze3A_179 = vector.extract %slice3A_178[0] : i32 from vector<1xi32>
    %multiple_of3A_180 = tpu.assume_multiple %squeeze3A_179, 128 : i32
    %dma_start3A_181 = arith.constant 0 : i32
    %dma_start3A_182 = arith.constant 10 : i32
    %dma_start3A_183 = arith.constant 0 : i32
    %dma_start3A_184 = arith.constant 0 : i32
    %dma_start3A_185 = tpu.memref_slice %arg7[%dma_start3A_181, %dma_start3A_182, %dma_start3A_183, %dma_start3A_184] : memref<2x16x16x128xf32, #tpu.memory_space<vmem>> -> memref<1x1x16x128xf32, #tpu.memory_space<vmem>>
    %dma_start3A_186 = tpu.memref_squeeze %dma_start3A_185 : memref<1x1x16x128xf32, #tpu.memory_space<vmem>> -> memref<16x128xf32, #tpu.memory_space<vmem>>
    %dma_start3A_187 = arith.constant 0 : i32
    %dma_start3A_188 = tpu.memref_slice %arg2[%dma_start3A_187, %multiple_of3A_180] : memref<16x1000000xf32, #tpu.memory_space<hbm>> -> memref<16x128xf32, #tpu.memory_space<hbm>>
    %dma_start3A_189 = arith.constant 0 : i32
    %dma_start3A_190 = arith.constant 0 : i32
    %dma_start3A_191 = tpu.memref_slice %arg7[%dma_start3A_181, %dma_start3A_182, %dma_start3A_189, %dma_start3A_190] : memref<2x16x16x128xf32, #tpu.memory_space<vmem>> -> memref<1x1x16x128xf32, #tpu.memory_space<vmem>>
    %dma_start3A_192 = tpu.memref_squeeze %dma_start3A_191 : memref<1x1x16x128xf32, #tpu.memory_space<vmem>> -> memref<16x128xf32, #tpu.memory_space<vmem>>
    %dma_start3A_193 = arith.constant 0 : i32
    %dma_start3A_194 = tpu.memref_slice %arg2[%dma_start3A_193, %multiple_of3A_180] : memref<16x1000000xf32, #tpu.memory_space<hbm>> -> memref<16x128xf32, #tpu.memory_space<hbm>>
    tpu.enqueue_dma source(%dma_start3A_194 : memref<16x128xf32, #tpu.memory_space<hbm>>) target(%dma_start3A_192 : memref<16x128xf32, #tpu.memory_space<vmem>>) target_semaphore(%arg10 : memref<!tpu.dma_semaphore, #tpu.memory_space<semaphore_mem>>)
    %slice3A_195 = vector.extract_strided_slice %min3A_10 {offsets = [11], sizes = [1], strides = [1]} : vector<16xi32> to vector<1xi32>
    %squeeze3A_196 = vector.extract %slice3A_195[0] : i32 from vector<1xi32>
    %multiple_of3A_197 = tpu.assume_multiple %squeeze3A_196, 128 : i32
    %dma_start3A_198 = arith.constant 0 : i32
    %dma_start3A_199 = arith.constant 11 : i32
    %dma_start3A_200 = arith.constant 0 : i32
    %dma_start3A_201 = arith.constant 0 : i32
    %dma_start3A_202 = tpu.memref_slice %arg7[%dma_start3A_198, %dma_start3A_199, %dma_start3A_200, %dma_start3A_201] : memref<2x16x16x128xf32, #tpu.memory_space<vmem>> -> memref<1x1x16x128xf32, #tpu.memory_space<vmem>>
    %dma_start3A_203 = tpu.memref_squeeze %dma_start3A_202 : memref<1x1x16x128xf32, #tpu.memory_space<vmem>> -> memref<16x128xf32, #tpu.memory_space<vmem>>
    %dma_start3A_204 = arith.constant 0 : i32
    %dma_start3A_205 = tpu.memref_slice %arg2[%dma_start3A_204, %multiple_of3A_197] : memref<16x1000000xf32, #tpu.memory_space<hbm>> -> memref<16x128xf32, #tpu.memory_space<hbm>>
    %dma_start3A_206 = arith.constant 0 : i32
    %dma_start3A_207 = arith.constant 0 : i32
    %dma_start3A_208 = tpu.memref_slice %arg7[%dma_start3A_198, %dma_start3A_199, %dma_start3A_206, %dma_start3A_207] : memref<2x16x16x128xf32, #tpu.memory_space<vmem>> -> memref<1x1x16x128xf32, #tpu.memory_space<vmem>>
    %dma_start3A_209 = tpu.memref_squeeze %dma_start3A_208 : memref<1x1x16x128xf32, #tpu.memory_space<vmem>> -> memref<16x128xf32, #tpu.memory_space<vmem>>
    %dma_start3A_210 = arith.constant 0 : i32
    %dma_start3A_211 = tpu.memref_slice %arg2[%dma_start3A_210, %multiple_of3A_197] : memref<16x1000000xf32, #tpu.memory_space<hbm>> -> memref<16x128xf32, #tpu.memory_space<hbm>>
    tpu.enqueue_dma source(%dma_start3A_211 : memref<16x128xf32, #tpu.memory_space<hbm>>) target(%dma_start3A_209 : memref<16x128xf32, #tpu.memory_space<vmem>>) target_semaphore(%arg10 : memref<!tpu.dma_semaphore, #tpu.memory_space<semaphore_mem>>)
    %slice3A_212 = vector.extract_strided_slice %min3A_10 {offsets = [12], sizes = [1], strides = [1]} : vector<16xi32> to vector<1xi32>
    %squeeze3A_213 = vector.extract %slice3A_212[0] : i32 from vector<1xi32>
    %multiple_of3A_214 = tpu.assume_multiple %squeeze3A_213, 128 : i32
    %dma_start3A_215 = arith.constant 0 : i32
    %dma_start3A_216 = arith.constant 12 : i32
    %dma_start3A_217 = arith.constant 0 : i32
    %dma_start3A_218 = arith.constant 0 : i32
    %dma_start3A_219 = tpu.memref_slice %arg7[%dma_start3A_215, %dma_start3A_216, %dma_start3A_217, %dma_start3A_218] : memref<2x16x16x128xf32, #tpu.memory_space<vmem>> -> memref<1x1x16x128xf32, #tpu.memory_space<vmem>>
    %dma_start3A_220 = tpu.memref_squeeze %dma_start3A_219 : memref<1x1x16x128xf32, #tpu.memory_space<vmem>> -> memref<16x128xf32, #tpu.memory_space<vmem>>
    %dma_start3A_221 = arith.constant 0 : i32
    %dma_start3A_222 = tpu.memref_slice %arg2[%dma_start3A_221, %multiple_of3A_214] : memref<16x1000000xf32, #tpu.memory_space<hbm>> -> memref<16x128xf32, #tpu.memory_space<hbm>>
    %dma_start3A_223 = arith.constant 0 : i32
    %dma_start3A_224 = arith.constant 0 : i32
    %dma_start3A_225 = tpu.memref_slice %arg7[%dma_start3A_215, %dma_start3A_216, %dma_start3A_223, %dma_start3A_224] : memref<2x16x16x128xf32, #tpu.memory_space<vmem>> -> memref<1x1x16x128xf32, #tpu.memory_space<vmem>>
    %dma_start3A_226 = tpu.memref_squeeze %dma_start3A_225 : memref<1x1x16x128xf32, #tpu.memory_space<vmem>> -> memref<16x128xf32, #tpu.memory_space<vmem>>
    %dma_start3A_227 = arith.constant 0 : i32
    %dma_start3A_228 = tpu.memref_slice %arg2[%dma_start3A_227, %multiple_of3A_214] : memref<16x1000000xf32, #tpu.memory_space<hbm>> -> memref<16x128xf32, #tpu.memory_space<hbm>>
    tpu.enqueue_dma source(%dma_start3A_228 : memref<16x128xf32, #tpu.memory_space<hbm>>) target(%dma_start3A_226 : memref<16x128xf32, #tpu.memory_space<vmem>>) target_semaphore(%arg10 : memref<!tpu.dma_semaphore, #tpu.memory_space<semaphore_mem>>)
    %slice3A_229 = vector.extract_strided_slice %min3A_10 {offsets = [13], sizes = [1], strides = [1]} : vector<16xi32> to vector<1xi32>
    %squeeze3A_230 = vector.extract %slice3A_229[0] : i32 from vector<1xi32>
    %multiple_of3A_231 = tpu.assume_multiple %squeeze3A_230, 128 : i32
    %dma_start3A_232 = arith.constant 0 : i32
    %dma_start3A_233 = arith.constant 13 : i32
    %dma_start3A_234 = arith.constant 0 : i32
    %dma_start3A_235 = arith.constant 0 : i32
    %dma_start3A_236 = tpu.memref_slice %arg7[%dma_start3A_232, %dma_start3A_233, %dma_start3A_234, %dma_start3A_235] : memref<2x16x16x128xf32, #tpu.memory_space<vmem>> -> memref<1x1x16x128xf32, #tpu.memory_space<vmem>>
    %dma_start3A_237 = tpu.memref_squeeze %dma_start3A_236 : memref<1x1x16x128xf32, #tpu.memory_space<vmem>> -> memref<16x128xf32, #tpu.memory_space<vmem>>
    %dma_start3A_238 = arith.constant 0 : i32
    %dma_start3A_239 = tpu.memref_slice %arg2[%dma_start3A_238, %multiple_of3A_231] : memref<16x1000000xf32, #tpu.memory_space<hbm>> -> memref<16x128xf32, #tpu.memory_space<hbm>>
    %dma_start3A_240 = arith.constant 0 : i32
    %dma_start3A_241 = arith.constant 0 : i32
    %dma_start3A_242 = tpu.memref_slice %arg7[%dma_start3A_232, %dma_start3A_233, %dma_start3A_240, %dma_start3A_241] : memref<2x16x16x128xf32, #tpu.memory_space<vmem>> -> memref<1x1x16x128xf32, #tpu.memory_space<vmem>>
    %dma_start3A_243 = tpu.memref_squeeze %dma_start3A_242 : memref<1x1x16x128xf32, #tpu.memory_space<vmem>> -> memref<16x128xf32, #tpu.memory_space<vmem>>
    %dma_start3A_244 = arith.constant 0 : i32
    %dma_start3A_245 = tpu.memref_slice %arg2[%dma_start3A_244, %multiple_of3A_231] : memref<16x1000000xf32, #tpu.memory_space<hbm>> -> memref<16x128xf32, #tpu.memory_space<hbm>>
    tpu.enqueue_dma source(%dma_start3A_245 : memref<16x128xf32, #tpu.memory_space<hbm>>) target(%dma_start3A_243 : memref<16x128xf32, #tpu.memory_space<vmem>>) target_semaphore(%arg10 : memref<!tpu.dma_semaphore, #tpu.memory_space<semaphore_mem>>)
    %slice3A_246 = vector.extract_strided_slice %min3A_10 {offsets = [14], sizes = [1], strides = [1]} : vector<16xi32> to vector<1xi32>
    %squeeze3A_247 = vector.extract %slice3A_246[0] : i32 from vector<1xi32>
    %multiple_of3A_248 = tpu.assume_multiple %squeeze3A_247, 128 : i32
    %dma_start3A_249 = arith.constant 0 : i32
    %dma_start3A_250 = arith.constant 14 : i32
    %dma_start3A_251 = arith.constant 0 : i32
    %dma_start3A_252 = arith.constant 0 : i32
    %dma_start3A_253 = tpu.memref_slice %arg7[%dma_start3A_249, %dma_start3A_250, %dma_start3A_251, %dma_start3A_252] : memref<2x16x16x128xf32, #tpu.memory_space<vmem>> -> memref<1x1x16x128xf32, #tpu.memory_space<vmem>>
    %dma_start3A_254 = tpu.memref_squeeze %dma_start3A_253 : memref<1x1x16x128xf32, #tpu.memory_space<vmem>> -> memref<16x128xf32, #tpu.memory_space<vmem>>
    %dma_start3A_255 = arith.constant 0 : i32
    %dma_start3A_256 = tpu.memref_slice %arg2[%dma_start3A_255, %multiple_of3A_248] : memref<16x1000000xf32, #tpu.memory_space<hbm>> -> memref<16x128xf32, #tpu.memory_space<hbm>>
    %dma_start3A_257 = arith.constant 0 : i32
    %dma_start3A_258 = arith.constant 0 : i32
    %dma_start3A_259 = tpu.memref_slice %arg7[%dma_start3A_249, %dma_start3A_250, %dma_start3A_257, %dma_start3A_258] : memref<2x16x16x128xf32, #tpu.memory_space<vmem>> -> memref<1x1x16x128xf32, #tpu.memory_space<vmem>>
    %dma_start3A_260 = tpu.memref_squeeze %dma_start3A_259 : memref<1x1x16x128xf32, #tpu.memory_space<vmem>> -> memref<16x128xf32, #tpu.memory_space<vmem>>
    %dma_start3A_261 = arith.constant 0 : i32
    %dma_start3A_262 = tpu.memref_slice %arg2[%dma_start3A_261, %multiple_of3A_248] : memref<16x1000000xf32, #tpu.memory_space<hbm>> -> memref<16x128xf32, #tpu.memory_space<hbm>>
    tpu.enqueue_dma source(%dma_start3A_262 : memref<16x128xf32, #tpu.memory_space<hbm>>) target(%dma_start3A_260 : memref<16x128xf32, #tpu.memory_space<vmem>>) target_semaphore(%arg10 : memref<!tpu.dma_semaphore, #tpu.memory_space<semaphore_mem>>)
    %slice3A_263 = vector.extract_strided_slice %min3A_10 {offsets = [15], sizes = [1], strides = [1]} : vector<16xi32> to vector<1xi32>
    %squeeze3A_264 = vector.extract %slice3A_263[0] : i32 from vector<1xi32>
    %multiple_of3A_265 = tpu.assume_multiple %squeeze3A_264, 128 : i32
    %dma_start3A_266 = arith.constant 0 : i32
    %dma_start3A_267 = arith.constant 15 : i32
    %dma_start3A_268 = arith.constant 0 : i32
    %dma_start3A_269 = arith.constant 0 : i32
    %dma_start3A_270 = tpu.memref_slice %arg7[%dma_start3A_266, %dma_start3A_267, %dma_start3A_268, %dma_start3A_269] : memref<2x16x16x128xf32, #tpu.memory_space<vmem>> -> memref<1x1x16x128xf32, #tpu.memory_space<vmem>>
    %dma_start3A_271 = tpu.memref_squeeze %dma_start3A_270 : memref<1x1x16x128xf32, #tpu.memory_space<vmem>> -> memref<16x128xf32, #tpu.memory_space<vmem>>
    %dma_start3A_272 = arith.constant 0 : i32
    %dma_start3A_273 = tpu.memref_slice %arg2[%dma_start3A_272, %multiple_of3A_265] : memref<16x1000000xf32, #tpu.memory_space<hbm>> -> memref<16x128xf32, #tpu.memory_space<hbm>>
    %dma_start3A_274 = arith.constant 0 : i32
    %dma_start3A_275 = arith.constant 0 : i32
    %dma_start3A_276 = tpu.memref_slice %arg7[%dma_start3A_266, %dma_start3A_267, %dma_start3A_274, %dma_start3A_275] : memref<2x16x16x128xf32, #tpu.memory_space<vmem>> -> memref<1x1x16x128xf32, #tpu.memory_space<vmem>>
    %dma_start3A_277 = tpu.memref_squeeze %dma_start3A_276 : memref<1x1x16x128xf32, #tpu.memory_space<vmem>> -> memref<16x128xf32, #tpu.memory_space<vmem>>
    %dma_start3A_278 = arith.constant 0 : i32
    %dma_start3A_279 = tpu.memref_slice %arg2[%dma_start3A_278, %multiple_of3A_265] : memref<16x1000000xf32, #tpu.memory_space<hbm>> -> memref<16x128xf32, #tpu.memory_space<hbm>>
    tpu.enqueue_dma source(%dma_start3A_279 : memref<16x128xf32, #tpu.memory_space<hbm>>) target(%dma_start3A_277 : memref<16x128xf32, #tpu.memory_space<vmem>>) target_semaphore(%arg10 : memref<!tpu.dma_semaphore, #tpu.memory_space<semaphore_mem>>)
    %scan3A = arith.constant 0 : i32
    %scan3A_280 = arith.constant 0 : i32
    %scan3A_281 = arith.constant 16 : i32
    %scan3A_282 = arith.addi %scan3A_280, %scan3A_281 : i32
    %scan3A_283 = arith.constant 1 : i32
    scf.for %scan3A_285 = %scan3A_280 to %scan3A_282 step %scan3A_283  : i32 {
      %mul3A_286 = arith.constant 2 : i32
      %mul3A_287 = arith.muli %scan3A_285, %mul3A_286 : i32
      %add3A_288 = arith.constant 1 : i32
      %add3A_289 = arith.addi %mul3A_287, %add3A_288 : i32
      %mul3A_290 = arith.constant 16 : i32
      %mul3A_291 = arith.muli %add3A_289, %mul3A_290 : i32
      %multiple_of3A_292 = tpu.assume_multiple %mul3A_291, 16 : i32
      %get3A_293 = arith.index_cast %multiple_of3A_292 : i32 to index
      %get3A_294 = tpu.vector_load %arg6[%get3A_293] {strides = array<i32>} : memref<512xi32, #tpu.memory_space<vmem>>, vector<16xi32>,
      %shift_right_arithmetic3A_295 = arith.constant 7 : i32
      %shift_right_arithmetic3A_296 = vector.broadcast %shift_right_arithmetic3A_295 : i32 to vector<16xi32>
      %shift_right_arithmetic3A_297 = arith.shrsi %get3A_294, %shift_right_arithmetic3A_296 : vector<16xi32>
      %shift_left3A_298 = arith.constant 7 : i32
      %shift_left3A_299 = vector.broadcast %shift_left3A_298 : i32 to vector<16xi32>
      %shift_left3A_300 = arith.shli %shift_right_arithmetic3A_297, %shift_left3A_299 : vector<16xi32>
      %min3A_301 = arith.constant 999808 : i32
      %min3A_302 = vector.broadcast %min3A_301 : i32 to vector<16xi32>
      %min3A_303 = arith.minsi %shift_left3A_300, %min3A_302 : vector<16xi32>
      %slice3A_304 = vector.extract_strided_slice %min3A_303 {offsets = [0], sizes = [1], strides = [1]} : vector<16xi32> to vector<1xi32>
      %squeeze3A_305 = vector.extract %slice3A_304[0] : i32 from vector<1xi32>
      %multiple_of3A_306 = tpu.assume_multiple %squeeze3A_305, 128 : i32
      %dma_start3A_307 = arith.constant 1 : i32
      %dma_start3A_308 = arith.constant 0 : i32
      %dma_start3A_309 = arith.constant 0 : i32
      %dma_start3A_310 = arith.constant 0 : i32
      %dma_start3A_311 = tpu.memref_slice %arg7[%dma_start3A_307, %dma_start3A_308, %dma_start3A_309, %dma_start3A_310] : memref<2x16x16x128xf32, #tpu.memory_space<vmem>> -> memref<1x1x16x128xf32, #tpu.memory_space<vmem>>
      %dma_start3A_312 = tpu.memref_squeeze %dma_start3A_311 : memref<1x1x16x128xf32, #tpu.memory_space<vmem>> -> memref<16x128xf32, #tpu.memory_space<vmem>>
      %dma_start3A_313 = arith.constant 0 : i32
      %dma_start3A_314 = tpu.memref_slice %arg2[%dma_start3A_313, %multiple_of3A_306] : memref<16x1000000xf32, #tpu.memory_space<hbm>> -> memref<16x128xf32, #tpu.memory_space<hbm>>
      %dma_start3A_315 = arith.constant 0 : i32
      %dma_start3A_316 = arith.constant 0 : i32
      %dma_start3A_317 = tpu.memref_slice %arg7[%dma_start3A_307, %dma_start3A_308, %dma_start3A_315, %dma_start3A_316] : memref<2x16x16x128xf32, #tpu.memory_space<vmem>> -> memref<1x1x16x128xf32, #tpu.memory_space<vmem>>
      %dma_start3A_318 = tpu.memref_squeeze %dma_start3A_317 : memref<1x1x16x128xf32, #tpu.memory_space<vmem>> -> memref<16x128xf32, #tpu.memory_space<vmem>>
      %dma_start3A_319 = arith.constant 0 : i32
      %dma_start3A_320 = tpu.memref_slice %arg2[%dma_start3A_319, %multiple_of3A_306] : memref<16x1000000xf32, #tpu.memory_space<hbm>> -> memref<16x128xf32, #tpu.memory_space<hbm>>
      tpu.enqueue_dma source(%dma_start3A_320 : memref<16x128xf32, #tpu.memory_space<hbm>>) target(%dma_start3A_318 : memref<16x128xf32, #tpu.memory_space<vmem>>) target_semaphore(%arg10 : memref<!tpu.dma_semaphore, #tpu.memory_space<semaphore_mem>>)
      %slice3A_321 = vector.extract_strided_slice %min3A_303 {offsets = [1], sizes = [1], strides = [1]} : vector<16xi32> to vector<1xi32>
      %squeeze3A_322 = vector.extract %slice3A_321[0] : i32 from vector<1xi32>
      %multiple_of3A_323 = tpu.assume_multiple %squeeze3A_322, 128 : i32
      %dma_start3A_324 = arith.constant 1 : i32
      %dma_start3A_325 = arith.constant 1 : i32
      %dma_start3A_326 = arith.constant 0 : i32
      %dma_start3A_327 = arith.constant 0 : i32
      %dma_start3A_328 = tpu.memref_slice %arg7[%dma_start3A_324, %dma_start3A_325, %dma_start3A_326, %dma_start3A_327] : memref<2x16x16x128xf32, #tpu.memory_space<vmem>> -> memref<1x1x16x128xf32, #tpu.memory_space<vmem>>
      %dma_start3A_329 = tpu.memref_squeeze %dma_start3A_328 : memref<1x1x16x128xf32, #tpu.memory_space<vmem>> -> memref<16x128xf32, #tpu.memory_space<vmem>>
      %dma_start3A_330 = arith.constant 0 : i32
      %dma_start3A_331 = tpu.memref_slice %arg2[%dma_start3A_330, %multiple_of3A_323] : memref<16x1000000xf32, #tpu.memory_space<hbm>> -> memref<16x128xf32, #tpu.memory_space<hbm>>
      %dma_start3A_332 = arith.constant 0 : i32
      %dma_start3A_333 = arith.constant 0 : i32
      %dma_start3A_334 = tpu.memref_slice %arg7[%dma_start3A_324, %dma_start3A_325, %dma_start3A_332, %dma_start3A_333] : memref<2x16x16x128xf32, #tpu.memory_space<vmem>> -> memref<1x1x16x128xf32, #tpu.memory_space<vmem>>
      %dma_start3A_335 = tpu.memref_squeeze %dma_start3A_334 : memref<1x1x16x128xf32, #tpu.memory_space<vmem>> -> memref<16x128xf32, #tpu.memory_space<vmem>>
      %dma_start3A_336 = arith.constant 0 : i32
      %dma_start3A_337 = tpu.memref_slice %arg2[%dma_start3A_336, %multiple_of3A_323] : memref<16x1000000xf32, #tpu.memory_space<hbm>> -> memref<16x128xf32, #tpu.memory_space<hbm>>
      tpu.enqueue_dma source(%dma_start3A_337 : memref<16x128xf32, #tpu.memory_space<hbm>>) target(%dma_start3A_335 : memref<16x128xf32, #tpu.memory_space<vmem>>) target_semaphore(%arg10 : memref<!tpu.dma_semaphore, #tpu.memory_space<semaphore_mem>>)
      %slice3A_338 = vector.extract_strided_slice %min3A_303 {offsets = [2], sizes = [1], strides = [1]} : vector<16xi32> to vector<1xi32>
      %squeeze3A_339 = vector.extract %slice3A_338[0] : i32 from vector<1xi32>
      %multiple_of3A_340 = tpu.assume_multiple %squeeze3A_339, 128 : i32
      %dma_start3A_341 = arith.constant 1 : i32
      %dma_start3A_342 = arith.constant 2 : i32
      %dma_start3A_343 = arith.constant 0 : i32
      %dma_start3A_344 = arith.constant 0 : i32
      %dma_start3A_345 = tpu.memref_slice %arg7[%dma_start3A_341, %dma_start3A_342, %dma_start3A_343, %dma_start3A_344] : memref<2x16x16x128xf32, #tpu.memory_space<vmem>> -> memref<1x1x16x128xf32, #tpu.memory_space<vmem>>
      %dma_start3A_346 = tpu.memref_squeeze %dma_start3A_345 : memref<1x1x16x128xf32, #tpu.memory_space<vmem>> -> memref<16x128xf32, #tpu.memory_space<vmem>>
      %dma_start3A_347 = arith.constant 0 : i32
      %dma_start3A_348 = tpu.memref_slice %arg2[%dma_start3A_347, %multiple_of3A_340] : memref<16x1000000xf32, #tpu.memory_space<hbm>> -> memref<16x128xf32, #tpu.memory_space<hbm>>
      %dma_start3A_349 = arith.constant 0 : i32
      %dma_start3A_350 = arith.constant 0 : i32
      %dma_start3A_351 = tpu.memref_slice %arg7[%dma_start3A_341, %dma_start3A_342, %dma_start3A_349, %dma_start3A_350] : memref<2x16x16x128xf32, #tpu.memory_space<vmem>> -> memref<1x1x16x128xf32, #tpu.memory_space<vmem>>
      %dma_start3A_352 = tpu.memref_squeeze %dma_start3A_351 : memref<1x1x16x128xf32, #tpu.memory_space<vmem>> -> memref<16x128xf32, #tpu.memory_space<vmem>>
      %dma_start3A_353 = arith.constant 0 : i32
      %dma_start3A_354 = tpu.memref_slice %arg2[%dma_start3A_353, %multiple_of3A_340] : memref<16x1000000xf32, #tpu.memory_space<hbm>> -> memref<16x128xf32, #tpu.memory_space<hbm>>
      tpu.enqueue_dma source(%dma_start3A_354 : memref<16x128xf32, #tpu.memory_space<hbm>>) target(%dma_start3A_352 : memref<16x128xf32, #tpu.memory_space<vmem>>) target_semaphore(%arg10 : memref<!tpu.dma_semaphore, #tpu.memory_space<semaphore_mem>>)
      %slice3A_355 = vector.extract_strided_slice %min3A_303 {offsets = [3], sizes = [1], strides = [1]} : vector<16xi32> to vector<1xi32>
      %squeeze3A_356 = vector.extract %slice3A_355[0] : i32 from vector<1xi32>
      %multiple_of3A_357 = tpu.assume_multiple %squeeze3A_356, 128 : i32
      %dma_start3A_358 = arith.constant 1 : i32
      %dma_start3A_359 = arith.constant 3 : i32
      %dma_start3A_360 = arith.constant 0 : i32
      %dma_start3A_361 = arith.constant 0 : i32
      %dma_start3A_362 = tpu.memref_slice %arg7[%dma_start3A_358, %dma_start3A_359, %dma_start3A_360, %dma_start3A_361] : memref<2x16x16x128xf32, #tpu.memory_space<vmem>> -> memref<1x1x16x128xf32, #tpu.memory_space<vmem>>
      %dma_start3A_363 = tpu.memref_squeeze %dma_start3A_362 : memref<1x1x16x128xf32, #tpu.memory_space<vmem>> -> memref<16x128xf32, #tpu.memory_space<vmem>>
      %dma_start3A_364 = arith.constant 0 : i32
      %dma_start3A_365 = tpu.memref_slice %arg2[%dma_start3A_364, %multiple_of3A_357] : memref<16x1000000xf32, #tpu.memory_space<hbm>> -> memref<16x128xf32, #tpu.memory_space<hbm>>
      %dma_start3A_366 = arith.constant 0 : i32
      %dma_start3A_367 = arith.constant 0 : i32
      %dma_start3A_368 = tpu.memref_slice %arg7[%dma_start3A_358, %dma_start3A_359, %dma_start3A_366, %dma_start3A_367] : memref<2x16x16x128xf32, #tpu.memory_space<vmem>> -> memref<1x1x16x128xf32, #tpu.memory_space<vmem>>
      %dma_start3A_369 = tpu.memref_squeeze %dma_start3A_368 : memref<1x1x16x128xf32, #tpu.memory_space<vmem>> -> memref<16x128xf32, #tpu.memory_space<vmem>>
      %dma_start3A_370 = arith.constant 0 : i32
      %dma_start3A_371 = tpu.memref_slice %arg2[%dma_start3A_370, %multiple_of3A_357] : memref<16x1000000xf32, #tpu.memory_space<hbm>> -> memref<16x128xf32, #tpu.memory_space<hbm>>
      tpu.enqueue_dma source(%dma_start3A_371 : memref<16x128xf32, #tpu.memory_space<hbm>>) target(%dma_start3A_369 : memref<16x128xf32, #tpu.memory_space<vmem>>) target_semaphore(%arg10 : memref<!tpu.dma_semaphore, #tpu.memory_space<semaphore_mem>>)
      %slice3A_372 = vector.extract_strided_slice %min3A_303 {offsets = [4], sizes = [1], strides = [1]} : vector<16xi32> to vector<1xi32>
      %squeeze3A_373 = vector.extract %slice3A_372[0] : i32 from vector<1xi32>
      %multiple_of3A_374 = tpu.assume_multiple %squeeze3A_373, 128 : i32
      %dma_start3A_375 = arith.constant 1 : i32
      %dma_start3A_376 = arith.constant 4 : i32
      %dma_start3A_377 = arith.constant 0 : i32
      %dma_start3A_378 = arith.constant 0 : i32
      %dma_start3A_379 = tpu.memref_slice %arg7[%dma_start3A_375, %dma_start3A_376, %dma_start3A_377, %dma_start3A_378] : memref<2x16x16x128xf32, #tpu.memory_space<vmem>> -> memref<1x1x16x128xf32, #tpu.memory_space<vmem>>
      %dma_start3A_380 = tpu.memref_squeeze %dma_start3A_379 : memref<1x1x16x128xf32, #tpu.memory_space<vmem>> -> memref<16x128xf32, #tpu.memory_space<vmem>>
      %dma_start3A_381 = arith.constant 0 : i32
      %dma_start3A_382 = tpu.memref_slice %arg2[%dma_start3A_381, %multiple_of3A_374] : memref<16x1000000xf32, #tpu.memory_space<hbm>> -> memref<16x128xf32, #tpu.memory_space<hbm>>
      %dma_start3A_383 = arith.constant 0 : i32
      %dma_start3A_384 = arith.constant 0 : i32
      %dma_start3A_385 = tpu.memref_slice %arg7[%dma_start3A_375, %dma_start3A_376, %dma_start3A_383, %dma_start3A_384] : memref<2x16x16x128xf32, #tpu.memory_space<vmem>> -> memref<1x1x16x128xf32, #tpu.memory_space<vmem>>
      %dma_start3A_386 = tpu.memref_squeeze %dma_start3A_385 : memref<1x1x16x128xf32, #tpu.memory_space<vmem>> -> memref<16x128xf32, #tpu.memory_space<vmem>>
      %dma_start3A_387 = arith.constant 0 : i32
      %dma_start3A_388 = tpu.memref_slice %arg2[%dma_start3A_387, %multiple_of3A_374] : memref<16x1000000xf32, #tpu.memory_space<hbm>> -> memref<16x128xf32, #tpu.memory_space<hbm>>
      tpu.enqueue_dma source(%dma_start3A_388 : memref<16x128xf32, #tpu.memory_space<hbm>>) target(%dma_start3A_386 : memref<16x128xf32, #tpu.memory_space<vmem>>) target_semaphore(%arg10 : memref<!tpu.dma_semaphore, #tpu.memory_space<semaphore_mem>>)
      %slice3A_389 = vector.extract_strided_slice %min3A_303 {offsets = [5], sizes = [1], strides = [1]} : vector<16xi32> to vector<1xi32>
      %squeeze3A_390 = vector.extract %slice3A_389[0] : i32 from vector<1xi32>
      %multiple_of3A_391 = tpu.assume_multiple %squeeze3A_390, 128 : i32
      %dma_start3A_392 = arith.constant 1 : i32
      %dma_start3A_393 = arith.constant 5 : i32
      %dma_start3A_394 = arith.constant 0 : i32
      %dma_start3A_395 = arith.constant 0 : i32
      %dma_start3A_396 = tpu.memref_slice %arg7[%dma_start3A_392, %dma_start3A_393, %dma_start3A_394, %dma_start3A_395] : memref<2x16x16x128xf32, #tpu.memory_space<vmem>> -> memref<1x1x16x128xf32, #tpu.memory_space<vmem>>
      %dma_start3A_397 = tpu.memref_squeeze %dma_start3A_396 : memref<1x1x16x128xf32, #tpu.memory_space<vmem>> -> memref<16x128xf32, #tpu.memory_space<vmem>>
      %dma_start3A_398 = arith.constant 0 : i32
      %dma_start3A_399 = tpu.memref_slice %arg2[%dma_start3A_398, %multiple_of3A_391] : memref<16x1000000xf32, #tpu.memory_space<hbm>> -> memref<16x128xf32, #tpu.memory_space<hbm>>
      %dma_start3A_400 = arith.constant 0 : i32
      %dma_start3A_401 = arith.constant 0 : i32
      %dma_start3A_402 = tpu.memref_slice %arg7[%dma_start3A_392, %dma_start3A_393, %dma_start3A_400, %dma_start3A_401] : memref<2x16x16x128xf32, #tpu.memory_space<vmem>> -> memref<1x1x16x128xf32, #tpu.memory_space<vmem>>
      %dma_start3A_403 = tpu.memref_squeeze %dma_start3A_402 : memref<1x1x16x128xf32, #tpu.memory_space<vmem>> -> memref<16x128xf32, #tpu.memory_space<vmem>>
      %dma_start3A_404 = arith.constant 0 : i32
      %dma_start3A_405 = tpu.memref_slice %arg2[%dma_start3A_404, %multiple_of3A_391] : memref<16x1000000xf32, #tpu.memory_space<hbm>> -> memref<16x128xf32, #tpu.memory_space<hbm>>
      tpu.enqueue_dma source(%dma_start3A_405 : memref<16x128xf32, #tpu.memory_space<hbm>>) target(%dma_start3A_403 : memref<16x128xf32, #tpu.memory_space<vmem>>) target_semaphore(%arg10 : memref<!tpu.dma_semaphore, #tpu.memory_space<semaphore_mem>>)
      %slice3A_406 = vector.extract_strided_slice %min3A_303 {offsets = [6], sizes = [1], strides = [1]} : vector<16xi32> to vector<1xi32>
      %squeeze3A_407 = vector.extract %slice3A_406[0] : i32 from vector<1xi32>
      %multiple_of3A_408 = tpu.assume_multiple %squeeze3A_407, 128 : i32
      %dma_start3A_409 = arith.constant 1 : i32
      %dma_start3A_410 = arith.constant 6 : i32
      %dma_start3A_411 = arith.constant 0 : i32
      %dma_start3A_412 = arith.constant 0 : i32
      %dma_start3A_413 = tpu.memref_slice %arg7[%dma_start3A_409, %dma_start3A_410, %dma_start3A_411, %dma_start3A_412] : memref<2x16x16x128xf32, #tpu.memory_space<vmem>> -> memref<1x1x16x128xf32, #tpu.memory_space<vmem>>
      %dma_start3A_414 = tpu.memref_squeeze %dma_start3A_413 : memref<1x1x16x128xf32, #tpu.memory_space<vmem>> -> memref<16x128xf32, #tpu.memory_space<vmem>>
      %dma_start3A_415 = arith.constant 0 : i32
      %dma_start3A_416 = tpu.memref_slice %arg2[%dma_start3A_415, %multiple_of3A_408] : memref<16x1000000xf32, #tpu.memory_space<hbm>> -> memref<16x128xf32, #tpu.memory_space<hbm>>
      %dma_start3A_417 = arith.constant 0 : i32
      %dma_start3A_418 = arith.constant 0 : i32
      %dma_start3A_419 = tpu.memref_slice %arg7[%dma_start3A_409, %dma_start3A_410, %dma_start3A_417, %dma_start3A_418] : memref<2x16x16x128xf32, #tpu.memory_space<vmem>> -> memref<1x1x16x128xf32, #tpu.memory_space<vmem>>
      %dma_start3A_420 = tpu.memref_squeeze %dma_start3A_419 : memref<1x1x16x128xf32, #tpu.memory_space<vmem>> -> memref<16x128xf32, #tpu.memory_space<vmem>>
      %dma_start3A_421 = arith.constant 0 : i32
      %dma_start3A_422 = tpu.memref_slice %arg2[%dma_start3A_421, %multiple_of3A_408] : memref<16x1000000xf32, #tpu.memory_space<hbm>> -> memref<16x128xf32, #tpu.memory_space<hbm>>
      tpu.enqueue_dma source(%dma_start3A_422 : memref<16x128xf32, #tpu.memory_space<hbm>>) target(%dma_start3A_420 : memref<16x128xf32, #tpu.memory_space<vmem>>) target_semaphore(%arg10 : memref<!tpu.dma_semaphore, #tpu.memory_space<semaphore_mem>>)
      %slice3A_423 = vector.extract_strided_slice %min3A_303 {offsets = [7], sizes = [1], strides = [1]} : vector<16xi32> to vector<1xi32>
      %squeeze3A_424 = vector.extract %slice3A_423[0] : i32 from vector<1xi32>
      %multiple_of3A_425 = tpu.assume_multiple %squeeze3A_424, 128 : i32
      %dma_start3A_426 = arith.constant 1 : i32
      %dma_start3A_427 = arith.constant 7 : i32
      %dma_start3A_428 = arith.constant 0 : i32
      %dma_start3A_429 = arith.constant 0 : i32
      %dma_start3A_430 = tpu.memref_slice %arg7[%dma_start3A_426, %dma_start3A_427, %dma_start3A_428, %dma_start3A_429] : memref<2x16x16x128xf32, #tpu.memory_space<vmem>> -> memref<1x1x16x128xf32, #tpu.memory_space<vmem>>
      %dma_start3A_431 = tpu.memref_squeeze %dma_start3A_430 : memref<1x1x16x128xf32, #tpu.memory_space<vmem>> -> memref<16x128xf32, #tpu.memory_space<vmem>>
      %dma_start3A_432 = arith.constant 0 : i32
      %dma_start3A_433 = tpu.memref_slice %arg2[%dma_start3A_432, %multiple_of3A_425] : memref<16x1000000xf32, #tpu.memory_space<hbm>> -> memref<16x128xf32, #tpu.memory_space<hbm>>
      %dma_start3A_434 = arith.constant 0 : i32
      %dma_start3A_435 = arith.constant 0 : i32
      %dma_start3A_436 = tpu.memref_slice %arg7[%dma_start3A_426, %dma_start3A_427, %dma_start3A_434, %dma_start3A_435] : memref<2x16x16x128xf32, #tpu.memory_space<vmem>> -> memref<1x1x16x128xf32, #tpu.memory_space<vmem>>
      %dma_start3A_437 = tpu.memref_squeeze %dma_start3A_436 : memref<1x1x16x128xf32, #tpu.memory_space<vmem>> -> memref<16x128xf32, #tpu.memory_space<vmem>>
      %dma_start3A_438 = arith.constant 0 : i32
      %dma_start3A_439 = tpu.memref_slice %arg2[%dma_start3A_438, %multiple_of3A_425] : memref<16x1000000xf32, #tpu.memory_space<hbm>> -> memref<16x128xf32, #tpu.memory_space<hbm>>
      tpu.enqueue_dma source(%dma_start3A_439 : memref<16x128xf32, #tpu.memory_space<hbm>>) target(%dma_start3A_437 : memref<16x128xf32, #tpu.memory_space<vmem>>) target_semaphore(%arg10 : memref<!tpu.dma_semaphore, #tpu.memory_space<semaphore_mem>>)
      %slice3A_440 = vector.extract_strided_slice %min3A_303 {offsets = [8], sizes = [1], strides = [1]} : vector<16xi32> to vector<1xi32>
      %squeeze3A_441 = vector.extract %slice3A_440[0] : i32 from vector<1xi32>
      %multiple_of3A_442 = tpu.assume_multiple %squeeze3A_441, 128 : i32
      %dma_start3A_443 = arith.constant 1 : i32
      %dma_start3A_444 = arith.constant 8 : i32
      %dma_start3A_445 = arith.constant 0 : i32
      %dma_start3A_446 = arith.constant 0 : i32
      %dma_start3A_447 = tpu.memref_slice %arg7[%dma_start3A_443, %dma_start3A_444, %dma_start3A_445, %dma_start3A_446] : memref<2x16x16x128xf32, #tpu.memory_space<vmem>> -> memref<1x1x16x128xf32, #tpu.memory_space<vmem>>
      %dma_start3A_448 = tpu.memref_squeeze %dma_start3A_447 : memref<1x1x16x128xf32, #tpu.memory_space<vmem>> -> memref<16x128xf32, #tpu.memory_space<vmem>>
      %dma_start3A_449 = arith.constant 0 : i32
      %dma_start3A_450 = tpu.memref_slice %arg2[%dma_start3A_449, %multiple_of3A_442] : memref<16x1000000xf32, #tpu.memory_space<hbm>> -> memref<16x128xf32, #tpu.memory_space<hbm>>
      %dma_start3A_451 = arith.constant 0 : i32
      %dma_start3A_452 = arith.constant 0 : i32
      %dma_start3A_453 = tpu.memref_slice %arg7[%dma_start3A_443, %dma_start3A_444, %dma_start3A_451, %dma_start3A_452] : memref<2x16x16x128xf32, #tpu.memory_space<vmem>> -> memref<1x1x16x128xf32, #tpu.memory_space<vmem>>
      %dma_start3A_454 = tpu.memref_squeeze %dma_start3A_453 : memref<1x1x16x128xf32, #tpu.memory_space<vmem>> -> memref<16x128xf32, #tpu.memory_space<vmem>>
      %dma_start3A_455 = arith.constant 0 : i32
      %dma_start3A_456 = tpu.memref_slice %arg2[%dma_start3A_455, %multiple_of3A_442] : memref<16x1000000xf32, #tpu.memory_space<hbm>> -> memref<16x128xf32, #tpu.memory_space<hbm>>
      tpu.enqueue_dma source(%dma_start3A_456 : memref<16x128xf32, #tpu.memory_space<hbm>>) target(%dma_start3A_454 : memref<16x128xf32, #tpu.memory_space<vmem>>) target_semaphore(%arg10 : memref<!tpu.dma_semaphore, #tpu.memory_space<semaphore_mem>>)
      %slice3A_457 = vector.extract_strided_slice %min3A_303 {offsets = [9], sizes = [1], strides = [1]} : vector<16xi32> to vector<1xi32>
      %squeeze3A_458 = vector.extract %slice3A_457[0] : i32 from vector<1xi32>
      %multiple_of3A_459 = tpu.assume_multiple %squeeze3A_458, 128 : i32
      %dma_start3A_460 = arith.constant 1 : i32
      %dma_start3A_461 = arith.constant 9 : i32
      %dma_start3A_462 = arith.constant 0 : i32
      %dma_start3A_463 = arith.constant 0 : i32
      %dma_start3A_464 = tpu.memref_slice %arg7[%dma_start3A_460, %dma_start3A_461, %dma_start3A_462, %dma_start3A_463] : memref<2x16x16x128xf32, #tpu.memory_space<vmem>> -> memref<1x1x16x128xf32, #tpu.memory_space<vmem>>
      %dma_start3A_465 = tpu.memref_squeeze %dma_start3A_464 : memref<1x1x16x128xf32, #tpu.memory_space<vmem>> -> memref<16x128xf32, #tpu.memory_space<vmem>>
      %dma_start3A_466 = arith.constant 0 : i32
      %dma_start3A_467 = tpu.memref_slice %arg2[%dma_start3A_466, %multiple_of3A_459] : memref<16x1000000xf32, #tpu.memory_space<hbm>> -> memref<16x128xf32, #tpu.memory_space<hbm>>
      %dma_start3A_468 = arith.constant 0 : i32
      %dma_start3A_469 = arith.constant 0 : i32
      %dma_start3A_470 = tpu.memref_slice %arg7[%dma_start3A_460, %dma_start3A_461, %dma_start3A_468, %dma_start3A_469] : memref<2x16x16x128xf32, #tpu.memory_space<vmem>> -> memref<1x1x16x128xf32, #tpu.memory_space<vmem>>
      %dma_start3A_471 = tpu.memref_squeeze %dma_start3A_470 : memref<1x1x16x128xf32, #tpu.memory_space<vmem>> -> memref<16x128xf32, #tpu.memory_space<vmem>>
      %dma_start3A_472 = arith.constant 0 : i32
      %dma_start3A_473 = tpu.memref_slice %arg2[%dma_start3A_472, %multiple_of3A_459] : memref<16x1000000xf32, #tpu.memory_space<hbm>> -> memref<16x128xf32, #tpu.memory_space<hbm>>
      tpu.enqueue_dma source(%dma_start3A_473 : memref<16x128xf32, #tpu.memory_space<hbm>>) target(%dma_start3A_471 : memref<16x128xf32, #tpu.memory_space<vmem>>) target_semaphore(%arg10 : memref<!tpu.dma_semaphore, #tpu.memory_space<semaphore_mem>>)
      %slice3A_474 = vector.extract_strided_slice %min3A_303 {offsets = [10], sizes = [1], strides = [1]} : vector<16xi32> to vector<1xi32>
      %squeeze3A_475 = vector.extract %slice3A_474[0] : i32 from vector<1xi32>
      %multiple_of3A_476 = tpu.assume_multiple %squeeze3A_475, 128 : i32
      %dma_start3A_477 = arith.constant 1 : i32
      %dma_start3A_478 = arith.constant 10 : i32
      %dma_start3A_479 = arith.constant 0 : i32
      %dma_start3A_480 = arith.constant 0 : i32
      %dma_start3A_481 = tpu.memref_slice %arg7[%dma_start3A_477, %dma_start3A_478, %dma_start3A_479, %dma_start3A_480] : memref<2x16x16x128xf32, #tpu.memory_space<vmem>> -> memref<1x1x16x128xf32, #tpu.memory_space<vmem>>
      %dma_start3A_482 = tpu.memref_squeeze %dma_start3A_481 : memref<1x1x16x128xf32, #tpu.memory_space<vmem>> -> memref<16x128xf32, #tpu.memory_space<vmem>>
      %dma_start3A_483 = arith.constant 0 : i32
      %dma_start3A_484 = tpu.memref_slice %arg2[%dma_start3A_483, %multiple_of3A_476] : memref<16x1000000xf32, #tpu.memory_space<hbm>> -> memref<16x128xf32, #tpu.memory_space<hbm>>
      %dma_start3A_485 = arith.constant 0 : i32
      %dma_start3A_486 = arith.constant 0 : i32
      %dma_start3A_487 = tpu.memref_slice %arg7[%dma_start3A_477, %dma_start3A_478, %dma_start3A_485, %dma_start3A_486] : memref<2x16x16x128xf32, #tpu.memory_space<vmem>> -> memref<1x1x16x128xf32, #tpu.memory_space<vmem>>
      %dma_start3A_488 = tpu.memref_squeeze %dma_start3A_487 : memref<1x1x16x128xf32, #tpu.memory_space<vmem>> -> memref<16x128xf32, #tpu.memory_space<vmem>>
      %dma_start3A_489 = arith.constant 0 : i32
      %dma_start3A_490 = tpu.memref_slice %arg2[%dma_start3A_489, %multiple_of3A_476] : memref<16x1000000xf32, #tpu.memory_space<hbm>> -> memref<16x128xf32, #tpu.memory_space<hbm>>
      tpu.enqueue_dma source(%dma_start3A_490 : memref<16x128xf32, #tpu.memory_space<hbm>>) target(%dma_start3A_488 : memref<16x128xf32, #tpu.memory_space<vmem>>) target_semaphore(%arg10 : memref<!tpu.dma_semaphore, #tpu.memory_space<semaphore_mem>>)
      %slice3A_491 = vector.extract_strided_slice %min3A_303 {offsets = [11], sizes = [1], strides = [1]} : vector<16xi32> to vector<1xi32>
      %squeeze3A_492 = vector.extract %slice3A_491[0] : i32 from vector<1xi32>
      %multiple_of3A_493 = tpu.assume_multiple %squeeze3A_492, 128 : i32
      %dma_start3A_494 = arith.constant 1 : i32
      %dma_start3A_495 = arith.constant 11 : i32
      %dma_start3A_496 = arith.constant 0 : i32
      %dma_start3A_497 = arith.constant 0 : i32
      %dma_start3A_498 = tpu.memref_slice %arg7[%dma_start3A_494, %dma_start3A_495, %dma_start3A_496, %dma_start3A_497] : memref<2x16x16x128xf32, #tpu.memory_space<vmem>> -> memref<1x1x16x128xf32, #tpu.memory_space<vmem>>
      %dma_start3A_499 = tpu.memref_squeeze %dma_start3A_498 : memref<1x1x16x128xf32, #tpu.memory_space<vmem>> -> memref<16x128xf32, #tpu.memory_space<vmem>>
      %dma_start3A_500 = arith.constant 0 : i32
      %dma_start3A_501 = tpu.memref_slice %arg2[%dma_start3A_500, %multiple_of3A_493] : memref<16x1000000xf32, #tpu.memory_space<hbm>> -> memref<16x128xf32, #tpu.memory_space<hbm>>
      %dma_start3A_502 = arith.constant 0 : i32
      %dma_start3A_503 = arith.constant 0 : i32
      %dma_start3A_504 = tpu.memref_slice %arg7[%dma_start3A_494, %dma_start3A_495, %dma_start3A_502, %dma_start3A_503] : memref<2x16x16x128xf32, #tpu.memory_space<vmem>> -> memref<1x1x16x128xf32, #tpu.memory_space<vmem>>
      %dma_start3A_505 = tpu.memref_squeeze %dma_start3A_504 : memref<1x1x16x128xf32, #tpu.memory_space<vmem>> -> memref<16x128xf32, #tpu.memory_space<vmem>>
      %dma_start3A_506 = arith.constant 0 : i32
      %dma_start3A_507 = tpu.memref_slice %arg2[%dma_start3A_506, %multiple_of3A_493] : memref<16x1000000xf32, #tpu.memory_space<hbm>> -> memref<16x128xf32, #tpu.memory_space<hbm>>
      tpu.enqueue_dma source(%dma_start3A_507 : memref<16x128xf32, #tpu.memory_space<hbm>>) target(%dma_start3A_505 : memref<16x128xf32, #tpu.memory_space<vmem>>) target_semaphore(%arg10 : memref<!tpu.dma_semaphore, #tpu.memory_space<semaphore_mem>>)
      %slice3A_508 = vector.extract_strided_slice %min3A_303 {offsets = [12], sizes = [1], strides = [1]} : vector<16xi32> to vector<1xi32>
      %squeeze3A_509 = vector.extract %slice3A_508[0] : i32 from vector<1xi32>
      %multiple_of3A_510 = tpu.assume_multiple %squeeze3A_509, 128 : i32
      %dma_start3A_511 = arith.constant 1 : i32
      %dma_start3A_512 = arith.constant 12 : i32
      %dma_start3A_513 = arith.constant 0 : i32
      %dma_start3A_514 = arith.constant 0 : i32
      %dma_start3A_515 = tpu.memref_slice %arg7[%dma_start3A_511, %dma_start3A_512, %dma_start3A_513, %dma_start3A_514] : memref<2x16x16x128xf32, #tpu.memory_space<vmem>> -> memref<1x1x16x128xf32, #tpu.memory_space<vmem>>
      %dma_start3A_516 = tpu.memref_squeeze %dma_start3A_515 : memref<1x1x16x128xf32, #tpu.memory_space<vmem>> -> memref<16x128xf32, #tpu.memory_space<vmem>>
      %dma_start3A_517 = arith.constant 0 : i32
      %dma_start3A_518 = tpu.memref_slice %arg2[%dma_start3A_517, %multiple_of3A_510] : memref<16x1000000xf32, #tpu.memory_space<hbm>> -> memref<16x128xf32, #tpu.memory_space<hbm>>
      %dma_start3A_519 = arith.constant 0 : i32
      %dma_start3A_520 = arith.constant 0 : i32
      %dma_start3A_521 = tpu.memref_slice %arg7[%dma_start3A_511, %dma_start3A_512, %dma_start3A_519, %dma_start3A_520] : memref<2x16x16x128xf32, #tpu.memory_space<vmem>> -> memref<1x1x16x128xf32, #tpu.memory_space<vmem>>
      %dma_start3A_522 = tpu.memref_squeeze %dma_start3A_521 : memref<1x1x16x128xf32, #tpu.memory_space<vmem>> -> memref<16x128xf32, #tpu.memory_space<vmem>>
      %dma_start3A_523 = arith.constant 0 : i32
      %dma_start3A_524 = tpu.memref_slice %arg2[%dma_start3A_523, %multiple_of3A_510] : memref<16x1000000xf32, #tpu.memory_space<hbm>> -> memref<16x128xf32, #tpu.memory_space<hbm>>
      tpu.enqueue_dma source(%dma_start3A_524 : memref<16x128xf32, #tpu.memory_space<hbm>>) target(%dma_start3A_522 : memref<16x128xf32, #tpu.memory_space<vmem>>) target_semaphore(%arg10 : memref<!tpu.dma_semaphore, #tpu.memory_space<semaphore_mem>>)
      %slice3A_525 = vector.extract_strided_slice %min3A_303 {offsets = [13], sizes = [1], strides = [1]} : vector<16xi32> to vector<1xi32>
      %squeeze3A_526 = vector.extract %slice3A_525[0] : i32 from vector<1xi32>
      %multiple_of3A_527 = tpu.assume_multiple %squeeze3A_526, 128 : i32
      %dma_start3A_528 = arith.constant 1 : i32
      %dma_start3A_529 = arith.constant 13 : i32
      %dma_start3A_530 = arith.constant 0 : i32
      %dma_start3A_531 = arith.constant 0 : i32
      %dma_start3A_532 = tpu.memref_slice %arg7[%dma_start3A_528, %dma_start3A_529, %dma_start3A_530, %dma_start3A_531] : memref<2x16x16x128xf32, #tpu.memory_space<vmem>> -> memref<1x1x16x128xf32, #tpu.memory_space<vmem>>
      %dma_start3A_533 = tpu.memref_squeeze %dma_start3A_532 : memref<1x1x16x128xf32, #tpu.memory_space<vmem>> -> memref<16x128xf32, #tpu.memory_space<vmem>>
      %dma_start3A_534 = arith.constant 0 : i32
      %dma_start3A_535 = tpu.memref_slice %arg2[%dma_start3A_534, %multiple_of3A_527] : memref<16x1000000xf32, #tpu.memory_space<hbm>> -> memref<16x128xf32, #tpu.memory_space<hbm>>
      %dma_start3A_536 = arith.constant 0 : i32
      %dma_start3A_537 = arith.constant 0 : i32
      %dma_start3A_538 = tpu.memref_slice %arg7[%dma_start3A_528, %dma_start3A_529, %dma_start3A_536, %dma_start3A_537] : memref<2x16x16x128xf32, #tpu.memory_space<vmem>> -> memref<1x1x16x128xf32, #tpu.memory_space<vmem>>
      %dma_start3A_539 = tpu.memref_squeeze %dma_start3A_538 : memref<1x1x16x128xf32, #tpu.memory_space<vmem>> -> memref<16x128xf32, #tpu.memory_space<vmem>>
      %dma_start3A_540 = arith.constant 0 : i32
      %dma_start3A_541 = tpu.memref_slice %arg2[%dma_start3A_540, %multiple_of3A_527] : memref<16x1000000xf32, #tpu.memory_space<hbm>> -> memref<16x128xf32, #tpu.memory_space<hbm>>
      tpu.enqueue_dma source(%dma_start3A_541 : memref<16x128xf32, #tpu.memory_space<hbm>>) target(%dma_start3A_539 : memref<16x128xf32, #tpu.memory_space<vmem>>) target_semaphore(%arg10 : memref<!tpu.dma_semaphore, #tpu.memory_space<semaphore_mem>>)
      %slice3A_542 = vector.extract_strided_slice %min3A_303 {offsets = [14], sizes = [1], strides = [1]} : vector<16xi32> to vector<1xi32>
      %squeeze3A_543 = vector.extract %slice3A_542[0] : i32 from vector<1xi32>
      %multiple_of3A_544 = tpu.assume_multiple %squeeze3A_543, 128 : i32
      %dma_start3A_545 = arith.constant 1 : i32
      %dma_start3A_546 = arith.constant 14 : i32
      %dma_start3A_547 = arith.constant 0 : i32
      %dma_start3A_548 = arith.constant 0 : i32
      %dma_start3A_549 = tpu.memref_slice %arg7[%dma_start3A_545, %dma_start3A_546, %dma_start3A_547, %dma_start3A_548] : memref<2x16x16x128xf32, #tpu.memory_space<vmem>> -> memref<1x1x16x128xf32, #tpu.memory_space<vmem>>
      %dma_start3A_550 = tpu.memref_squeeze %dma_start3A_549 : memref<1x1x16x128xf32, #tpu.memory_space<vmem>> -> memref<16x128xf32, #tpu.memory_space<vmem>>
      %dma_start3A_551 = arith.constant 0 : i32
      %dma_start3A_552 = tpu.memref_slice %arg2[%dma_start3A_551, %multiple_of3A_544] : memref<16x1000000xf32, #tpu.memory_space<hbm>> -> memref<16x128xf32, #tpu.memory_space<hbm>>
      %dma_start3A_553 = arith.constant 0 : i32
      %dma_start3A_554 = arith.constant 0 : i32
      %dma_start3A_555 = tpu.memref_slice %arg7[%dma_start3A_545, %dma_start3A_546, %dma_start3A_553, %dma_start3A_554] : memref<2x16x16x128xf32, #tpu.memory_space<vmem>> -> memref<1x1x16x128xf32, #tpu.memory_space<vmem>>
      %dma_start3A_556 = tpu.memref_squeeze %dma_start3A_555 : memref<1x1x16x128xf32, #tpu.memory_space<vmem>> -> memref<16x128xf32, #tpu.memory_space<vmem>>
      %dma_start3A_557 = arith.constant 0 : i32
      %dma_start3A_558 = tpu.memref_slice %arg2[%dma_start3A_557, %multiple_of3A_544] : memref<16x1000000xf32, #tpu.memory_space<hbm>> -> memref<16x128xf32, #tpu.memory_space<hbm>>
      tpu.enqueue_dma source(%dma_start3A_558 : memref<16x128xf32, #tpu.memory_space<hbm>>) target(%dma_start3A_556 : memref<16x128xf32, #tpu.memory_space<vmem>>) target_semaphore(%arg10 : memref<!tpu.dma_semaphore, #tpu.memory_space<semaphore_mem>>)
      %slice3A_559 = vector.extract_strided_slice %min3A_303 {offsets = [15], sizes = [1], strides = [1]} : vector<16xi32> to vector<1xi32>
      %squeeze3A_560 = vector.extract %slice3A_559[0] : i32 from vector<1xi32>
      %multiple_of3A_561 = tpu.assume_multiple %squeeze3A_560, 128 : i32
      %dma_start3A_562 = arith.constant 1 : i32
      %dma_start3A_563 = arith.constant 15 : i32
      %dma_start3A_564 = arith.constant 0 : i32
      %dma_start3A_565 = arith.constant 0 : i32
      %dma_start3A_566 = tpu.memref_slice %arg7[%dma_start3A_562, %dma_start3A_563, %dma_start3A_564, %dma_start3A_565] : memref<2x16x16x128xf32, #tpu.memory_space<vmem>> -> memref<1x1x16x128xf32, #tpu.memory_space<vmem>>
      %dma_start3A_567 = tpu.memref_squeeze %dma_start3A_566 : memref<1x1x16x128xf32, #tpu.memory_space<vmem>> -> memref<16x128xf32, #tpu.memory_space<vmem>>
      %dma_start3A_568 = arith.constant 0 : i32
      %dma_start3A_569 = tpu.memref_slice %arg2[%dma_start3A_568, %multiple_of3A_561] : memref<16x1000000xf32, #tpu.memory_space<hbm>> -> memref<16x128xf32, #tpu.memory_space<hbm>>
      %dma_start3A_570 = arith.constant 0 : i32
      %dma_start3A_571 = arith.constant 0 : i32
      %dma_start3A_572 = tpu.memref_slice %arg7[%dma_start3A_562, %dma_start3A_563, %dma_start3A_570, %dma_start3A_571] : memref<2x16x16x128xf32, #tpu.memory_space<vmem>> -> memref<1x1x16x128xf32, #tpu.memory_space<vmem>>
      %dma_start3A_573 = tpu.memref_squeeze %dma_start3A_572 : memref<1x1x16x128xf32, #tpu.memory_space<vmem>> -> memref<16x128xf32, #tpu.memory_space<vmem>>
      %dma_start3A_574 = arith.constant 0 : i32
      %dma_start3A_575 = tpu.memref_slice %arg2[%dma_start3A_574, %multiple_of3A_561] : memref<16x1000000xf32, #tpu.memory_space<hbm>> -> memref<16x128xf32, #tpu.memory_space<hbm>>
      tpu.enqueue_dma source(%dma_start3A_575 : memref<16x128xf32, #tpu.memory_space<hbm>>) target(%dma_start3A_573 : memref<16x128xf32, #tpu.memory_space<vmem>>) target_semaphore(%arg10 : memref<!tpu.dma_semaphore, #tpu.memory_space<semaphore_mem>>)
      %mul3A_576 = arith.constant 16 : i32
      %mul3A_577 = arith.muli %mul3A_287, %mul3A_576 : i32
      %multiple_of3A_578 = tpu.assume_multiple %mul3A_577, 16 : i32
      %get3A_579 = arith.index_cast %multiple_of3A_578 : i32 to index
      %get3A_580 = tpu.vector_load %arg6[%get3A_579] {strides = array<i32>} : memref<512xi32, #tpu.memory_space<vmem>>, vector<16xi32>,
      %shift_right_arithmetic3A_581 = arith.constant 7 : i32
      %shift_right_arithmetic3A_582 = vector.broadcast %shift_right_arithmetic3A_581 : i32 to vector<16xi32>
      %shift_right_arithmetic3A_583 = arith.shrsi %get3A_580, %shift_right_arithmetic3A_582 : vector<16xi32>
      %shift_left3A_584 = arith.constant 7 : i32
      %shift_left3A_585 = vector.broadcast %shift_left3A_584 : i32 to vector<16xi32>
      %shift_left3A_586 = arith.shli %shift_right_arithmetic3A_583, %shift_left3A_585 : vector<16xi32>
      %min3A_587 = arith.constant 999808 : i32
      %min3A_588 = vector.broadcast %min3A_587 : i32 to vector<16xi32>
      %min3A_589 = arith.minsi %shift_left3A_586, %min3A_588 : vector<16xi32>
      %sub3A = arith.subi %get3A_580, %min3A_589 : vector<16xi32>
      %min3A_590 = arith.constant 127 : i32
      %min3A_591 = vector.broadcast %min3A_590 : i32 to vector<16xi32>
      %min3A_592 = arith.minsi %sub3A, %min3A_591 : vector<16xi32>
      %sub3A_593 = arith.constant 999872 : i32
      %sub3A_594 = vector.broadcast %sub3A_593 : i32 to vector<16xi32>
      %sub3A_595 = arith.subi %get3A_580, %sub3A_594 : vector<16xi32>
      %jit3A = arith.constant 0 : i32
      %jit3A_596 = arith.constant 127 : i32
      %max3A = vector.broadcast %jit3A : i32 to vector<16xi32>
      %max3A_597 = arith.maxsi %max3A, %sub3A_595 : vector<16xi32>
      %min3A_598 = vector.broadcast %jit3A_596 : i32 to vector<16xi32>
      %min3A_599 = arith.minsi %min3A_598, %max3A_597 : vector<16xi32>
      %dma_wait3A = arith.constant 0 : i32
      %dma_wait3A_600 = arith.constant 0 : i32
      %dma_wait3A_601 = arith.constant 0 : i32
      %dma_wait3A_602 = arith.constant 0 : i32
      %dma_wait3A_603 = tpu.memref_slice %arg7[%dma_wait3A, %dma_wait3A_600, %dma_wait3A_601, %dma_wait3A_602] : memref<2x16x16x128xf32, #tpu.memory_space<vmem>> -> memref<1x1x16x128xf32, #tpu.memory_space<vmem>>
      %dma_wait3A_604 = tpu.memref_squeeze %dma_wait3A_603 : memref<1x1x16x128xf32, #tpu.memory_space<vmem>> -> memref<16x128xf32, #tpu.memory_space<vmem>>
      %dma_wait3A_605 = arith.constant 0 : i32
      %dma_wait3A_606 = arith.constant 0 : i32
      %dma_wait3A_607 = tpu.memref_slice %arg2[%dma_wait3A_605, %dma_wait3A_606] : memref<16x1000000xf32, #tpu.memory_space<hbm>> -> memref<16x128xf32, #tpu.memory_space<hbm>>
      %dma_wait3A_608 = arith.constant 0 : i32
      %dma_wait3A_609 = arith.constant 0 : i32
      %dma_wait3A_610 = tpu.memref_slice %arg7[%dma_wait3A, %dma_wait3A_600, %dma_wait3A_608, %dma_wait3A_609] : memref<2x16x16x128xf32, #tpu.memory_space<vmem>> -> memref<1x1x16x128xf32, #tpu.memory_space<vmem>>
      %dma_wait3A_611 = tpu.memref_squeeze %dma_wait3A_610 : memref<1x1x16x128xf32, #tpu.memory_space<vmem>> -> memref<16x128xf32, #tpu.memory_space<vmem>>
      %dma_wait3A_612 = arith.constant 0 : i32
      %dma_wait3A_613 = arith.constant 0 : i32
      %dma_wait3A_614 = tpu.memref_slice %arg2[%dma_wait3A_612, %dma_wait3A_613] : memref<16x1000000xf32, #tpu.memory_space<hbm>> -> memref<16x128xf32, #tpu.memory_space<hbm>>
      tpu.wait_dma2 semaphore(%arg10 : memref<!tpu.dma_semaphore, #tpu.memory_space<semaphore_mem>>) src(%dma_wait3A_614 : memref<16x128xf32, #tpu.memory_space<hbm>>) dst(%dma_wait3A_611 : memref<16x128xf32, #tpu.memory_space<vmem>>)
      %slice3A_615 = vector.extract_strided_slice %min3A_592 {offsets = [0], sizes = [1], strides = [1]} : vector<16xi32> to vector<1xi32>
      %squeeze3A_616 = vector.extract %slice3A_615[0] : i32 from vector<1xi32>
      %broadcast_in_dim3A = vector.broadcast %squeeze3A_616 : i32 to vector<16xi32>
      %gather3A = arith.constant 0 : i32
      %gather3A_617 = arith.constant 0 : i32
      %gather3A_618 = arith.constant 0 : i32
      %gather3A_619 = arith.constant 0 : i32
      %gather3A_620 = tpu.memref_slice %arg7[%gather3A, %gather3A_617, %gather3A_618, %gather3A_619] : memref<2x16x16x128xf32, #tpu.memory_space<vmem>> -> memref<1x1x16x128xf32, #tpu.memory_space<vmem>>
      %gather3A_621 = tpu.memref_squeeze %gather3A_620 : memref<1x1x16x128xf32, #tpu.memory_space<vmem>> -> memref<16x128xf32, #tpu.memory_space<vmem>>
      %gather3A_622 = tpu.vector_load_idx %gather3A_621[%iota3A, %broadcast_in_dim3A] : memref<16x128xf32, #tpu.memory_space<vmem>>[vector<16xi32>, vector<16xi32>], vector<16xf32>,
      %slice3A_623 = vector.extract_strided_slice %min3A_599 {offsets = [0], sizes = [1], strides = [1]} : vector<16xi32> to vector<1xi32>
      %squeeze3A_624 = vector.extract %slice3A_623[0] : i32 from vector<1xi32>
      %broadcast_in_dim3A_625 = vector.broadcast %squeeze3A_624 : i32 to vector<16xi32>
      %gather3A_626 = tpu.vector_load_idx %arg8[%iota3A, %broadcast_in_dim3A_625] : memref<16x128xf32, #tpu.memory_space<vmem>>[vector<16xi32>, vector<16xi32>], vector<16xf32>,
      %slice3A_627 = vector.extract_strided_slice %get3A_580 {offsets = [0], sizes = [1], strides = [1]} : vector<16xi32> to vector<1xi32>
      %squeeze3A_628 = vector.extract %slice3A_627[0] : i32 from vector<1xi32>
      %broadcast_in_dim3A_629 = vector.broadcast %squeeze3A_628 : i32 to vector<16xi32>
      %ge3A = arith.constant 999936 : i32
      %ge3A_630 = vector.broadcast %ge3A : i32 to vector<16xi32>
      %ge3A_631 = arith.cmpi sge, %broadcast_in_dim3A_629, %ge3A_630 : vector<16xi32>
      %select_n3A = arith.select %ge3A_631, %gather3A_626, %gather3A_622 : vector<16xi1>, vector<16xf32>
      %mul3A_632 = arith.constant 16 : i32
      %mul3A_633 = arith.muli %mul3A_287, %mul3A_632 : i32
      %add3A_634 = arith.constant 0 : i32
      %add3A_635 = arith.addi %mul3A_633, %add3A_634 : i32
      %broadcast_in_dim3A_636 = vector.broadcast %add3A_635 : i32 to vector<16xi32>
      tpu.vector_store_idx %arg9[%iota3A, %broadcast_in_dim3A_636], %select_n3A : memref<16x512xf32, #tpu.memory_space<vmem>>[vector<16xi32>, vector<16xi32>], vector<16xf32>,
      %dma_wait3A_637 = arith.constant 0 : i32
      %dma_wait3A_638 = arith.constant 1 : i32
      %dma_wait3A_639 = arith.constant 0 : i32
      %dma_wait3A_640 = arith.constant 0 : i32
      %dma_wait3A_641 = tpu.memref_slice %arg7[%dma_wait3A_637, %dma_wait3A_638, %dma_wait3A_639, %dma_wait3A_640] : memref<2x16x16x128xf32, #tpu.memory_space<vmem>> -> memref<1x1x16x128xf32, #tpu.memory_space<vmem>>
      %dma_wait3A_642 = tpu.memref_squeeze %dma_wait3A_641 : memref<1x1x16x128xf32, #tpu.memory_space<vmem>> -> memref<16x128xf32, #tpu.memory_space<vmem>>
      %dma_wait3A_643 = arith.constant 0 : i32
      %dma_wait3A_644 = arith.constant 0 : i32
      %dma_wait3A_645 = tpu.memref_slice %arg2[%dma_wait3A_643, %dma_wait3A_644] : memref<16x1000000xf32, #tpu.memory_space<hbm>> -> memref<16x128xf32, #tpu.memory_space<hbm>>
      %dma_wait3A_646 = arith.constant 0 : i32
      %dma_wait3A_647 = arith.constant 0 : i32
      %dma_wait3A_648 = tpu.memref_slice %arg7[%dma_wait3A_637, %dma_wait3A_638, %dma_wait3A_646, %dma_wait3A_647] : memref<2x16x16x128xf32, #tpu.memory_space<vmem>> -> memref<1x1x16x128xf32, #tpu.memory_space<vmem>>
      %dma_wait3A_649 = tpu.memref_squeeze %dma_wait3A_648 : memref<1x1x16x128xf32, #tpu.memory_space<vmem>> -> memref<16x128xf32, #tpu.memory_space<vmem>>
      %dma_wait3A_650 = arith.constant 0 : i32
      %dma_wait3A_651 = arith.constant 0 : i32
      %dma_wait3A_652 = tpu.memref_slice %arg2[%dma_wait3A_650, %dma_wait3A_651] : memref<16x1000000xf32, #tpu.memory_space<hbm>> -> memref<16x128xf32, #tpu.memory_space<hbm>>
      tpu.wait_dma2 semaphore(%arg10 : memref<!tpu.dma_semaphore, #tpu.memory_space<semaphore_mem>>) src(%dma_wait3A_652 : memref<16x128xf32, #tpu.memory_space<hbm>>) dst(%dma_wait3A_649 : memref<16x128xf32, #tpu.memory_space<vmem>>)
      %slice3A_653 = vector.extract_strided_slice %min3A_592 {offsets = [1], sizes = [1], strides = [1]} : vector<16xi32> to vector<1xi32>
      %squeeze3A_654 = vector.extract %slice3A_653[0] : i32 from vector<1xi32>
      %broadcast_in_dim3A_655 = vector.broadcast %squeeze3A_654 : i32 to vector<16xi32>
      %gather3A_656 = arith.constant 0 : i32
      %gather3A_657 = arith.constant 1 : i32
      %gather3A_658 = arith.constant 0 : i32
      %gather3A_659 = arith.constant 0 : i32
      %gather3A_660 = tpu.memref_slice %arg7[%gather3A_656, %gather3A_657, %gather3A_658, %gather3A_659] : memref<2x16x16x128xf32, #tpu.memory_space<vmem>> -> memref<1x1x16x128xf32, #tpu.memory_space<vmem>>
      %gather3A_661 = tpu.memref_squeeze %gather3A_660 : memref<1x1x16x128xf32, #tpu.memory_space<vmem>> -> memref<16x128xf32, #tpu.memory_space<vmem>>
      %gather3A_662 = tpu.vector_load_idx %gather3A_661[%iota3A, %broadcast_in_dim3A_655] : memref<16x128xf32, #tpu.memory_space<vmem>>[vector<16xi32>, vector<16xi32>], vector<16xf32>,
      %slice3A_663 = vector.extract_strided_slice %min3A_599 {offsets = [1], sizes = [1], strides = [1]} : vector<16xi32> to vector<1xi32>
      %squeeze3A_664 = vector.extract %slice3A_663[0] : i32 from vector<1xi32>
      %broadcast_in_dim3A_665 = vector.broadcast %squeeze3A_664 : i32 to vector<16xi32>
      %gather3A_666 = tpu.vector_load_idx %arg8[%iota3A, %broadcast_in_dim3A_665] : memref<16x128xf32, #tpu.memory_space<vmem>>[vector<16xi32>, vector<16xi32>], vector<16xf32>,
      %slice3A_667 = vector.extract_strided_slice %get3A_580 {offsets = [1], sizes = [1], strides = [1]} : vector<16xi32> to vector<1xi32>
      %squeeze3A_668 = vector.extract %slice3A_667[0] : i32 from vector<1xi32>
      %broadcast_in_dim3A_669 = vector.broadcast %squeeze3A_668 : i32 to vector<16xi32>
      %ge3A_670 = arith.constant 999936 : i32
      %ge3A_671 = vector.broadcast %ge3A_670 : i32 to vector<16xi32>
      %ge3A_672 = arith.cmpi sge, %broadcast_in_dim3A_669, %ge3A_671 : vector<16xi32>
      %select_n3A_673 = arith.select %ge3A_672, %gather3A_666, %gather3A_662 : vector<16xi1>, vector<16xf32>
      %mul3A_674 = arith.constant 16 : i32
      %mul3A_675 = arith.muli %mul3A_287, %mul3A_674 : i32
      %add3A_676 = arith.constant 1 : i32
      %add3A_677 = arith.addi %mul3A_675, %add3A_676 : i32
      %broadcast_in_dim3A_678 = vector.broadcast %add3A_677 : i32 to vector<16xi32>
      tpu.vector_store_idx %arg9[%iota3A, %broadcast_in_dim3A_678], %select_n3A_673 : memref<16x512xf32, #tpu.memory_space<vmem>>[vector<16xi32>, vector<16xi32>], vector<16xf32>,
      %dma_wait3A_679 = arith.constant 0 : i32
      %dma_wait3A_680 = arith.constant 2 : i32
      %dma_wait3A_681 = arith.constant 0 : i32
      %dma_wait3A_682 = arith.constant 0 : i32
      %dma_wait3A_683 = tpu.memref_slice %arg7[%dma_wait3A_679, %dma_wait3A_680, %dma_wait3A_681, %dma_wait3A_682] : memref<2x16x16x128xf32, #tpu.memory_space<vmem>> -> memref<1x1x16x128xf32, #tpu.memory_space<vmem>>
      %dma_wait3A_684 = tpu.memref_squeeze %dma_wait3A_683 : memref<1x1x16x128xf32, #tpu.memory_space<vmem>> -> memref<16x128xf32, #tpu.memory_space<vmem>>
      %dma_wait3A_685 = arith.constant 0 : i32
      %dma_wait3A_686 = arith.constant 0 : i32
      %dma_wait3A_687 = tpu.memref_slice %arg2[%dma_wait3A_685, %dma_wait3A_686] : memref<16x1000000xf32, #tpu.memory_space<hbm>> -> memref<16x128xf32, #tpu.memory_space<hbm>>
      %dma_wait3A_688 = arith.constant 0 : i32
      %dma_wait3A_689 = arith.constant 0 : i32
      %dma_wait3A_690 = tpu.memref_slice %arg7[%dma_wait3A_679, %dma_wait3A_680, %dma_wait3A_688, %dma_wait3A_689] : memref<2x16x16x128xf32, #tpu.memory_space<vmem>> -> memref<1x1x16x128xf32, #tpu.memory_space<vmem>>
      %dma_wait3A_691 = tpu.memref_squeeze %dma_wait3A_690 : memref<1x1x16x128xf32, #tpu.memory_space<vmem>> -> memref<16x128xf32, #tpu.memory_space<vmem>>
      %dma_wait3A_692 = arith.constant 0 : i32
      %dma_wait3A_693 = arith.constant 0 : i32
      %dma_wait3A_694 = tpu.memref_slice %arg2[%dma_wait3A_692, %dma_wait3A_693] : memref<16x1000000xf32, #tpu.memory_space<hbm>> -> memref<16x128xf32, #tpu.memory_space<hbm>>
      tpu.wait_dma2 semaphore(%arg10 : memref<!tpu.dma_semaphore, #tpu.memory_space<semaphore_mem>>) src(%dma_wait3A_694 : memref<16x128xf32, #tpu.memory_space<hbm>>) dst(%dma_wait3A_691 : memref<16x128xf32, #tpu.memory_space<vmem>>)
      %slice3A_695 = vector.extract_strided_slice %min3A_592 {offsets = [2], sizes = [1], strides = [1]} : vector<16xi32> to vector<1xi32>
      %squeeze3A_696 = vector.extract %slice3A_695[0] : i32 from vector<1xi32>
      %broadcast_in_dim3A_697 = vector.broadcast %squeeze3A_696 : i32 to vector<16xi32>
      %gather3A_698 = arith.constant 0 : i32
      %gather3A_699 = arith.constant 2 : i32
      %gather3A_700 = arith.constant 0 : i32
      %gather3A_701 = arith.constant 0 : i32
      %gather3A_702 = tpu.memref_slice %arg7[%gather3A_698, %gather3A_699, %gather3A_700, %gather3A_701] : memref<2x16x16x128xf32, #tpu.memory_space<vmem>> -> memref<1x1x16x128xf32, #tpu.memory_space<vmem>>
      %gather3A_703 = tpu.memref_squeeze %gather3A_702 : memref<1x1x16x128xf32, #tpu.memory_space<vmem>> -> memref<16x128xf32, #tpu.memory_space<vmem>>
      %gather3A_704 = tpu.vector_load_idx %gather3A_703[%iota3A, %broadcast_in_dim3A_697] : memref<16x128xf32, #tpu.memory_space<vmem>>[vector<16xi32>, vector<16xi32>], vector<16xf32>,
      %slice3A_705 = vector.extract_strided_slice %min3A_599 {offsets = [2], sizes = [1], strides = [1]} : vector<16xi32> to vector<1xi32>
      %squeeze3A_706 = vector.extract %slice3A_705[0] : i32 from vector<1xi32>
      %broadcast_in_dim3A_707 = vector.broadcast %squeeze3A_706 : i32 to vector<16xi32>
      %gather3A_708 = tpu.vector_load_idx %arg8[%iota3A, %broadcast_in_dim3A_707] : memref<16x128xf32, #tpu.memory_space<vmem>>[vector<16xi32>, vector<16xi32>], vector<16xf32>,
      %slice3A_709 = vector.extract_strided_slice %get3A_580 {offsets = [2], sizes = [1], strides = [1]} : vector<16xi32> to vector<1xi32>
      %squeeze3A_710 = vector.extract %slice3A_709[0] : i32 from vector<1xi32>
      %broadcast_in_dim3A_711 = vector.broadcast %squeeze3A_710 : i32 to vector<16xi32>
      %ge3A_712 = arith.constant 999936 : i32
      %ge3A_713 = vector.broadcast %ge3A_712 : i32 to vector<16xi32>
      %ge3A_714 = arith.cmpi sge, %broadcast_in_dim3A_711, %ge3A_713 : vector<16xi32>
      %select_n3A_715 = arith.select %ge3A_714, %gather3A_708, %gather3A_704 : vector<16xi1>, vector<16xf32>
      %mul3A_716 = arith.constant 16 : i32
      %mul3A_717 = arith.muli %mul3A_287, %mul3A_716 : i32
      %add3A_718 = arith.constant 2 : i32
      %add3A_719 = arith.addi %mul3A_717, %add3A_718 : i32
      %broadcast_in_dim3A_720 = vector.broadcast %add3A_719 : i32 to vector<16xi32>
      tpu.vector_store_idx %arg9[%iota3A, %broadcast_in_dim3A_720], %select_n3A_715 : memref<16x512xf32, #tpu.memory_space<vmem>>[vector<16xi32>, vector<16xi32>], vector<16xf32>,
      %dma_wait3A_721 = arith.constant 0 : i32
      %dma_wait3A_722 = arith.constant 3 : i32
      %dma_wait3A_723 = arith.constant 0 : i32
      %dma_wait3A_724 = arith.constant 0 : i32
      %dma_wait3A_725 = tpu.memref_slice %arg7[%dma_wait3A_721, %dma_wait3A_722, %dma_wait3A_723, %dma_wait3A_724] : memref<2x16x16x128xf32, #tpu.memory_space<vmem>> -> memref<1x1x16x128xf32, #tpu.memory_space<vmem>>
      %dma_wait3A_726 = tpu.memref_squeeze %dma_wait3A_725 : memref<1x1x16x128xf32, #tpu.memory_space<vmem>> -> memref<16x128xf32, #tpu.memory_space<vmem>>
      %dma_wait3A_727 = arith.constant 0 : i32
      %dma_wait3A_728 = arith.constant 0 : i32
      %dma_wait3A_729 = tpu.memref_slice %arg2[%dma_wait3A_727, %dma_wait3A_728] : memref<16x1000000xf32, #tpu.memory_space<hbm>> -> memref<16x128xf32, #tpu.memory_space<hbm>>
      %dma_wait3A_730 = arith.constant 0 : i32
      %dma_wait3A_731 = arith.constant 0 : i32
      %dma_wait3A_732 = tpu.memref_slice %arg7[%dma_wait3A_721, %dma_wait3A_722, %dma_wait3A_730, %dma_wait3A_731] : memref<2x16x16x128xf32, #tpu.memory_space<vmem>> -> memref<1x1x16x128xf32, #tpu.memory_space<vmem>>
      %dma_wait3A_733 = tpu.memref_squeeze %dma_wait3A_732 : memref<1x1x16x128xf32, #tpu.memory_space<vmem>> -> memref<16x128xf32, #tpu.memory_space<vmem>>
      %dma_wait3A_734 = arith.constant 0 : i32
      %dma_wait3A_735 = arith.constant 0 : i32
      %dma_wait3A_736 = tpu.memref_slice %arg2[%dma_wait3A_734, %dma_wait3A_735] : memref<16x1000000xf32, #tpu.memory_space<hbm>> -> memref<16x128xf32, #tpu.memory_space<hbm>>
      tpu.wait_dma2 semaphore(%arg10 : memref<!tpu.dma_semaphore, #tpu.memory_space<semaphore_mem>>) src(%dma_wait3A_736 : memref<16x128xf32, #tpu.memory_space<hbm>>) dst(%dma_wait3A_733 : memref<16x128xf32, #tpu.memory_space<vmem>>)
      %slice3A_737 = vector.extract_strided_slice %min3A_592 {offsets = [3], sizes = [1], strides = [1]} : vector<16xi32> to vector<1xi32>
      %squeeze3A_738 = vector.extract %slice3A_737[0] : i32 from vector<1xi32>
      %broadcast_in_dim3A_739 = vector.broadcast %squeeze3A_738 : i32 to vector<16xi32>
      %gather3A_740 = arith.constant 0 : i32
      %gather3A_741 = arith.constant 3 : i32
      %gather3A_742 = arith.constant 0 : i32
      %gather3A_743 = arith.constant 0 : i32
      %gather3A_744 = tpu.memref_slice %arg7[%gather3A_740, %gather3A_741, %gather3A_742, %gather3A_743] : memref<2x16x16x128xf32, #tpu.memory_space<vmem>> -> memref<1x1x16x128xf32, #tpu.memory_space<vmem>>
      %gather3A_745 = tpu.memref_squeeze %gather3A_744 : memref<1x1x16x128xf32, #tpu.memory_space<vmem>> -> memref<16x128xf32, #tpu.memory_space<vmem>>
      %gather3A_746 = tpu.vector_load_idx %gather3A_745[%iota3A, %broadcast_in_dim3A_739] : memref<16x128xf32, #tpu.memory_space<vmem>>[vector<16xi32>, vector<16xi32>], vector<16xf32>,
      %slice3A_747 = vector.extract_strided_slice %min3A_599 {offsets = [3], sizes = [1], strides = [1]} : vector<16xi32> to vector<1xi32>
      %squeeze3A_748 = vector.extract %slice3A_747[0] : i32 from vector<1xi32>
      %broadcast_in_dim3A_749 = vector.broadcast %squeeze3A_748 : i32 to vector<16xi32>
      %gather3A_750 = tpu.vector_load_idx %arg8[%iota3A, %broadcast_in_dim3A_749] : memref<16x128xf32, #tpu.memory_space<vmem>>[vector<16xi32>, vector<16xi32>], vector<16xf32>,
      %slice3A_751 = vector.extract_strided_slice %get3A_580 {offsets = [3], sizes = [1], strides = [1]} : vector<16xi32> to vector<1xi32>
      %squeeze3A_752 = vector.extract %slice3A_751[0] : i32 from vector<1xi32>
      %broadcast_in_dim3A_753 = vector.broadcast %squeeze3A_752 : i32 to vector<16xi32>
      %ge3A_754 = arith.constant 999936 : i32
      %ge3A_755 = vector.broadcast %ge3A_754 : i32 to vector<16xi32>
      %ge3A_756 = arith.cmpi sge, %broadcast_in_dim3A_753, %ge3A_755 : vector<16xi32>
      %select_n3A_757 = arith.select %ge3A_756, %gather3A_750, %gather3A_746 : vector<16xi1>, vector<16xf32>
      %mul3A_758 = arith.constant 16 : i32
      %mul3A_759 = arith.muli %mul3A_287, %mul3A_758 : i32
      %add3A_760 = arith.constant 3 : i32
      %add3A_761 = arith.addi %mul3A_759, %add3A_760 : i32
      %broadcast_in_dim3A_762 = vector.broadcast %add3A_761 : i32 to vector<16xi32>
      tpu.vector_store_idx %arg9[%iota3A, %broadcast_in_dim3A_762], %select_n3A_757 : memref<16x512xf32, #tpu.memory_space<vmem>>[vector<16xi32>, vector<16xi32>], vector<16xf32>,
      %dma_wait3A_763 = arith.constant 0 : i32
      %dma_wait3A_764 = arith.constant 4 : i32
      %dma_wait3A_765 = arith.constant 0 : i32
      %dma_wait3A_766 = arith.constant 0 : i32
      %dma_wait3A_767 = tpu.memref_slice %arg7[%dma_wait3A_763, %dma_wait3A_764, %dma_wait3A_765, %dma_wait3A_766] : memref<2x16x16x128xf32, #tpu.memory_space<vmem>> -> memref<1x1x16x128xf32, #tpu.memory_space<vmem>>
      %dma_wait3A_768 = tpu.memref_squeeze %dma_wait3A_767 : memref<1x1x16x128xf32, #tpu.memory_space<vmem>> -> memref<16x128xf32, #tpu.memory_space<vmem>>
      %dma_wait3A_769 = arith.constant 0 : i32
      %dma_wait3A_770 = arith.constant 0 : i32
      %dma_wait3A_771 = tpu.memref_slice %arg2[%dma_wait3A_769, %dma_wait3A_770] : memref<16x1000000xf32, #tpu.memory_space<hbm>> -> memref<16x128xf32, #tpu.memory_space<hbm>>
      %dma_wait3A_772 = arith.constant 0 : i32
      %dma_wait3A_773 = arith.constant 0 : i32
      %dma_wait3A_774 = tpu.memref_slice %arg7[%dma_wait3A_763, %dma_wait3A_764, %dma_wait3A_772, %dma_wait3A_773] : memref<2x16x16x128xf32, #tpu.memory_space<vmem>> -> memref<1x1x16x128xf32, #tpu.memory_space<vmem>>
      %dma_wait3A_775 = tpu.memref_squeeze %dma_wait3A_774 : memref<1x1x16x128xf32, #tpu.memory_space<vmem>> -> memref<16x128xf32, #tpu.memory_space<vmem>>
      %dma_wait3A_776 = arith.constant 0 : i32
      %dma_wait3A_777 = arith.constant 0 : i32
      %dma_wait3A_778 = tpu.memref_slice %arg2[%dma_wait3A_776, %dma_wait3A_777] : memref<16x1000000xf32, #tpu.memory_space<hbm>> -> memref<16x128xf32, #tpu.memory_space<hbm>>
      tpu.wait_dma2 semaphore(%arg10 : memref<!tpu.dma_semaphore, #tpu.memory_space<semaphore_mem>>) src(%dma_wait3A_778 : memref<16x128xf32, #tpu.memory_space<hbm>>) dst(%dma_wait3A_775 : memref<16x128xf32, #tpu.memory_space<vmem>>)
      %slice3A_779 = vector.extract_strided_slice %min3A_592 {offsets = [4], sizes = [1], strides = [1]} : vector<16xi32> to vector<1xi32>
      %squeeze3A_780 = vector.extract %slice3A_779[0] : i32 from vector<1xi32>
      %broadcast_in_dim3A_781 = vector.broadcast %squeeze3A_780 : i32 to vector<16xi32>
      %gather3A_782 = arith.constant 0 : i32
      %gather3A_783 = arith.constant 4 : i32
      %gather3A_784 = arith.constant 0 : i32
      %gather3A_785 = arith.constant 0 : i32
      %gather3A_786 = tpu.memref_slice %arg7[%gather3A_782, %gather3A_783, %gather3A_784, %gather3A_785] : memref<2x16x16x128xf32, #tpu.memory_space<vmem>> -> memref<1x1x16x128xf32, #tpu.memory_space<vmem>>
      %gather3A_787 = tpu.memref_squeeze %gather3A_786 : memref<1x1x16x128xf32, #tpu.memory_space<vmem>> -> memref<16x128xf32, #tpu.memory_space<vmem>>
      %gather3A_788 = tpu.vector_load_idx %gather3A_787[%iota3A, %broadcast_in_dim3A_781] : memref<16x128xf32, #tpu.memory_space<vmem>>[vector<16xi32>, vector<16xi32>], vector<16xf32>,
      %slice3A_789 = vector.extract_strided_slice %min3A_599 {offsets = [4], sizes = [1], strides = [1]} : vector<16xi32> to vector<1xi32>
      %squeeze3A_790 = vector.extract %slice3A_789[0] : i32 from vector<1xi32>
      %broadcast_in_dim3A_791 = vector.broadcast %squeeze3A_790 : i32 to vector<16xi32>
      %gather3A_792 = tpu.vector_load_idx %arg8[%iota3A, %broadcast_in_dim3A_791] : memref<16x128xf32, #tpu.memory_space<vmem>>[vector<16xi32>, vector<16xi32>], vector<16xf32>,
      %slice3A_793 = vector.extract_strided_slice %get3A_580 {offsets = [4], sizes = [1], strides = [1]} : vector<16xi32> to vector<1xi32>
      %squeeze3A_794 = vector.extract %slice3A_793[0] : i32 from vector<1xi32>
      %broadcast_in_dim3A_795 = vector.broadcast %squeeze3A_794 : i32 to vector<16xi32>
      %ge3A_796 = arith.constant 999936 : i32
      %ge3A_797 = vector.broadcast %ge3A_796 : i32 to vector<16xi32>
      %ge3A_798 = arith.cmpi sge, %broadcast_in_dim3A_795, %ge3A_797 : vector<16xi32>
      %select_n3A_799 = arith.select %ge3A_798, %gather3A_792, %gather3A_788 : vector<16xi1>, vector<16xf32>
      %mul3A_800 = arith.constant 16 : i32
      %mul3A_801 = arith.muli %mul3A_287, %mul3A_800 : i32
      %add3A_802 = arith.constant 4 : i32
      %add3A_803 = arith.addi %mul3A_801, %add3A_802 : i32
      %broadcast_in_dim3A_804 = vector.broadcast %add3A_803 : i32 to vector<16xi32>
      tpu.vector_store_idx %arg9[%iota3A, %broadcast_in_dim3A_804], %select_n3A_799 : memref<16x512xf32, #tpu.memory_space<vmem>>[vector<16xi32>, vector<16xi32>], vector<16xf32>,
      %dma_wait3A_805 = arith.constant 0 : i32
      %dma_wait3A_806 = arith.constant 5 : i32
      %dma_wait3A_807 = arith.constant 0 : i32
      %dma_wait3A_808 = arith.constant 0 : i32
      %dma_wait3A_809 = tpu.memref_slice %arg7[%dma_wait3A_805, %dma_wait3A_806, %dma_wait3A_807, %dma_wait3A_808] : memref<2x16x16x128xf32, #tpu.memory_space<vmem>> -> memref<1x1x16x128xf32, #tpu.memory_space<vmem>>
      %dma_wait3A_810 = tpu.memref_squeeze %dma_wait3A_809 : memref<1x1x16x128xf32, #tpu.memory_space<vmem>> -> memref<16x128xf32, #tpu.memory_space<vmem>>
      %dma_wait3A_811 = arith.constant 0 : i32
      %dma_wait3A_812 = arith.constant 0 : i32
      %dma_wait3A_813 = tpu.memref_slice %arg2[%dma_wait3A_811, %dma_wait3A_812] : memref<16x1000000xf32, #tpu.memory_space<hbm>> -> memref<16x128xf32, #tpu.memory_space<hbm>>
      %dma_wait3A_814 = arith.constant 0 : i32
      %dma_wait3A_815 = arith.constant 0 : i32
      %dma_wait3A_816 = tpu.memref_slice %arg7[%dma_wait3A_805, %dma_wait3A_806, %dma_wait3A_814, %dma_wait3A_815] : memref<2x16x16x128xf32, #tpu.memory_space<vmem>> -> memref<1x1x16x128xf32, #tpu.memory_space<vmem>>
      %dma_wait3A_817 = tpu.memref_squeeze %dma_wait3A_816 : memref<1x1x16x128xf32, #tpu.memory_space<vmem>> -> memref<16x128xf32, #tpu.memory_space<vmem>>
      %dma_wait3A_818 = arith.constant 0 : i32
      %dma_wait3A_819 = arith.constant 0 : i32
      %dma_wait3A_820 = tpu.memref_slice %arg2[%dma_wait3A_818, %dma_wait3A_819] : memref<16x1000000xf32, #tpu.memory_space<hbm>> -> memref<16x128xf32, #tpu.memory_space<hbm>>
      tpu.wait_dma2 semaphore(%arg10 : memref<!tpu.dma_semaphore, #tpu.memory_space<semaphore_mem>>) src(%dma_wait3A_820 : memref<16x128xf32, #tpu.memory_space<hbm>>) dst(%dma_wait3A_817 : memref<16x128xf32, #tpu.memory_space<vmem>>)
      %slice3A_821 = vector.extract_strided_slice %min3A_592 {offsets = [5], sizes = [1], strides = [1]} : vector<16xi32> to vector<1xi32>
      %squeeze3A_822 = vector.extract %slice3A_821[0] : i32 from vector<1xi32>
      %broadcast_in_dim3A_823 = vector.broadcast %squeeze3A_822 : i32 to vector<16xi32>
      %gather3A_824 = arith.constant 0 : i32
      %gather3A_825 = arith.constant 5 : i32
      %gather3A_826 = arith.constant 0 : i32
      %gather3A_827 = arith.constant 0 : i32
      %gather3A_828 = tpu.memref_slice %arg7[%gather3A_824, %gather3A_825, %gather3A_826, %gather3A_827] : memref<2x16x16x128xf32, #tpu.memory_space<vmem>> -> memref<1x1x16x128xf32, #tpu.memory_space<vmem>>
      %gather3A_829 = tpu.memref_squeeze %gather3A_828 : memref<1x1x16x128xf32, #tpu.memory_space<vmem>> -> memref<16x128xf32, #tpu.memory_space<vmem>>
      %gather3A_830 = tpu.vector_load_idx %gather3A_829[%iota3A, %broadcast_in_dim3A_823] : memref<16x128xf32, #tpu.memory_space<vmem>>[vector<16xi32>, vector<16xi32>], vector<16xf32>,
      %slice3A_831 = vector.extract_strided_slice %min3A_599 {offsets = [5], sizes = [1], strides = [1]} : vector<16xi32> to vector<1xi32>
      %squeeze3A_832 = vector.extract %slice3A_831[0] : i32 from vector<1xi32>
      %broadcast_in_dim3A_833 = vector.broadcast %squeeze3A_832 : i32 to vector<16xi32>
      %gather3A_834 = tpu.vector_load_idx %arg8[%iota3A, %broadcast_in_dim3A_833] : memref<16x128xf32, #tpu.memory_space<vmem>>[vector<16xi32>, vector<16xi32>], vector<16xf32>,
      %slice3A_835 = vector.extract_strided_slice %get3A_580 {offsets = [5], sizes = [1], strides = [1]} : vector<16xi32> to vector<1xi32>
      %squeeze3A_836 = vector.extract %slice3A_835[0] : i32 from vector<1xi32>
      %broadcast_in_dim3A_837 = vector.broadcast %squeeze3A_836 : i32 to vector<16xi32>
      %ge3A_838 = arith.constant 999936 : i32
      %ge3A_839 = vector.broadcast %ge3A_838 : i32 to vector<16xi32>
      %ge3A_840 = arith.cmpi sge, %broadcast_in_dim3A_837, %ge3A_839 : vector<16xi32>
      %select_n3A_841 = arith.select %ge3A_840, %gather3A_834, %gather3A_830 : vector<16xi1>, vector<16xf32>
      %mul3A_842 = arith.constant 16 : i32
      %mul3A_843 = arith.muli %mul3A_287, %mul3A_842 : i32
      %add3A_844 = arith.constant 5 : i32
      %add3A_845 = arith.addi %mul3A_843, %add3A_844 : i32
      %broadcast_in_dim3A_846 = vector.broadcast %add3A_845 : i32 to vector<16xi32>
      tpu.vector_store_idx %arg9[%iota3A, %broadcast_in_dim3A_846], %select_n3A_841 : memref<16x512xf32, #tpu.memory_space<vmem>>[vector<16xi32>, vector<16xi32>], vector<16xf32>,
      %dma_wait3A_847 = arith.constant 0 : i32
      %dma_wait3A_848 = arith.constant 6 : i32
      %dma_wait3A_849 = arith.constant 0 : i32
      %dma_wait3A_850 = arith.constant 0 : i32
      %dma_wait3A_851 = tpu.memref_slice %arg7[%dma_wait3A_847, %dma_wait3A_848, %dma_wait3A_849, %dma_wait3A_850] : memref<2x16x16x128xf32, #tpu.memory_space<vmem>> -> memref<1x1x16x128xf32, #tpu.memory_space<vmem>>
      %dma_wait3A_852 = tpu.memref_squeeze %dma_wait3A_851 : memref<1x1x16x128xf32, #tpu.memory_space<vmem>> -> memref<16x128xf32, #tpu.memory_space<vmem>>
      %dma_wait3A_853 = arith.constant 0 : i32
      %dma_wait3A_854 = arith.constant 0 : i32
      %dma_wait3A_855 = tpu.memref_slice %arg2[%dma_wait3A_853, %dma_wait3A_854] : memref<16x1000000xf32, #tpu.memory_space<hbm>> -> memref<16x128xf32, #tpu.memory_space<hbm>>
      %dma_wait3A_856 = arith.constant 0 : i32
      %dma_wait3A_857 = arith.constant 0 : i32
      %dma_wait3A_858 = tpu.memref_slice %arg7[%dma_wait3A_847, %dma_wait3A_848, %dma_wait3A_856, %dma_wait3A_857] : memref<2x16x16x128xf32, #tpu.memory_space<vmem>> -> memref<1x1x16x128xf32, #tpu.memory_space<vmem>>
      %dma_wait3A_859 = tpu.memref_squeeze %dma_wait3A_858 : memref<1x1x16x128xf32, #tpu.memory_space<vmem>> -> memref<16x128xf32, #tpu.memory_space<vmem>>
      %dma_wait3A_860 = arith.constant 0 : i32
      %dma_wait3A_861 = arith.constant 0 : i32
      %dma_wait3A_862 = tpu.memref_slice %arg2[%dma_wait3A_860, %dma_wait3A_861] : memref<16x1000000xf32, #tpu.memory_space<hbm>> -> memref<16x128xf32, #tpu.memory_space<hbm>>
      tpu.wait_dma2 semaphore(%arg10 : memref<!tpu.dma_semaphore, #tpu.memory_space<semaphore_mem>>) src(%dma_wait3A_862 : memref<16x128xf32, #tpu.memory_space<hbm>>) dst(%dma_wait3A_859 : memref<16x128xf32, #tpu.memory_space<vmem>>)
      %slice3A_863 = vector.extract_strided_slice %min3A_592 {offsets = [6], sizes = [1], strides = [1]} : vector<16xi32> to vector<1xi32>
      %squeeze3A_864 = vector.extract %slice3A_863[0] : i32 from vector<1xi32>
      %broadcast_in_dim3A_865 = vector.broadcast %squeeze3A_864 : i32 to vector<16xi32>
      %gather3A_866 = arith.constant 0 : i32
      %gather3A_867 = arith.constant 6 : i32
      %gather3A_868 = arith.constant 0 : i32
      %gather3A_869 = arith.constant 0 : i32
      %gather3A_870 = tpu.memref_slice %arg7[%gather3A_866, %gather3A_867, %gather3A_868, %gather3A_869] : memref<2x16x16x128xf32, #tpu.memory_space<vmem>> -> memref<1x1x16x128xf32, #tpu.memory_space<vmem>>
      %gather3A_871 = tpu.memref_squeeze %gather3A_870 : memref<1x1x16x128xf32, #tpu.memory_space<vmem>> -> memref<16x128xf32, #tpu.memory_space<vmem>>
      %gather3A_872 = tpu.vector_load_idx %gather3A_871[%iota3A, %broadcast_in_dim3A_865] : memref<16x128xf32, #tpu.memory_space<vmem>>[vector<16xi32>, vector<16xi32>], vector<16xf32>,
      %slice3A_873 = vector.extract_strided_slice %min3A_599 {offsets = [6], sizes = [1], strides = [1]} : vector<16xi32> to vector<1xi32>
      %squeeze3A_874 = vector.extract %slice3A_873[0] : i32 from vector<1xi32>
      %broadcast_in_dim3A_875 = vector.broadcast %squeeze3A_874 : i32 to vector<16xi32>
      %gather3A_876 = tpu.vector_load_idx %arg8[%iota3A, %broadcast_in_dim3A_875] : memref<16x128xf32, #tpu.memory_space<vmem>>[vector<16xi32>, vector<16xi32>], vector<16xf32>,
      %slice3A_877 = vector.extract_strided_slice %get3A_580 {offsets = [6], sizes = [1], strides = [1]} : vector<16xi32> to vector<1xi32>
      %squeeze3A_878 = vector.extract %slice3A_877[0] : i32 from vector<1xi32>
      %broadcast_in_dim3A_879 = vector.broadcast %squeeze3A_878 : i32 to vector<16xi32>
      %ge3A_880 = arith.constant 999936 : i32
      %ge3A_881 = vector.broadcast %ge3A_880 : i32 to vector<16xi32>
      %ge3A_882 = arith.cmpi sge, %broadcast_in_dim3A_879, %ge3A_881 : vector<16xi32>
      %select_n3A_883 = arith.select %ge3A_882, %gather3A_876, %gather3A_872 : vector<16xi1>, vector<16xf32>
      %mul3A_884 = arith.constant 16 : i32
      %mul3A_885 = arith.muli %mul3A_287, %mul3A_884 : i32
      %add3A_886 = arith.constant 6 : i32
      %add3A_887 = arith.addi %mul3A_885, %add3A_886 : i32
      %broadcast_in_dim3A_888 = vector.broadcast %add3A_887 : i32 to vector<16xi32>
      tpu.vector_store_idx %arg9[%iota3A, %broadcast_in_dim3A_888], %select_n3A_883 : memref<16x512xf32, #tpu.memory_space<vmem>>[vector<16xi32>, vector<16xi32>], vector<16xf32>,
      %dma_wait3A_889 = arith.constant 0 : i32
      %dma_wait3A_890 = arith.constant 7 : i32
      %dma_wait3A_891 = arith.constant 0 : i32
      %dma_wait3A_892 = arith.constant 0 : i32
      %dma_wait3A_893 = tpu.memref_slice %arg7[%dma_wait3A_889, %dma_wait3A_890, %dma_wait3A_891, %dma_wait3A_892] : memref<2x16x16x128xf32, #tpu.memory_space<vmem>> -> memref<1x1x16x128xf32, #tpu.memory_space<vmem>>
      %dma_wait3A_894 = tpu.memref_squeeze %dma_wait3A_893 : memref<1x1x16x128xf32, #tpu.memory_space<vmem>> -> memref<16x128xf32, #tpu.memory_space<vmem>>
      %dma_wait3A_895 = arith.constant 0 : i32
      %dma_wait3A_896 = arith.constant 0 : i32
      %dma_wait3A_897 = tpu.memref_slice %arg2[%dma_wait3A_895, %dma_wait3A_896] : memref<16x1000000xf32, #tpu.memory_space<hbm>> -> memref<16x128xf32, #tpu.memory_space<hbm>>
      %dma_wait3A_898 = arith.constant 0 : i32
      %dma_wait3A_899 = arith.constant 0 : i32
      %dma_wait3A_900 = tpu.memref_slice %arg7[%dma_wait3A_889, %dma_wait3A_890, %dma_wait3A_898, %dma_wait3A_899] : memref<2x16x16x128xf32, #tpu.memory_space<vmem>> -> memref<1x1x16x128xf32, #tpu.memory_space<vmem>>
      %dma_wait3A_901 = tpu.memref_squeeze %dma_wait3A_900 : memref<1x1x16x128xf32, #tpu.memory_space<vmem>> -> memref<16x128xf32, #tpu.memory_space<vmem>>
      %dma_wait3A_902 = arith.constant 0 : i32
      %dma_wait3A_903 = arith.constant 0 : i32
      %dma_wait3A_904 = tpu.memref_slice %arg2[%dma_wait3A_902, %dma_wait3A_903] : memref<16x1000000xf32, #tpu.memory_space<hbm>> -> memref<16x128xf32, #tpu.memory_space<hbm>>
      tpu.wait_dma2 semaphore(%arg10 : memref<!tpu.dma_semaphore, #tpu.memory_space<semaphore_mem>>) src(%dma_wait3A_904 : memref<16x128xf32, #tpu.memory_space<hbm>>) dst(%dma_wait3A_901 : memref<16x128xf32, #tpu.memory_space<vmem>>)
      %slice3A_905 = vector.extract_strided_slice %min3A_592 {offsets = [7], sizes = [1], strides = [1]} : vector<16xi32> to vector<1xi32>
      %squeeze3A_906 = vector.extract %slice3A_905[0] : i32 from vector<1xi32>
      %broadcast_in_dim3A_907 = vector.broadcast %squeeze3A_906 : i32 to vector<16xi32>
      %gather3A_908 = arith.constant 0 : i32
      %gather3A_909 = arith.constant 7 : i32
      %gather3A_910 = arith.constant 0 : i32
      %gather3A_911 = arith.constant 0 : i32
      %gather3A_912 = tpu.memref_slice %arg7[%gather3A_908, %gather3A_909, %gather3A_910, %gather3A_911] : memref<2x16x16x128xf32, #tpu.memory_space<vmem>> -> memref<1x1x16x128xf32, #tpu.memory_space<vmem>>
      %gather3A_913 = tpu.memref_squeeze %gather3A_912 : memref<1x1x16x128xf32, #tpu.memory_space<vmem>> -> memref<16x128xf32, #tpu.memory_space<vmem>>
      %gather3A_914 = tpu.vector_load_idx %gather3A_913[%iota3A, %broadcast_in_dim3A_907] : memref<16x128xf32, #tpu.memory_space<vmem>>[vector<16xi32>, vector<16xi32>], vector<16xf32>,
      %slice3A_915 = vector.extract_strided_slice %min3A_599 {offsets = [7], sizes = [1], strides = [1]} : vector<16xi32> to vector<1xi32>
      %squeeze3A_916 = vector.extract %slice3A_915[0] : i32 from vector<1xi32>
      %broadcast_in_dim3A_917 = vector.broadcast %squeeze3A_916 : i32 to vector<16xi32>
      %gather3A_918 = tpu.vector_load_idx %arg8[%iota3A, %broadcast_in_dim3A_917] : memref<16x128xf32, #tpu.memory_space<vmem>>[vector<16xi32>, vector<16xi32>], vector<16xf32>,
      %slice3A_919 = vector.extract_strided_slice %get3A_580 {offsets = [7], sizes = [1], strides = [1]} : vector<16xi32> to vector<1xi32>
      %squeeze3A_920 = vector.extract %slice3A_919[0] : i32 from vector<1xi32>
      %broadcast_in_dim3A_921 = vector.broadcast %squeeze3A_920 : i32 to vector<16xi32>
      %ge3A_922 = arith.constant 999936 : i32
      %ge3A_923 = vector.broadcast %ge3A_922 : i32 to vector<16xi32>
      %ge3A_924 = arith.cmpi sge, %broadcast_in_dim3A_921, %ge3A_923 : vector<16xi32>
      %select_n3A_925 = arith.select %ge3A_924, %gather3A_918, %gather3A_914 : vector<16xi1>, vector<16xf32>
      %mul3A_926 = arith.constant 16 : i32
      %mul3A_927 = arith.muli %mul3A_287, %mul3A_926 : i32
      %add3A_928 = arith.constant 7 : i32
      %add3A_929 = arith.addi %mul3A_927, %add3A_928 : i32
      %broadcast_in_dim3A_930 = vector.broadcast %add3A_929 : i32 to vector<16xi32>
      tpu.vector_store_idx %arg9[%iota3A, %broadcast_in_dim3A_930], %select_n3A_925 : memref<16x512xf32, #tpu.memory_space<vmem>>[vector<16xi32>, vector<16xi32>], vector<16xf32>,
      %dma_wait3A_931 = arith.constant 0 : i32
      %dma_wait3A_932 = arith.constant 8 : i32
      %dma_wait3A_933 = arith.constant 0 : i32
      %dma_wait3A_934 = arith.constant 0 : i32
      %dma_wait3A_935 = tpu.memref_slice %arg7[%dma_wait3A_931, %dma_wait3A_932, %dma_wait3A_933, %dma_wait3A_934] : memref<2x16x16x128xf32, #tpu.memory_space<vmem>> -> memref<1x1x16x128xf32, #tpu.memory_space<vmem>>
      %dma_wait3A_936 = tpu.memref_squeeze %dma_wait3A_935 : memref<1x1x16x128xf32, #tpu.memory_space<vmem>> -> memref<16x128xf32, #tpu.memory_space<vmem>>
      %dma_wait3A_937 = arith.constant 0 : i32
      %dma_wait3A_938 = arith.constant 0 : i32
      %dma_wait3A_939 = tpu.memref_slice %arg2[%dma_wait3A_937, %dma_wait3A_938] : memref<16x1000000xf32, #tpu.memory_space<hbm>> -> memref<16x128xf32, #tpu.memory_space<hbm>>
      %dma_wait3A_940 = arith.constant 0 : i32
      %dma_wait3A_941 = arith.constant 0 : i32
      %dma_wait3A_942 = tpu.memref_slice %arg7[%dma_wait3A_931, %dma_wait3A_932, %dma_wait3A_940, %dma_wait3A_941] : memref<2x16x16x128xf32, #tpu.memory_space<vmem>> -> memref<1x1x16x128xf32, #tpu.memory_space<vmem>>
      %dma_wait3A_943 = tpu.memref_squeeze %dma_wait3A_942 : memref<1x1x16x128xf32, #tpu.memory_space<vmem>> -> memref<16x128xf32, #tpu.memory_space<vmem>>
      %dma_wait3A_944 = arith.constant 0 : i32
      %dma_wait3A_945 = arith.constant 0 : i32
      %dma_wait3A_946 = tpu.memref_slice %arg2[%dma_wait3A_944, %dma_wait3A_945] : memref<16x1000000xf32, #tpu.memory_space<hbm>> -> memref<16x128xf32, #tpu.memory_space<hbm>>
      tpu.wait_dma2 semaphore(%arg10 : memref<!tpu.dma_semaphore, #tpu.memory_space<semaphore_mem>>) src(%dma_wait3A_946 : memref<16x128xf32, #tpu.memory_space<hbm>>) dst(%dma_wait3A_943 : memref<16x128xf32, #tpu.memory_space<vmem>>)
      %slice3A_947 = vector.extract_strided_slice %min3A_592 {offsets = [8], sizes = [1], strides = [1]} : vector<16xi32> to vector<1xi32>
      %squeeze3A_948 = vector.extract %slice3A_947[0] : i32 from vector<1xi32>
      %broadcast_in_dim3A_949 = vector.broadcast %squeeze3A_948 : i32 to vector<16xi32>
      %gather3A_950 = arith.constant 0 : i32
      %gather3A_951 = arith.constant 8 : i32
      %gather3A_952 = arith.constant 0 : i32
      %gather3A_953 = arith.constant 0 : i32
      %gather3A_954 = tpu.memref_slice %arg7[%gather3A_950, %gather3A_951, %gather3A_952, %gather3A_953] : memref<2x16x16x128xf32, #tpu.memory_space<vmem>> -> memref<1x1x16x128xf32, #tpu.memory_space<vmem>>
      %gather3A_955 = tpu.memref_squeeze %gather3A_954 : memref<1x1x16x128xf32, #tpu.memory_space<vmem>> -> memref<16x128xf32, #tpu.memory_space<vmem>>
      %gather3A_956 = tpu.vector_load_idx %gather3A_955[%iota3A, %broadcast_in_dim3A_949] : memref<16x128xf32, #tpu.memory_space<vmem>>[vector<16xi32>, vector<16xi32>], vector<16xf32>,
      %slice3A_957 = vector.extract_strided_slice %min3A_599 {offsets = [8], sizes = [1], strides = [1]} : vector<16xi32> to vector<1xi32>
      %squeeze3A_958 = vector.extract %slice3A_957[0] : i32 from vector<1xi32>
      %broadcast_in_dim3A_959 = vector.broadcast %squeeze3A_958 : i32 to vector<16xi32>
      %gather3A_960 = tpu.vector_load_idx %arg8[%iota3A, %broadcast_in_dim3A_959] : memref<16x128xf32, #tpu.memory_space<vmem>>[vector<16xi32>, vector<16xi32>], vector<16xf32>,
      %slice3A_961 = vector.extract_strided_slice %get3A_580 {offsets = [8], sizes = [1], strides = [1]} : vector<16xi32> to vector<1xi32>
      %squeeze3A_962 = vector.extract %slice3A_961[0] : i32 from vector<1xi32>
      %broadcast_in_dim3A_963 = vector.broadcast %squeeze3A_962 : i32 to vector<16xi32>
      %ge3A_964 = arith.constant 999936 : i32
      %ge3A_965 = vector.broadcast %ge3A_964 : i32 to vector<16xi32>
      %ge3A_966 = arith.cmpi sge, %broadcast_in_dim3A_963, %ge3A_965 : vector<16xi32>
      %select_n3A_967 = arith.select %ge3A_966, %gather3A_960, %gather3A_956 : vector<16xi1>, vector<16xf32>
      %mul3A_968 = arith.constant 16 : i32
      %mul3A_969 = arith.muli %mul3A_287, %mul3A_968 : i32
      %add3A_970 = arith.constant 8 : i32
      %add3A_971 = arith.addi %mul3A_969, %add3A_970 : i32
      %broadcast_in_dim3A_972 = vector.broadcast %add3A_971 : i32 to vector<16xi32>
      tpu.vector_store_idx %arg9[%iota3A, %broadcast_in_dim3A_972], %select_n3A_967 : memref<16x512xf32, #tpu.memory_space<vmem>>[vector<16xi32>, vector<16xi32>], vector<16xf32>,
      %dma_wait3A_973 = arith.constant 0 : i32
      %dma_wait3A_974 = arith.constant 9 : i32
      %dma_wait3A_975 = arith.constant 0 : i32
      %dma_wait3A_976 = arith.constant 0 : i32
      %dma_wait3A_977 = tpu.memref_slice %arg7[%dma_wait3A_973, %dma_wait3A_974, %dma_wait3A_975, %dma_wait3A_976] : memref<2x16x16x128xf32, #tpu.memory_space<vmem>> -> memref<1x1x16x128xf32, #tpu.memory_space<vmem>>
      %dma_wait3A_978 = tpu.memref_squeeze %dma_wait3A_977 : memref<1x1x16x128xf32, #tpu.memory_space<vmem>> -> memref<16x128xf32, #tpu.memory_space<vmem>>
      %dma_wait3A_979 = arith.constant 0 : i32
      %dma_wait3A_980 = arith.constant 0 : i32
      %dma_wait3A_981 = tpu.memref_slice %arg2[%dma_wait3A_979, %dma_wait3A_980] : memref<16x1000000xf32, #tpu.memory_space<hbm>> -> memref<16x128xf32, #tpu.memory_space<hbm>>
      %dma_wait3A_982 = arith.constant 0 : i32
      %dma_wait3A_983 = arith.constant 0 : i32
      %dma_wait3A_984 = tpu.memref_slice %arg7[%dma_wait3A_973, %dma_wait3A_974, %dma_wait3A_982, %dma_wait3A_983] : memref<2x16x16x128xf32, #tpu.memory_space<vmem>> -> memref<1x1x16x128xf32, #tpu.memory_space<vmem>>
      %dma_wait3A_985 = tpu.memref_squeeze %dma_wait3A_984 : memref<1x1x16x128xf32, #tpu.memory_space<vmem>> -> memref<16x128xf32, #tpu.memory_space<vmem>>
      %dma_wait3A_986 = arith.constant 0 : i32
      %dma_wait3A_987 = arith.constant 0 : i32
      %dma_wait3A_988 = tpu.memref_slice %arg2[%dma_wait3A_986, %dma_wait3A_987] : memref<16x1000000xf32, #tpu.memory_space<hbm>> -> memref<16x128xf32, #tpu.memory_space<hbm>>
      tpu.wait_dma2 semaphore(%arg10 : memref<!tpu.dma_semaphore, #tpu.memory_space<semaphore_mem>>) src(%dma_wait3A_988 : memref<16x128xf32, #tpu.memory_space<hbm>>) dst(%dma_wait3A_985 : memref<16x128xf32, #tpu.memory_space<vmem>>)
      %slice3A_989 = vector.extract_strided_slice %min3A_592 {offsets = [9], sizes = [1], strides = [1]} : vector<16xi32> to vector<1xi32>
      %squeeze3A_990 = vector.extract %slice3A_989[0] : i32 from vector<1xi32>
      %broadcast_in_dim3A_991 = vector.broadcast %squeeze3A_990 : i32 to vector<16xi32>
      %gather3A_992 = arith.constant 0 : i32
      %gather3A_993 = arith.constant 9 : i32
      %gather3A_994 = arith.constant 0 : i32
      %gather3A_995 = arith.constant 0 : i32
      %gather3A_996 = tpu.memref_slice %arg7[%gather3A_992, %gather3A_993, %gather3A_994, %gather3A_995] : memref<2x16x16x128xf32, #tpu.memory_space<vmem>> -> memref<1x1x16x128xf32, #tpu.memory_space<vmem>>
      %gather3A_997 = tpu.memref_squeeze %gather3A_996 : memref<1x1x16x128xf32, #tpu.memory_space<vmem>> -> memref<16x128xf32, #tpu.memory_space<vmem>>
      %gather3A_998 = tpu.vector_load_idx %gather3A_997[%iota3A, %broadcast_in_dim3A_991] : memref<16x128xf32, #tpu.memory_space<vmem>>[vector<16xi32>, vector<16xi32>], vector<16xf32>,
      %slice3A_999 = vector.extract_strided_slice %min3A_599 {offsets = [9], sizes = [1], strides = [1]} : vector<16xi32> to vector<1xi32>
      %squeeze3A_1000 = vector.extract %slice3A_999[0] : i32 from vector<1xi32>
      %broadcast_in_dim3A_1001 = vector.broadcast %squeeze3A_1000 : i32 to vector<16xi32>
      %gather3A_1002 = tpu.vector_load_idx %arg8[%iota3A, %broadcast_in_dim3A_1001] : memref<16x128xf32, #tpu.memory_space<vmem>>[vector<16xi32>, vector<16xi32>], vector<16xf32>,
      %slice3A_1003 = vector.extract_strided_slice %get3A_580 {offsets = [9], sizes = [1], strides = [1]} : vector<16xi32> to vector<1xi32>
      %squeeze3A_1004 = vector.extract %slice3A_1003[0] : i32 from vector<1xi32>
      %broadcast_in_dim3A_1005 = vector.broadcast %squeeze3A_1004 : i32 to vector<16xi32>
      %ge3A_1006 = arith.constant 999936 : i32
      %ge3A_1007 = vector.broadcast %ge3A_1006 : i32 to vector<16xi32>
      %ge3A_1008 = arith.cmpi sge, %broadcast_in_dim3A_1005, %ge3A_1007 : vector<16xi32>
      %select_n3A_1009 = arith.select %ge3A_1008, %gather3A_1002, %gather3A_998 : vector<16xi1>, vector<16xf32>
      %mul3A_1010 = arith.constant 16 : i32
      %mul3A_1011 = arith.muli %mul3A_287, %mul3A_1010 : i32
      %add3A_1012 = arith.constant 9 : i32
      %add3A_1013 = arith.addi %mul3A_1011, %add3A_1012 : i32
      %broadcast_in_dim3A_1014 = vector.broadcast %add3A_1013 : i32 to vector<16xi32>
      tpu.vector_store_idx %arg9[%iota3A, %broadcast_in_dim3A_1014], %select_n3A_1009 : memref<16x512xf32, #tpu.memory_space<vmem>>[vector<16xi32>, vector<16xi32>], vector<16xf32>,
      %dma_wait3A_1015 = arith.constant 0 : i32
      %dma_wait3A_1016 = arith.constant 10 : i32
      %dma_wait3A_1017 = arith.constant 0 : i32
      %dma_wait3A_1018 = arith.constant 0 : i32
      %dma_wait3A_1019 = tpu.memref_slice %arg7[%dma_wait3A_1015, %dma_wait3A_1016, %dma_wait3A_1017, %dma_wait3A_1018] : memref<2x16x16x128xf32, #tpu.memory_space<vmem>> -> memref<1x1x16x128xf32, #tpu.memory_space<vmem>>
      %dma_wait3A_1020 = tpu.memref_squeeze %dma_wait3A_1019 : memref<1x1x16x128xf32, #tpu.memory_space<vmem>> -> memref<16x128xf32, #tpu.memory_space<vmem>>
      %dma_wait3A_1021 = arith.constant 0 : i32
      %dma_wait3A_1022 = arith.constant 0 : i32
      %dma_wait3A_1023 = tpu.memref_slice %arg2[%dma_wait3A_1021, %dma_wait3A_1022] : memref<16x1000000xf32, #tpu.memory_space<hbm>> -> memref<16x128xf32, #tpu.memory_space<hbm>>
      %dma_wait3A_1024 = arith.constant 0 : i32
      %dma_wait3A_1025 = arith.constant 0 : i32
      %dma_wait3A_1026 = tpu.memref_slice %arg7[%dma_wait3A_1015, %dma_wait3A_1016, %dma_wait3A_1024, %dma_wait3A_1025] : memref<2x16x16x128xf32, #tpu.memory_space<vmem>> -> memref<1x1x16x128xf32, #tpu.memory_space<vmem>>
      %dma_wait3A_1027 = tpu.memref_squeeze %dma_wait3A_1026 : memref<1x1x16x128xf32, #tpu.memory_space<vmem>> -> memref<16x128xf32, #tpu.memory_space<vmem>>
      %dma_wait3A_1028 = arith.constant 0 : i32
      %dma_wait3A_1029 = arith.constant 0 : i32
      %dma_wait3A_1030 = tpu.memref_slice %arg2[%dma_wait3A_1028, %dma_wait3A_1029] : memref<16x1000000xf32, #tpu.memory_space<hbm>> -> memref<16x128xf32, #tpu.memory_space<hbm>>
      tpu.wait_dma2 semaphore(%arg10 : memref<!tpu.dma_semaphore, #tpu.memory_space<semaphore_mem>>) src(%dma_wait3A_1030 : memref<16x128xf32, #tpu.memory_space<hbm>>) dst(%dma_wait3A_1027 : memref<16x128xf32, #tpu.memory_space<vmem>>)
      %slice3A_1031 = vector.extract_strided_slice %min3A_592 {offsets = [10], sizes = [1], strides = [1]} : vector<16xi32> to vector<1xi32>
      %squeeze3A_1032 = vector.extract %slice3A_1031[0] : i32 from vector<1xi32>
      %broadcast_in_dim3A_1033 = vector.broadcast %squeeze3A_1032 : i32 to vector<16xi32>
      %gather3A_1034 = arith.constant 0 : i32
      %gather3A_1035 = arith.constant 10 : i32
      %gather3A_1036 = arith.constant 0 : i32
      %gather3A_1037 = arith.constant 0 : i32
      %gather3A_1038 = tpu.memref_slice %arg7[%gather3A_1034, %gather3A_1035, %gather3A_1036, %gather3A_1037] : memref<2x16x16x128xf32, #tpu.memory_space<vmem>> -> memref<1x1x16x128xf32, #tpu.memory_space<vmem>>
      %gather3A_1039 = tpu.memref_squeeze %gather3A_1038 : memref<1x1x16x128xf32, #tpu.memory_space<vmem>> -> memref<16x128xf32, #tpu.memory_space<vmem>>
      %gather3A_1040 = tpu.vector_load_idx %gather3A_1039[%iota3A, %broadcast_in_dim3A_1033] : memref<16x128xf32, #tpu.memory_space<vmem>>[vector<16xi32>, vector<16xi32>], vector<16xf32>,
      %slice3A_1041 = vector.extract_strided_slice %min3A_599 {offsets = [10], sizes = [1], strides = [1]} : vector<16xi32> to vector<1xi32>
      %squeeze3A_1042 = vector.extract %slice3A_1041[0] : i32 from vector<1xi32>
      %broadcast_in_dim3A_1043 = vector.broadcast %squeeze3A_1042 : i32 to vector<16xi32>
      %gather3A_1044 = tpu.vector_load_idx %arg8[%iota3A, %broadcast_in_dim3A_1043] : memref<16x128xf32, #tpu.memory_space<vmem>>[vector<16xi32>, vector<16xi32>], vector<16xf32>,
      %slice3A_1045 = vector.extract_strided_slice %get3A_580 {offsets = [10], sizes = [1], strides = [1]} : vector<16xi32> to vector<1xi32>
      %squeeze3A_1046 = vector.extract %slice3A_1045[0] : i32 from vector<1xi32>
      %broadcast_in_dim3A_1047 = vector.broadcast %squeeze3A_1046 : i32 to vector<16xi32>
      %ge3A_1048 = arith.constant 999936 : i32
      %ge3A_1049 = vector.broadcast %ge3A_1048 : i32 to vector<16xi32>
      %ge3A_1050 = arith.cmpi sge, %broadcast_in_dim3A_1047, %ge3A_1049 : vector<16xi32>
      %select_n3A_1051 = arith.select %ge3A_1050, %gather3A_1044, %gather3A_1040 : vector<16xi1>, vector<16xf32>
      %mul3A_1052 = arith.constant 16 : i32
      %mul3A_1053 = arith.muli %mul3A_287, %mul3A_1052 : i32
      %add3A_1054 = arith.constant 10 : i32
      %add3A_1055 = arith.addi %mul3A_1053, %add3A_1054 : i32
      %broadcast_in_dim3A_1056 = vector.broadcast %add3A_1055 : i32 to vector<16xi32>
      tpu.vector_store_idx %arg9[%iota3A, %broadcast_in_dim3A_1056], %select_n3A_1051 : memref<16x512xf32, #tpu.memory_space<vmem>>[vector<16xi32>, vector<16xi32>], vector<16xf32>,
      %dma_wait3A_1057 = arith.constant 0 : i32
      %dma_wait3A_1058 = arith.constant 11 : i32
      %dma_wait3A_1059 = arith.constant 0 : i32
      %dma_wait3A_1060 = arith.constant 0 : i32
      %dma_wait3A_1061 = tpu.memref_slice %arg7[%dma_wait3A_1057, %dma_wait3A_1058, %dma_wait3A_1059, %dma_wait3A_1060] : memref<2x16x16x128xf32, #tpu.memory_space<vmem>> -> memref<1x1x16x128xf32, #tpu.memory_space<vmem>>
      %dma_wait3A_1062 = tpu.memref_squeeze %dma_wait3A_1061 : memref<1x1x16x128xf32, #tpu.memory_space<vmem>> -> memref<16x128xf32, #tpu.memory_space<vmem>>
      %dma_wait3A_1063 = arith.constant 0 : i32
      %dma_wait3A_1064 = arith.constant 0 : i32
      %dma_wait3A_1065 = tpu.memref_slice %arg2[%dma_wait3A_1063, %dma_wait3A_1064] : memref<16x1000000xf32, #tpu.memory_space<hbm>> -> memref<16x128xf32, #tpu.memory_space<hbm>>
      %dma_wait3A_1066 = arith.constant 0 : i32
      %dma_wait3A_1067 = arith.constant 0 : i32
      %dma_wait3A_1068 = tpu.memref_slice %arg7[%dma_wait3A_1057, %dma_wait3A_1058, %dma_wait3A_1066, %dma_wait3A_1067] : memref<2x16x16x128xf32, #tpu.memory_space<vmem>> -> memref<1x1x16x128xf32, #tpu.memory_space<vmem>>
      %dma_wait3A_1069 = tpu.memref_squeeze %dma_wait3A_1068 : memref<1x1x16x128xf32, #tpu.memory_space<vmem>> -> memref<16x128xf32, #tpu.memory_space<vmem>>
      %dma_wait3A_1070 = arith.constant 0 : i32
      %dma_wait3A_1071 = arith.constant 0 : i32
      %dma_wait3A_1072 = tpu.memref_slice %arg2[%dma_wait3A_1070, %dma_wait3A_1071] : memref<16x1000000xf32, #tpu.memory_space<hbm>> -> memref<16x128xf32, #tpu.memory_space<hbm>>
      tpu.wait_dma2 semaphore(%arg10 : memref<!tpu.dma_semaphore, #tpu.memory_space<semaphore_mem>>) src(%dma_wait3A_1072 : memref<16x128xf32, #tpu.memory_space<hbm>>) dst(%dma_wait3A_1069 : memref<16x128xf32, #tpu.memory_space<vmem>>)
      %slice3A_1073 = vector.extract_strided_slice %min3A_592 {offsets = [11], sizes = [1], strides = [1]} : vector<16xi32> to vector<1xi32>
      %squeeze3A_1074 = vector.extract %slice3A_1073[0] : i32 from vector<1xi32>
      %broadcast_in_dim3A_1075 = vector.broadcast %squeeze3A_1074 : i32 to vector<16xi32>
      %gather3A_1076 = arith.constant 0 : i32
      %gather3A_1077 = arith.constant 11 : i32
      %gather3A_1078 = arith.constant 0 : i32
      %gather3A_1079 = arith.constant 0 : i32
      %gather3A_1080 = tpu.memref_slice %arg7[%gather3A_1076, %gather3A_1077, %gather3A_1078, %gather3A_1079] : memref<2x16x16x128xf32, #tpu.memory_space<vmem>> -> memref<1x1x16x128xf32, #tpu.memory_space<vmem>>
      %gather3A_1081 = tpu.memref_squeeze %gather3A_1080 : memref<1x1x16x128xf32, #tpu.memory_space<vmem>> -> memref<16x128xf32, #tpu.memory_space<vmem>>
      %gather3A_1082 = tpu.vector_load_idx %gather3A_1081[%iota3A, %broadcast_in_dim3A_1075] : memref<16x128xf32, #tpu.memory_space<vmem>>[vector<16xi32>, vector<16xi32>], vector<16xf32>,
      %slice3A_1083 = vector.extract_strided_slice %min3A_599 {offsets = [11], sizes = [1], strides = [1]} : vector<16xi32> to vector<1xi32>
      %squeeze3A_1084 = vector.extract %slice3A_1083[0] : i32 from vector<1xi32>
      %broadcast_in_dim3A_1085 = vector.broadcast %squeeze3A_1084 : i32 to vector<16xi32>
      %gather3A_1086 = tpu.vector_load_idx %arg8[%iota3A, %broadcast_in_dim3A_1085] : memref<16x128xf32, #tpu.memory_space<vmem>>[vector<16xi32>, vector<16xi32>], vector<16xf32>,
      %slice3A_1087 = vector.extract_strided_slice %get3A_580 {offsets = [11], sizes = [1], strides = [1]} : vector<16xi32> to vector<1xi32>
      %squeeze3A_1088 = vector.extract %slice3A_1087[0] : i32 from vector<1xi32>
      %broadcast_in_dim3A_1089 = vector.broadcast %squeeze3A_1088 : i32 to vector<16xi32>
      %ge3A_1090 = arith.constant 999936 : i32
      %ge3A_1091 = vector.broadcast %ge3A_1090 : i32 to vector<16xi32>
      %ge3A_1092 = arith.cmpi sge, %broadcast_in_dim3A_1089, %ge3A_1091 : vector<16xi32>
      %select_n3A_1093 = arith.select %ge3A_1092, %gather3A_1086, %gather3A_1082 : vector<16xi1>, vector<16xf32>
      %mul3A_1094 = arith.constant 16 : i32
      %mul3A_1095 = arith.muli %mul3A_287, %mul3A_1094 : i32
      %add3A_1096 = arith.constant 11 : i32
      %add3A_1097 = arith.addi %mul3A_1095, %add3A_1096 : i32
      %broadcast_in_dim3A_1098 = vector.broadcast %add3A_1097 : i32 to vector<16xi32>
      tpu.vector_store_idx %arg9[%iota3A, %broadcast_in_dim3A_1098], %select_n3A_1093 : memref<16x512xf32, #tpu.memory_space<vmem>>[vector<16xi32>, vector<16xi32>], vector<16xf32>,
      %dma_wait3A_1099 = arith.constant 0 : i32
      %dma_wait3A_1100 = arith.constant 12 : i32
      %dma_wait3A_1101 = arith.constant 0 : i32
      %dma_wait3A_1102 = arith.constant 0 : i32
      %dma_wait3A_1103 = tpu.memref_slice %arg7[%dma_wait3A_1099, %dma_wait3A_1100, %dma_wait3A_1101, %dma_wait3A_1102] : memref<2x16x16x128xf32, #tpu.memory_space<vmem>> -> memref<1x1x16x128xf32, #tpu.memory_space<vmem>>
      %dma_wait3A_1104 = tpu.memref_squeeze %dma_wait3A_1103 : memref<1x1x16x128xf32, #tpu.memory_space<vmem>> -> memref<16x128xf32, #tpu.memory_space<vmem>>
      %dma_wait3A_1105 = arith.constant 0 : i32
      %dma_wait3A_1106 = arith.constant 0 : i32
      %dma_wait3A_1107 = tpu.memref_slice %arg2[%dma_wait3A_1105, %dma_wait3A_1106] : memref<16x1000000xf32, #tpu.memory_space<hbm>> -> memref<16x128xf32, #tpu.memory_space<hbm>>
      %dma_wait3A_1108 = arith.constant 0 : i32
      %dma_wait3A_1109 = arith.constant 0 : i32
      %dma_wait3A_1110 = tpu.memref_slice %arg7[%dma_wait3A_1099, %dma_wait3A_1100, %dma_wait3A_1108, %dma_wait3A_1109] : memref<2x16x16x128xf32, #tpu.memory_space<vmem>> -> memref<1x1x16x128xf32, #tpu.memory_space<vmem>>
      %dma_wait3A_1111 = tpu.memref_squeeze %dma_wait3A_1110 : memref<1x1x16x128xf32, #tpu.memory_space<vmem>> -> memref<16x128xf32, #tpu.memory_space<vmem>>
      %dma_wait3A_1112 = arith.constant 0 : i32
      %dma_wait3A_1113 = arith.constant 0 : i32
      %dma_wait3A_1114 = tpu.memref_slice %arg2[%dma_wait3A_1112, %dma_wait3A_1113] : memref<16x1000000xf32, #tpu.memory_space<hbm>> -> memref<16x128xf32, #tpu.memory_space<hbm>>
      tpu.wait_dma2 semaphore(%arg10 : memref<!tpu.dma_semaphore, #tpu.memory_space<semaphore_mem>>) src(%dma_wait3A_1114 : memref<16x128xf32, #tpu.memory_space<hbm>>) dst(%dma_wait3A_1111 : memref<16x128xf32, #tpu.memory_space<vmem>>)
      %slice3A_1115 = vector.extract_strided_slice %min3A_592 {offsets = [12], sizes = [1], strides = [1]} : vector<16xi32> to vector<1xi32>
      %squeeze3A_1116 = vector.extract %slice3A_1115[0] : i32 from vector<1xi32>
      %broadcast_in_dim3A_1117 = vector.broadcast %squeeze3A_1116 : i32 to vector<16xi32>
      %gather3A_1118 = arith.constant 0 : i32
      %gather3A_1119 = arith.constant 12 : i32
      %gather3A_1120 = arith.constant 0 : i32
      %gather3A_1121 = arith.constant 0 : i32
      %gather3A_1122 = tpu.memref_slice %arg7[%gather3A_1118, %gather3A_1119, %gather3A_1120, %gather3A_1121] : memref<2x16x16x128xf32, #tpu.memory_space<vmem>> -> memref<1x1x16x128xf32, #tpu.memory_space<vmem>>
      %gather3A_1123 = tpu.memref_squeeze %gather3A_1122 : memref<1x1x16x128xf32, #tpu.memory_space<vmem>> -> memref<16x128xf32, #tpu.memory_space<vmem>>
      %gather3A_1124 = tpu.vector_load_idx %gather3A_1123[%iota3A, %broadcast_in_dim3A_1117] : memref<16x128xf32, #tpu.memory_space<vmem>>[vector<16xi32>, vector<16xi32>], vector<16xf32>,
      %slice3A_1125 = vector.extract_strided_slice %min3A_599 {offsets = [12], sizes = [1], strides = [1]} : vector<16xi32> to vector<1xi32>
      %squeeze3A_1126 = vector.extract %slice3A_1125[0] : i32 from vector<1xi32>
      %broadcast_in_dim3A_1127 = vector.broadcast %squeeze3A_1126 : i32 to vector<16xi32>
      %gather3A_1128 = tpu.vector_load_idx %arg8[%iota3A, %broadcast_in_dim3A_1127] : memref<16x128xf32, #tpu.memory_space<vmem>>[vector<16xi32>, vector<16xi32>], vector<16xf32>,
      %slice3A_1129 = vector.extract_strided_slice %get3A_580 {offsets = [12], sizes = [1], strides = [1]} : vector<16xi32> to vector<1xi32>
      %squeeze3A_1130 = vector.extract %slice3A_1129[0] : i32 from vector<1xi32>
      %broadcast_in_dim3A_1131 = vector.broadcast %squeeze3A_1130 : i32 to vector<16xi32>
      %ge3A_1132 = arith.constant 999936 : i32
      %ge3A_1133 = vector.broadcast %ge3A_1132 : i32 to vector<16xi32>
      %ge3A_1134 = arith.cmpi sge, %broadcast_in_dim3A_1131, %ge3A_1133 : vector<16xi32>
      %select_n3A_1135 = arith.select %ge3A_1134, %gather3A_1128, %gather3A_1124 : vector<16xi1>, vector<16xf32>
      %mul3A_1136 = arith.constant 16 : i32
      %mul3A_1137 = arith.muli %mul3A_287, %mul3A_1136 : i32
      %add3A_1138 = arith.constant 12 : i32
      %add3A_1139 = arith.addi %mul3A_1137, %add3A_1138 : i32
      %broadcast_in_dim3A_1140 = vector.broadcast %add3A_1139 : i32 to vector<16xi32>
      tpu.vector_store_idx %arg9[%iota3A, %broadcast_in_dim3A_1140], %select_n3A_1135 : memref<16x512xf32, #tpu.memory_space<vmem>>[vector<16xi32>, vector<16xi32>], vector<16xf32>,
      %dma_wait3A_1141 = arith.constant 0 : i32
      %dma_wait3A_1142 = arith.constant 13 : i32
      %dma_wait3A_1143 = arith.constant 0 : i32
      %dma_wait3A_1144 = arith.constant 0 : i32
      %dma_wait3A_1145 = tpu.memref_slice %arg7[%dma_wait3A_1141, %dma_wait3A_1142, %dma_wait3A_1143, %dma_wait3A_1144] : memref<2x16x16x128xf32, #tpu.memory_space<vmem>> -> memref<1x1x16x128xf32, #tpu.memory_space<vmem>>
      %dma_wait3A_1146 = tpu.memref_squeeze %dma_wait3A_1145 : memref<1x1x16x128xf32, #tpu.memory_space<vmem>> -> memref<16x128xf32, #tpu.memory_space<vmem>>
      %dma_wait3A_1147 = arith.constant 0 : i32
      %dma_wait3A_1148 = arith.constant 0 : i32
      %dma_wait3A_1149 = tpu.memref_slice %arg2[%dma_wait3A_1147, %dma_wait3A_1148] : memref<16x1000000xf32, #tpu.memory_space<hbm>> -> memref<16x128xf32, #tpu.memory_space<hbm>>
      %dma_wait3A_1150 = arith.constant 0 : i32
      %dma_wait3A_1151 = arith.constant 0 : i32
      %dma_wait3A_1152 = tpu.memref_slice %arg7[%dma_wait3A_1141, %dma_wait3A_1142, %dma_wait3A_1150, %dma_wait3A_1151] : memref<2x16x16x128xf32, #tpu.memory_space<vmem>> -> memref<1x1x16x128xf32, #tpu.memory_space<vmem>>
      %dma_wait3A_1153 = tpu.memref_squeeze %dma_wait3A_1152 : memref<1x1x16x128xf32, #tpu.memory_space<vmem>> -> memref<16x128xf32, #tpu.memory_space<vmem>>
      %dma_wait3A_1154 = arith.constant 0 : i32
      %dma_wait3A_1155 = arith.constant 0 : i32
      %dma_wait3A_1156 = tpu.memref_slice %arg2[%dma_wait3A_1154, %dma_wait3A_1155] : memref<16x1000000xf32, #tpu.memory_space<hbm>> -> memref<16x128xf32, #tpu.memory_space<hbm>>
      tpu.wait_dma2 semaphore(%arg10 : memref<!tpu.dma_semaphore, #tpu.memory_space<semaphore_mem>>) src(%dma_wait3A_1156 : memref<16x128xf32, #tpu.memory_space<hbm>>) dst(%dma_wait3A_1153 : memref<16x128xf32, #tpu.memory_space<vmem>>)
      %slice3A_1157 = vector.extract_strided_slice %min3A_592 {offsets = [13], sizes = [1], strides = [1]} : vector<16xi32> to vector<1xi32>
      %squeeze3A_1158 = vector.extract %slice3A_1157[0] : i32 from vector<1xi32>
      %broadcast_in_dim3A_1159 = vector.broadcast %squeeze3A_1158 : i32 to vector<16xi32>
      %gather3A_1160 = arith.constant 0 : i32
      %gather3A_1161 = arith.constant 13 : i32
      %gather3A_1162 = arith.constant 0 : i32
      %gather3A_1163 = arith.constant 0 : i32
      %gather3A_1164 = tpu.memref_slice %arg7[%gather3A_1160, %gather3A_1161, %gather3A_1162, %gather3A_1163] : memref<2x16x16x128xf32, #tpu.memory_space<vmem>> -> memref<1x1x16x128xf32, #tpu.memory_space<vmem>>
      %gather3A_1165 = tpu.memref_squeeze %gather3A_1164 : memref<1x1x16x128xf32, #tpu.memory_space<vmem>> -> memref<16x128xf32, #tpu.memory_space<vmem>>
      %gather3A_1166 = tpu.vector_load_idx %gather3A_1165[%iota3A, %broadcast_in_dim3A_1159] : memref<16x128xf32, #tpu.memory_space<vmem>>[vector<16xi32>, vector<16xi32>], vector<16xf32>,
      %slice3A_1167 = vector.extract_strided_slice %min3A_599 {offsets = [13], sizes = [1], strides = [1]} : vector<16xi32> to vector<1xi32>
      %squeeze3A_1168 = vector.extract %slice3A_1167[0] : i32 from vector<1xi32>
      %broadcast_in_dim3A_1169 = vector.broadcast %squeeze3A_1168 : i32 to vector<16xi32>
      %gather3A_1170 = tpu.vector_load_idx %arg8[%iota3A, %broadcast_in_dim3A_1169] : memref<16x128xf32, #tpu.memory_space<vmem>>[vector<16xi32>, vector<16xi32>], vector<16xf32>,
      %slice3A_1171 = vector.extract_strided_slice %get3A_580 {offsets = [13], sizes = [1], strides = [1]} : vector<16xi32> to vector<1xi32>
      %squeeze3A_1172 = vector.extract %slice3A_1171[0] : i32 from vector<1xi32>
      %broadcast_in_dim3A_1173 = vector.broadcast %squeeze3A_1172 : i32 to vector<16xi32>
      %ge3A_1174 = arith.constant 999936 : i32
      %ge3A_1175 = vector.broadcast %ge3A_1174 : i32 to vector<16xi32>
      %ge3A_1176 = arith.cmpi sge, %broadcast_in_dim3A_1173, %ge3A_1175 : vector<16xi32>
      %select_n3A_1177 = arith.select %ge3A_1176, %gather3A_1170, %gather3A_1166 : vector<16xi1>, vector<16xf32>
      %mul3A_1178 = arith.constant 16 : i32
      %mul3A_1179 = arith.muli %mul3A_287, %mul3A_1178 : i32
      %add3A_1180 = arith.constant 13 : i32
      %add3A_1181 = arith.addi %mul3A_1179, %add3A_1180 : i32
      %broadcast_in_dim3A_1182 = vector.broadcast %add3A_1181 : i32 to vector<16xi32>
      tpu.vector_store_idx %arg9[%iota3A, %broadcast_in_dim3A_1182], %select_n3A_1177 : memref<16x512xf32, #tpu.memory_space<vmem>>[vector<16xi32>, vector<16xi32>], vector<16xf32>,
      %dma_wait3A_1183 = arith.constant 0 : i32
      %dma_wait3A_1184 = arith.constant 14 : i32
      %dma_wait3A_1185 = arith.constant 0 : i32
      %dma_wait3A_1186 = arith.constant 0 : i32
      %dma_wait3A_1187 = tpu.memref_slice %arg7[%dma_wait3A_1183, %dma_wait3A_1184, %dma_wait3A_1185, %dma_wait3A_1186] : memref<2x16x16x128xf32, #tpu.memory_space<vmem>> -> memref<1x1x16x128xf32, #tpu.memory_space<vmem>>
      %dma_wait3A_1188 = tpu.memref_squeeze %dma_wait3A_1187 : memref<1x1x16x128xf32, #tpu.memory_space<vmem>> -> memref<16x128xf32, #tpu.memory_space<vmem>>
      %dma_wait3A_1189 = arith.constant 0 : i32
      %dma_wait3A_1190 = arith.constant 0 : i32
      %dma_wait3A_1191 = tpu.memref_slice %arg2[%dma_wait3A_1189, %dma_wait3A_1190] : memref<16x1000000xf32, #tpu.memory_space<hbm>> -> memref<16x128xf32, #tpu.memory_space<hbm>>
      %dma_wait3A_1192 = arith.constant 0 : i32
      %dma_wait3A_1193 = arith.constant 0 : i32
      %dma_wait3A_1194 = tpu.memref_slice %arg7[%dma_wait3A_1183, %dma_wait3A_1184, %dma_wait3A_1192, %dma_wait3A_1193] : memref<2x16x16x128xf32, #tpu.memory_space<vmem>> -> memref<1x1x16x128xf32, #tpu.memory_space<vmem>>
      %dma_wait3A_1195 = tpu.memref_squeeze %dma_wait3A_1194 : memref<1x1x16x128xf32, #tpu.memory_space<vmem>> -> memref<16x128xf32, #tpu.memory_space<vmem>>
      %dma_wait3A_1196 = arith.constant 0 : i32
      %dma_wait3A_1197 = arith.constant 0 : i32
      %dma_wait3A_1198 = tpu.memref_slice %arg2[%dma_wait3A_1196, %dma_wait3A_1197] : memref<16x1000000xf32, #tpu.memory_space<hbm>> -> memref<16x128xf32, #tpu.memory_space<hbm>>
      tpu.wait_dma2 semaphore(%arg10 : memref<!tpu.dma_semaphore, #tpu.memory_space<semaphore_mem>>) src(%dma_wait3A_1198 : memref<16x128xf32, #tpu.memory_space<hbm>>) dst(%dma_wait3A_1195 : memref<16x128xf32, #tpu.memory_space<vmem>>)
      %slice3A_1199 = vector.extract_strided_slice %min3A_592 {offsets = [14], sizes = [1], strides = [1]} : vector<16xi32> to vector<1xi32>
      %squeeze3A_1200 = vector.extract %slice3A_1199[0] : i32 from vector<1xi32>
      %broadcast_in_dim3A_1201 = vector.broadcast %squeeze3A_1200 : i32 to vector<16xi32>
      %gather3A_1202 = arith.constant 0 : i32
      %gather3A_1203 = arith.constant 14 : i32
      %gather3A_1204 = arith.constant 0 : i32
      %gather3A_1205 = arith.constant 0 : i32
      %gather3A_1206 = tpu.memref_slice %arg7[%gather3A_1202, %gather3A_1203, %gather3A_1204, %gather3A_1205] : memref<2x16x16x128xf32, #tpu.memory_space<vmem>> -> memref<1x1x16x128xf32, #tpu.memory_space<vmem>>
      %gather3A_1207 = tpu.memref_squeeze %gather3A_1206 : memref<1x1x16x128xf32, #tpu.memory_space<vmem>> -> memref<16x128xf32, #tpu.memory_space<vmem>>
      %gather3A_1208 = tpu.vector_load_idx %gather3A_1207[%iota3A, %broadcast_in_dim3A_1201] : memref<16x128xf32, #tpu.memory_space<vmem>>[vector<16xi32>, vector<16xi32>], vector<16xf32>,
      %slice3A_1209 = vector.extract_strided_slice %min3A_599 {offsets = [14], sizes = [1], strides = [1]} : vector<16xi32> to vector<1xi32>
      %squeeze3A_1210 = vector.extract %slice3A_1209[0] : i32 from vector<1xi32>
      %broadcast_in_dim3A_1211 = vector.broadcast %squeeze3A_1210 : i32 to vector<16xi32>
      %gather3A_1212 = tpu.vector_load_idx %arg8[%iota3A, %broadcast_in_dim3A_1211] : memref<16x128xf32, #tpu.memory_space<vmem>>[vector<16xi32>, vector<16xi32>], vector<16xf32>,
      %slice3A_1213 = vector.extract_strided_slice %get3A_580 {offsets = [14], sizes = [1], strides = [1]} : vector<16xi32> to vector<1xi32>
      %squeeze3A_1214 = vector.extract %slice3A_1213[0] : i32 from vector<1xi32>
      %broadcast_in_dim3A_1215 = vector.broadcast %squeeze3A_1214 : i32 to vector<16xi32>
      %ge3A_1216 = arith.constant 999936 : i32
      %ge3A_1217 = vector.broadcast %ge3A_1216 : i32 to vector<16xi32>
      %ge3A_1218 = arith.cmpi sge, %broadcast_in_dim3A_1215, %ge3A_1217 : vector<16xi32>
      %select_n3A_1219 = arith.select %ge3A_1218, %gather3A_1212, %gather3A_1208 : vector<16xi1>, vector<16xf32>
      %mul3A_1220 = arith.constant 16 : i32
      %mul3A_1221 = arith.muli %mul3A_287, %mul3A_1220 : i32
      %add3A_1222 = arith.constant 14 : i32
      %add3A_1223 = arith.addi %mul3A_1221, %add3A_1222 : i32
      %broadcast_in_dim3A_1224 = vector.broadcast %add3A_1223 : i32 to vector<16xi32>
      tpu.vector_store_idx %arg9[%iota3A, %broadcast_in_dim3A_1224], %select_n3A_1219 : memref<16x512xf32, #tpu.memory_space<vmem>>[vector<16xi32>, vector<16xi32>], vector<16xf32>,
      %dma_wait3A_1225 = arith.constant 0 : i32
      %dma_wait3A_1226 = arith.constant 15 : i32
      %dma_wait3A_1227 = arith.constant 0 : i32
      %dma_wait3A_1228 = arith.constant 0 : i32
      %dma_wait3A_1229 = tpu.memref_slice %arg7[%dma_wait3A_1225, %dma_wait3A_1226, %dma_wait3A_1227, %dma_wait3A_1228] : memref<2x16x16x128xf32, #tpu.memory_space<vmem>> -> memref<1x1x16x128xf32, #tpu.memory_space<vmem>>
      %dma_wait3A_1230 = tpu.memref_squeeze %dma_wait3A_1229 : memref<1x1x16x128xf32, #tpu.memory_space<vmem>> -> memref<16x128xf32, #tpu.memory_space<vmem>>
      %dma_wait3A_1231 = arith.constant 0 : i32
      %dma_wait3A_1232 = arith.constant 0 : i32
      %dma_wait3A_1233 = tpu.memref_slice %arg2[%dma_wait3A_1231, %dma_wait3A_1232] : memref<16x1000000xf32, #tpu.memory_space<hbm>> -> memref<16x128xf32, #tpu.memory_space<hbm>>
      %dma_wait3A_1234 = arith.constant 0 : i32
      %dma_wait3A_1235 = arith.constant 0 : i32
      %dma_wait3A_1236 = tpu.memref_slice %arg7[%dma_wait3A_1225, %dma_wait3A_1226, %dma_wait3A_1234, %dma_wait3A_1235] : memref<2x16x16x128xf32, #tpu.memory_space<vmem>> -> memref<1x1x16x128xf32, #tpu.memory_space<vmem>>
      %dma_wait3A_1237 = tpu.memref_squeeze %dma_wait3A_1236 : memref<1x1x16x128xf32, #tpu.memory_space<vmem>> -> memref<16x128xf32, #tpu.memory_space<vmem>>
      %dma_wait3A_1238 = arith.constant 0 : i32
      %dma_wait3A_1239 = arith.constant 0 : i32
      %dma_wait3A_1240 = tpu.memref_slice %arg2[%dma_wait3A_1238, %dma_wait3A_1239] : memref<16x1000000xf32, #tpu.memory_space<hbm>> -> memref<16x128xf32, #tpu.memory_space<hbm>>
      tpu.wait_dma2 semaphore(%arg10 : memref<!tpu.dma_semaphore, #tpu.memory_space<semaphore_mem>>) src(%dma_wait3A_1240 : memref<16x128xf32, #tpu.memory_space<hbm>>) dst(%dma_wait3A_1237 : memref<16x128xf32, #tpu.memory_space<vmem>>)
      %slice3A_1241 = vector.extract_strided_slice %min3A_592 {offsets = [15], sizes = [1], strides = [1]} : vector<16xi32> to vector<1xi32>
      %squeeze3A_1242 = vector.extract %slice3A_1241[0] : i32 from vector<1xi32>
      %broadcast_in_dim3A_1243 = vector.broadcast %squeeze3A_1242 : i32 to vector<16xi32>
      %gather3A_1244 = arith.constant 0 : i32
      %gather3A_1245 = arith.constant 15 : i32
      %gather3A_1246 = arith.constant 0 : i32
      %gather3A_1247 = arith.constant 0 : i32
      %gather3A_1248 = tpu.memref_slice %arg7[%gather3A_1244, %gather3A_1245, %gather3A_1246, %gather3A_1247] : memref<2x16x16x128xf32, #tpu.memory_space<vmem>> -> memref<1x1x16x128xf32, #tpu.memory_space<vmem>>
      %gather3A_1249 = tpu.memref_squeeze %gather3A_1248 : memref<1x1x16x128xf32, #tpu.memory_space<vmem>> -> memref<16x128xf32, #tpu.memory_space<vmem>>
      %gather3A_1250 = tpu.vector_load_idx %gather3A_1249[%iota3A, %broadcast_in_dim3A_1243] : memref<16x128xf32, #tpu.memory_space<vmem>>[vector<16xi32>, vector<16xi32>], vector<16xf32>,
      %slice3A_1251 = vector.extract_strided_slice %min3A_599 {offsets = [15], sizes = [1], strides = [1]} : vector<16xi32> to vector<1xi32>
      %squeeze3A_1252 = vector.extract %slice3A_1251[0] : i32 from vector<1xi32>
      %broadcast_in_dim3A_1253 = vector.broadcast %squeeze3A_1252 : i32 to vector<16xi32>
      %gather3A_1254 = tpu.vector_load_idx %arg8[%iota3A, %broadcast_in_dim3A_1253] : memref<16x128xf32, #tpu.memory_space<vmem>>[vector<16xi32>, vector<16xi32>], vector<16xf32>,
      %slice3A_1255 = vector.extract_strided_slice %get3A_580 {offsets = [15], sizes = [1], strides = [1]} : vector<16xi32> to vector<1xi32>
      %squeeze3A_1256 = vector.extract %slice3A_1255[0] : i32 from vector<1xi32>
      %broadcast_in_dim3A_1257 = vector.broadcast %squeeze3A_1256 : i32 to vector<16xi32>
      %ge3A_1258 = arith.constant 999936 : i32
      %ge3A_1259 = vector.broadcast %ge3A_1258 : i32 to vector<16xi32>
      %ge3A_1260 = arith.cmpi sge, %broadcast_in_dim3A_1257, %ge3A_1259 : vector<16xi32>
      %select_n3A_1261 = arith.select %ge3A_1260, %gather3A_1254, %gather3A_1250 : vector<16xi1>, vector<16xf32>
      %mul3A_1262 = arith.constant 16 : i32
      %mul3A_1263 = arith.muli %mul3A_287, %mul3A_1262 : i32
      %add3A_1264 = arith.constant 15 : i32
      %add3A_1265 = arith.addi %mul3A_1263, %add3A_1264 : i32
      %broadcast_in_dim3A_1266 = vector.broadcast %add3A_1265 : i32 to vector<16xi32>
      tpu.vector_store_idx %arg9[%iota3A, %broadcast_in_dim3A_1266], %select_n3A_1261 : memref<16x512xf32, #tpu.memory_space<vmem>>[vector<16xi32>, vector<16xi32>], vector<16xf32>,
      %add3A_1267 = arith.constant 2 : i32
      %add3A_1268 = arith.addi %mul3A_287, %add3A_1267 : i32
      %lt3A = arith.constant 32 : i32
      %lt3A_1269 = arith.cmpi slt, %add3A_1268, %lt3A : i32
      %convert_element_type3A = arith.extui %lt3A_1269 : i1 to i32
      %cond3A = arith.constant 0 : i32
      %cond3A_1270 = arith.cmpi ne, %convert_element_type3A, %cond3A : i32
      scf.if %cond3A_1270 {
        %add3A_1972 = arith.constant 2 : i32
        %add3A_1973 = arith.addi %mul3A_287, %add3A_1972 : i32
        %mul3A_1974 = arith.constant 16 : i32
        %mul3A_1975 = arith.muli %add3A_1973, %mul3A_1974 : i32
        %multiple_of3A_1976 = tpu.assume_multiple %mul3A_1975, 16 : i32
        %get3A_1977 = arith.index_cast %multiple_of3A_1976 : i32 to index
        %get3A_1978 = tpu.vector_load %arg6[%get3A_1977] {strides = array<i32>} : memref<512xi32, #tpu.memory_space<vmem>>, vector<16xi32>,
        %shift_right_arithmetic3A_1979 = arith.constant 7 : i32
        %shift_right_arithmetic3A_1980 = vector.broadcast %shift_right_arithmetic3A_1979 : i32 to vector<16xi32>
        %shift_right_arithmetic3A_1981 = arith.shrsi %get3A_1978, %shift_right_arithmetic3A_1980 : vector<16xi32>
        %shift_left3A_1982 = arith.constant 7 : i32
        %shift_left3A_1983 = vector.broadcast %shift_left3A_1982 : i32 to vector<16xi32>
        %shift_left3A_1984 = arith.shli %shift_right_arithmetic3A_1981, %shift_left3A_1983 : vector<16xi32>
        %min3A_1985 = arith.constant 999808 : i32
        %min3A_1986 = vector.broadcast %min3A_1985 : i32 to vector<16xi32>
        %min3A_1987 = arith.minsi %shift_left3A_1984, %min3A_1986 : vector<16xi32>
        %slice3A_1988 = vector.extract_strided_slice %min3A_1987 {offsets = [0], sizes = [1], strides = [1]} : vector<16xi32> to vector<1xi32>
        %squeeze3A_1989 = vector.extract %slice3A_1988[0] : i32 from vector<1xi32>
        %multiple_of3A_1990 = tpu.assume_multiple %squeeze3A_1989, 128 : i32
        %dma_start3A_1991 = arith.constant 0 : i32
        %dma_start3A_1992 = arith.constant 0 : i32
        %dma_start3A_1993 = arith.constant 0 : i32
        %dma_start3A_1994 = arith.constant 0 : i32
        %dma_start3A_1995 = tpu.memref_slice %arg7[%dma_start3A_1991, %dma_start3A_1992, %dma_start3A_1993, %dma_start3A_1994] : memref<2x16x16x128xf32, #tpu.memory_space<vmem>> -> memref<1x1x16x128xf32, #tpu.memory_space<vmem>>
        %dma_start3A_1996 = tpu.memref_squeeze %dma_start3A_1995 : memref<1x1x16x128xf32, #tpu.memory_space<vmem>> -> memref<16x128xf32, #tpu.memory_space<vmem>>
        %dma_start3A_1997 = arith.constant 0 : i32
        %dma_start3A_1998 = tpu.memref_slice %arg2[%dma_start3A_1997, %multiple_of3A_1990] : memref<16x1000000xf32, #tpu.memory_space<hbm>> -> memref<16x128xf32, #tpu.memory_space<hbm>>
        %dma_start3A_1999 = arith.constant 0 : i32
        %dma_start3A_2000 = arith.constant 0 : i32
        %dma_start3A_2001 = tpu.memref_slice %arg7[%dma_start3A_1991, %dma_start3A_1992, %dma_start3A_1999, %dma_start3A_2000] : memref<2x16x16x128xf32, #tpu.memory_space<vmem>> -> memref<1x1x16x128xf32, #tpu.memory_space<vmem>>
        %dma_start3A_2002 = tpu.memref_squeeze %dma_start3A_2001 : memref<1x1x16x128xf32, #tpu.memory_space<vmem>> -> memref<16x128xf32, #tpu.memory_space<vmem>>
        %dma_start3A_2003 = arith.constant 0 : i32
        %dma_start3A_2004 = tpu.memref_slice %arg2[%dma_start3A_2003, %multiple_of3A_1990] : memref<16x1000000xf32, #tpu.memory_space<hbm>> -> memref<16x128xf32, #tpu.memory_space<hbm>>
        tpu.enqueue_dma source(%dma_start3A_2004 : memref<16x128xf32, #tpu.memory_space<hbm>>) target(%dma_start3A_2002 : memref<16x128xf32, #tpu.memory_space<vmem>>) target_semaphore(%arg10 : memref<!tpu.dma_semaphore, #tpu.memory_space<semaphore_mem>>)
        %slice3A_2005 = vector.extract_strided_slice %min3A_1987 {offsets = [1], sizes = [1], strides = [1]} : vector<16xi32> to vector<1xi32>
        %squeeze3A_2006 = vector.extract %slice3A_2005[0] : i32 from vector<1xi32>
        %multiple_of3A_2007 = tpu.assume_multiple %squeeze3A_2006, 128 : i32
        %dma_start3A_2008 = arith.constant 0 : i32
        %dma_start3A_2009 = arith.constant 1 : i32
        %dma_start3A_2010 = arith.constant 0 : i32
        %dma_start3A_2011 = arith.constant 0 : i32
        %dma_start3A_2012 = tpu.memref_slice %arg7[%dma_start3A_2008, %dma_start3A_2009, %dma_start3A_2010, %dma_start3A_2011] : memref<2x16x16x128xf32, #tpu.memory_space<vmem>> -> memref<1x1x16x128xf32, #tpu.memory_space<vmem>>
        %dma_start3A_2013 = tpu.memref_squeeze %dma_start3A_2012 : memref<1x1x16x128xf32, #tpu.memory_space<vmem>> -> memref<16x128xf32, #tpu.memory_space<vmem>>
        %dma_start3A_2014 = arith.constant 0 : i32
        %dma_start3A_2015 = tpu.memref_slice %arg2[%dma_start3A_2014, %multiple_of3A_2007] : memref<16x1000000xf32, #tpu.memory_space<hbm>> -> memref<16x128xf32, #tpu.memory_space<hbm>>
        %dma_start3A_2016 = arith.constant 0 : i32
        %dma_start3A_2017 = arith.constant 0 : i32
        %dma_start3A_2018 = tpu.memref_slice %arg7[%dma_start3A_2008, %dma_start3A_2009, %dma_start3A_2016, %dma_start3A_2017] : memref<2x16x16x128xf32, #tpu.memory_space<vmem>> -> memref<1x1x16x128xf32, #tpu.memory_space<vmem>>
        %dma_start3A_2019 = tpu.memref_squeeze %dma_start3A_2018 : memref<1x1x16x128xf32, #tpu.memory_space<vmem>> -> memref<16x128xf32, #tpu.memory_space<vmem>>
        %dma_start3A_2020 = arith.constant 0 : i32
        %dma_start3A_2021 = tpu.memref_slice %arg2[%dma_start3A_2020, %multiple_of3A_2007] : memref<16x1000000xf32, #tpu.memory_space<hbm>> -> memref<16x128xf32, #tpu.memory_space<hbm>>
        tpu.enqueue_dma source(%dma_start3A_2021 : memref<16x128xf32, #tpu.memory_space<hbm>>) target(%dma_start3A_2019 : memref<16x128xf32, #tpu.memory_space<vmem>>) target_semaphore(%arg10 : memref<!tpu.dma_semaphore, #tpu.memory_space<semaphore_mem>>)
        %slice3A_2022 = vector.extract_strided_slice %min3A_1987 {offsets = [2], sizes = [1], strides = [1]} : vector<16xi32> to vector<1xi32>
        %squeeze3A_2023 = vector.extract %slice3A_2022[0] : i32 from vector<1xi32>
        %multiple_of3A_2024 = tpu.assume_multiple %squeeze3A_2023, 128 : i32
        %dma_start3A_2025 = arith.constant 0 : i32
        %dma_start3A_2026 = arith.constant 2 : i32
        %dma_start3A_2027 = arith.constant 0 : i32
        %dma_start3A_2028 = arith.constant 0 : i32
        %dma_start3A_2029 = tpu.memref_slice %arg7[%dma_start3A_2025, %dma_start3A_2026, %dma_start3A_2027, %dma_start3A_2028] : memref<2x16x16x128xf32, #tpu.memory_space<vmem>> -> memref<1x1x16x128xf32, #tpu.memory_space<vmem>>
        %dma_start3A_2030 = tpu.memref_squeeze %dma_start3A_2029 : memref<1x1x16x128xf32, #tpu.memory_space<vmem>> -> memref<16x128xf32, #tpu.memory_space<vmem>>
        %dma_start3A_2031 = arith.constant 0 : i32
        %dma_start3A_2032 = tpu.memref_slice %arg2[%dma_start3A_2031, %multiple_of3A_2024] : memref<16x1000000xf32, #tpu.memory_space<hbm>> -> memref<16x128xf32, #tpu.memory_space<hbm>>
        %dma_start3A_2033 = arith.constant 0 : i32
        %dma_start3A_2034 = arith.constant 0 : i32
        %dma_start3A_2035 = tpu.memref_slice %arg7[%dma_start3A_2025, %dma_start3A_2026, %dma_start3A_2033, %dma_start3A_2034] : memref<2x16x16x128xf32, #tpu.memory_space<vmem>> -> memref<1x1x16x128xf32, #tpu.memory_space<vmem>>
        %dma_start3A_2036 = tpu.memref_squeeze %dma_start3A_2035 : memref<1x1x16x128xf32, #tpu.memory_space<vmem>> -> memref<16x128xf32, #tpu.memory_space<vmem>>
        %dma_start3A_2037 = arith.constant 0 : i32
        %dma_start3A_2038 = tpu.memref_slice %arg2[%dma_start3A_2037, %multiple_of3A_2024] : memref<16x1000000xf32, #tpu.memory_space<hbm>> -> memref<16x128xf32, #tpu.memory_space<hbm>>
        tpu.enqueue_dma source(%dma_start3A_2038 : memref<16x128xf32, #tpu.memory_space<hbm>>) target(%dma_start3A_2036 : memref<16x128xf32, #tpu.memory_space<vmem>>) target_semaphore(%arg10 : memref<!tpu.dma_semaphore, #tpu.memory_space<semaphore_mem>>)
        %slice3A_2039 = vector.extract_strided_slice %min3A_1987 {offsets = [3], sizes = [1], strides = [1]} : vector<16xi32> to vector<1xi32>
        %squeeze3A_2040 = vector.extract %slice3A_2039[0] : i32 from vector<1xi32>
        %multiple_of3A_2041 = tpu.assume_multiple %squeeze3A_2040, 128 : i32
        %dma_start3A_2042 = arith.constant 0 : i32
        %dma_start3A_2043 = arith.constant 3 : i32
        %dma_start3A_2044 = arith.constant 0 : i32
        %dma_start3A_2045 = arith.constant 0 : i32
        %dma_start3A_2046 = tpu.memref_slice %arg7[%dma_start3A_2042, %dma_start3A_2043, %dma_start3A_2044, %dma_start3A_2045] : memref<2x16x16x128xf32, #tpu.memory_space<vmem>> -> memref<1x1x16x128xf32, #tpu.memory_space<vmem>>
        %dma_start3A_2047 = tpu.memref_squeeze %dma_start3A_2046 : memref<1x1x16x128xf32, #tpu.memory_space<vmem>> -> memref<16x128xf32, #tpu.memory_space<vmem>>
        %dma_start3A_2048 = arith.constant 0 : i32
        %dma_start3A_2049 = tpu.memref_slice %arg2[%dma_start3A_2048, %multiple_of3A_2041] : memref<16x1000000xf32, #tpu.memory_space<hbm>> -> memref<16x128xf32, #tpu.memory_space<hbm>>
        %dma_start3A_2050 = arith.constant 0 : i32
        %dma_start3A_2051 = arith.constant 0 : i32
        %dma_start3A_2052 = tpu.memref_slice %arg7[%dma_start3A_2042, %dma_start3A_2043, %dma_start3A_2050, %dma_start3A_2051] : memref<2x16x16x128xf32, #tpu.memory_space<vmem>> -> memref<1x1x16x128xf32, #tpu.memory_space<vmem>>
        %dma_start3A_2053 = tpu.memref_squeeze %dma_start3A_2052 : memref<1x1x16x128xf32, #tpu.memory_space<vmem>> -> memref<16x128xf32, #tpu.memory_space<vmem>>
        %dma_start3A_2054 = arith.constant 0 : i32
        %dma_start3A_2055 = tpu.memref_slice %arg2[%dma_start3A_2054, %multiple_of3A_2041] : memref<16x1000000xf32, #tpu.memory_space<hbm>> -> memref<16x128xf32, #tpu.memory_space<hbm>>
        tpu.enqueue_dma source(%dma_start3A_2055 : memref<16x128xf32, #tpu.memory_space<hbm>>) target(%dma_start3A_2053 : memref<16x128xf32, #tpu.memory_space<vmem>>) target_semaphore(%arg10 : memref<!tpu.dma_semaphore, #tpu.memory_space<semaphore_mem>>)
        %slice3A_2056 = vector.extract_strided_slice %min3A_1987 {offsets = [4], sizes = [1], strides = [1]} : vector<16xi32> to vector<1xi32>
        %squeeze3A_2057 = vector.extract %slice3A_2056[0] : i32 from vector<1xi32>
        %multiple_of3A_2058 = tpu.assume_multiple %squeeze3A_2057, 128 : i32
        %dma_start3A_2059 = arith.constant 0 : i32
        %dma_start3A_2060 = arith.constant 4 : i32
        %dma_start3A_2061 = arith.constant 0 : i32
        %dma_start3A_2062 = arith.constant 0 : i32
        %dma_start3A_2063 = tpu.memref_slice %arg7[%dma_start3A_2059, %dma_start3A_2060, %dma_start3A_2061, %dma_start3A_2062] : memref<2x16x16x128xf32, #tpu.memory_space<vmem>> -> memref<1x1x16x128xf32, #tpu.memory_space<vmem>>
        %dma_start3A_2064 = tpu.memref_squeeze %dma_start3A_2063 : memref<1x1x16x128xf32, #tpu.memory_space<vmem>> -> memref<16x128xf32, #tpu.memory_space<vmem>>
        %dma_start3A_2065 = arith.constant 0 : i32
        %dma_start3A_2066 = tpu.memref_slice %arg2[%dma_start3A_2065, %multiple_of3A_2058] : memref<16x1000000xf32, #tpu.memory_space<hbm>> -> memref<16x128xf32, #tpu.memory_space<hbm>>
        %dma_start3A_2067 = arith.constant 0 : i32
        %dma_start3A_2068 = arith.constant 0 : i32
        %dma_start3A_2069 = tpu.memref_slice %arg7[%dma_start3A_2059, %dma_start3A_2060, %dma_start3A_2067, %dma_start3A_2068] : memref<2x16x16x128xf32, #tpu.memory_space<vmem>> -> memref<1x1x16x128xf32, #tpu.memory_space<vmem>>
        %dma_start3A_2070 = tpu.memref_squeeze %dma_start3A_2069 : memref<1x1x16x128xf32, #tpu.memory_space<vmem>> -> memref<16x128xf32, #tpu.memory_space<vmem>>
        %dma_start3A_2071 = arith.constant 0 : i32
        %dma_start3A_2072 = tpu.memref_slice %arg2[%dma_start3A_2071, %multiple_of3A_2058] : memref<16x1000000xf32, #tpu.memory_space<hbm>> -> memref<16x128xf32, #tpu.memory_space<hbm>>
        tpu.enqueue_dma source(%dma_start3A_2072 : memref<16x128xf32, #tpu.memory_space<hbm>>) target(%dma_start3A_2070 : memref<16x128xf32, #tpu.memory_space<vmem>>) target_semaphore(%arg10 : memref<!tpu.dma_semaphore, #tpu.memory_space<semaphore_mem>>)
        %slice3A_2073 = vector.extract_strided_slice %min3A_1987 {offsets = [5], sizes = [1], strides = [1]} : vector<16xi32> to vector<1xi32>
        %squeeze3A_2074 = vector.extract %slice3A_2073[0] : i32 from vector<1xi32>
        %multiple_of3A_2075 = tpu.assume_multiple %squeeze3A_2074, 128 : i32
        %dma_start3A_2076 = arith.constant 0 : i32
        %dma_start3A_2077 = arith.constant 5 : i32
        %dma_start3A_2078 = arith.constant 0 : i32
        %dma_start3A_2079 = arith.constant 0 : i32
        %dma_start3A_2080 = tpu.memref_slice %arg7[%dma_start3A_2076, %dma_start3A_2077, %dma_start3A_2078, %dma_start3A_2079] : memref<2x16x16x128xf32, #tpu.memory_space<vmem>> -> memref<1x1x16x128xf32, #tpu.memory_space<vmem>>
        %dma_start3A_2081 = tpu.memref_squeeze %dma_start3A_2080 : memref<1x1x16x128xf32, #tpu.memory_space<vmem>> -> memref<16x128xf32, #tpu.memory_space<vmem>>
        %dma_start3A_2082 = arith.constant 0 : i32
        %dma_start3A_2083 = tpu.memref_slice %arg2[%dma_start3A_2082, %multiple_of3A_2075] : memref<16x1000000xf32, #tpu.memory_space<hbm>> -> memref<16x128xf32, #tpu.memory_space<hbm>>
        %dma_start3A_2084 = arith.constant 0 : i32
        %dma_start3A_2085 = arith.constant 0 : i32
        %dma_start3A_2086 = tpu.memref_slice %arg7[%dma_start3A_2076, %dma_start3A_2077, %dma_start3A_2084, %dma_start3A_2085] : memref<2x16x16x128xf32, #tpu.memory_space<vmem>> -> memref<1x1x16x128xf32, #tpu.memory_space<vmem>>
        %dma_start3A_2087 = tpu.memref_squeeze %dma_start3A_2086 : memref<1x1x16x128xf32, #tpu.memory_space<vmem>> -> memref<16x128xf32, #tpu.memory_space<vmem>>
        %dma_start3A_2088 = arith.constant 0 : i32
        %dma_start3A_2089 = tpu.memref_slice %arg2[%dma_start3A_2088, %multiple_of3A_2075] : memref<16x1000000xf32, #tpu.memory_space<hbm>> -> memref<16x128xf32, #tpu.memory_space<hbm>>
        tpu.enqueue_dma source(%dma_start3A_2089 : memref<16x128xf32, #tpu.memory_space<hbm>>) target(%dma_start3A_2087 : memref<16x128xf32, #tpu.memory_space<vmem>>) target_semaphore(%arg10 : memref<!tpu.dma_semaphore, #tpu.memory_space<semaphore_mem>>)
        %slice3A_2090 = vector.extract_strided_slice %min3A_1987 {offsets = [6], sizes = [1], strides = [1]} : vector<16xi32> to vector<1xi32>
        %squeeze3A_2091 = vector.extract %slice3A_2090[0] : i32 from vector<1xi32>
        %multiple_of3A_2092 = tpu.assume_multiple %squeeze3A_2091, 128 : i32
        %dma_start3A_2093 = arith.constant 0 : i32
        %dma_start3A_2094 = arith.constant 6 : i32
        %dma_start3A_2095 = arith.constant 0 : i32
        %dma_start3A_2096 = arith.constant 0 : i32
        %dma_start3A_2097 = tpu.memref_slice %arg7[%dma_start3A_2093, %dma_start3A_2094, %dma_start3A_2095, %dma_start3A_2096] : memref<2x16x16x128xf32, #tpu.memory_space<vmem>> -> memref<1x1x16x128xf32, #tpu.memory_space<vmem>>
        %dma_start3A_2098 = tpu.memref_squeeze %dma_start3A_2097 : memref<1x1x16x128xf32, #tpu.memory_space<vmem>> -> memref<16x128xf32, #tpu.memory_space<vmem>>
        %dma_start3A_2099 = arith.constant 0 : i32
        %dma_start3A_2100 = tpu.memref_slice %arg2[%dma_start3A_2099, %multiple_of3A_2092] : memref<16x1000000xf32, #tpu.memory_space<hbm>> -> memref<16x128xf32, #tpu.memory_space<hbm>>
        %dma_start3A_2101 = arith.constant 0 : i32
        %dma_start3A_2102 = arith.constant 0 : i32
        %dma_start3A_2103 = tpu.memref_slice %arg7[%dma_start3A_2093, %dma_start3A_2094, %dma_start3A_2101, %dma_start3A_2102] : memref<2x16x16x128xf32, #tpu.memory_space<vmem>> -> memref<1x1x16x128xf32, #tpu.memory_space<vmem>>
        %dma_start3A_2104 = tpu.memref_squeeze %dma_start3A_2103 : memref<1x1x16x128xf32, #tpu.memory_space<vmem>> -> memref<16x128xf32, #tpu.memory_space<vmem>>
        %dma_start3A_2105 = arith.constant 0 : i32
        %dma_start3A_2106 = tpu.memref_slice %arg2[%dma_start3A_2105, %multiple_of3A_2092] : memref<16x1000000xf32, #tpu.memory_space<hbm>> -> memref<16x128xf32, #tpu.memory_space<hbm>>
        tpu.enqueue_dma source(%dma_start3A_2106 : memref<16x128xf32, #tpu.memory_space<hbm>>) target(%dma_start3A_2104 : memref<16x128xf32, #tpu.memory_space<vmem>>) target_semaphore(%arg10 : memref<!tpu.dma_semaphore, #tpu.memory_space<semaphore_mem>>)
        %slice3A_2107 = vector.extract_strided_slice %min3A_1987 {offsets = [7], sizes = [1], strides = [1]} : vector<16xi32> to vector<1xi32>
        %squeeze3A_2108 = vector.extract %slice3A_2107[0] : i32 from vector<1xi32>
        %multiple_of3A_2109 = tpu.assume_multiple %squeeze3A_2108, 128 : i32
        %dma_start3A_2110 = arith.constant 0 : i32
        %dma_start3A_2111 = arith.constant 7 : i32
        %dma_start3A_2112 = arith.constant 0 : i32
        %dma_start3A_2113 = arith.constant 0 : i32
        %dma_start3A_2114 = tpu.memref_slice %arg7[%dma_start3A_2110, %dma_start3A_2111, %dma_start3A_2112, %dma_start3A_2113] : memref<2x16x16x128xf32, #tpu.memory_space<vmem>> -> memref<1x1x16x128xf32, #tpu.memory_space<vmem>>
        %dma_start3A_2115 = tpu.memref_squeeze %dma_start3A_2114 : memref<1x1x16x128xf32, #tpu.memory_space<vmem>> -> memref<16x128xf32, #tpu.memory_space<vmem>>
        %dma_start3A_2116 = arith.constant 0 : i32
        %dma_start3A_2117 = tpu.memref_slice %arg2[%dma_start3A_2116, %multiple_of3A_2109] : memref<16x1000000xf32, #tpu.memory_space<hbm>> -> memref<16x128xf32, #tpu.memory_space<hbm>>
        %dma_start3A_2118 = arith.constant 0 : i32
        %dma_start3A_2119 = arith.constant 0 : i32
        %dma_start3A_2120 = tpu.memref_slice %arg7[%dma_start3A_2110, %dma_start3A_2111, %dma_start3A_2118, %dma_start3A_2119] : memref<2x16x16x128xf32, #tpu.memory_space<vmem>> -> memref<1x1x16x128xf32, #tpu.memory_space<vmem>>
        %dma_start3A_2121 = tpu.memref_squeeze %dma_start3A_2120 : memref<1x1x16x128xf32, #tpu.memory_space<vmem>> -> memref<16x128xf32, #tpu.memory_space<vmem>>
        %dma_start3A_2122 = arith.constant 0 : i32
        %dma_start3A_2123 = tpu.memref_slice %arg2[%dma_start3A_2122, %multiple_of3A_2109] : memref<16x1000000xf32, #tpu.memory_space<hbm>> -> memref<16x128xf32, #tpu.memory_space<hbm>>
        tpu.enqueue_dma source(%dma_start3A_2123 : memref<16x128xf32, #tpu.memory_space<hbm>>) target(%dma_start3A_2121 : memref<16x128xf32, #tpu.memory_space<vmem>>) target_semaphore(%arg10 : memref<!tpu.dma_semaphore, #tpu.memory_space<semaphore_mem>>)
        %slice3A_2124 = vector.extract_strided_slice %min3A_1987 {offsets = [8], sizes = [1], strides = [1]} : vector<16xi32> to vector<1xi32>
        %squeeze3A_2125 = vector.extract %slice3A_2124[0] : i32 from vector<1xi32>
        %multiple_of3A_2126 = tpu.assume_multiple %squeeze3A_2125, 128 : i32
        %dma_start3A_2127 = arith.constant 0 : i32
        %dma_start3A_2128 = arith.constant 8 : i32
        %dma_start3A_2129 = arith.constant 0 : i32
        %dma_start3A_2130 = arith.constant 0 : i32
        %dma_start3A_2131 = tpu.memref_slice %arg7[%dma_start3A_2127, %dma_start3A_2128, %dma_start3A_2129, %dma_start3A_2130] : memref<2x16x16x128xf32, #tpu.memory_space<vmem>> -> memref<1x1x16x128xf32, #tpu.memory_space<vmem>>
        %dma_start3A_2132 = tpu.memref_squeeze %dma_start3A_2131 : memref<1x1x16x128xf32, #tpu.memory_space<vmem>> -> memref<16x128xf32, #tpu.memory_space<vmem>>
        %dma_start3A_2133 = arith.constant 0 : i32
        %dma_start3A_2134 = tpu.memref_slice %arg2[%dma_start3A_2133, %multiple_of3A_2126] : memref<16x1000000xf32, #tpu.memory_space<hbm>> -> memref<16x128xf32, #tpu.memory_space<hbm>>
        %dma_start3A_2135 = arith.constant 0 : i32
        %dma_start3A_2136 = arith.constant 0 : i32
        %dma_start3A_2137 = tpu.memref_slice %arg7[%dma_start3A_2127, %dma_start3A_2128, %dma_start3A_2135, %dma_start3A_2136] : memref<2x16x16x128xf32, #tpu.memory_space<vmem>> -> memref<1x1x16x128xf32, #tpu.memory_space<vmem>>
        %dma_start3A_2138 = tpu.memref_squeeze %dma_start3A_2137 : memref<1x1x16x128xf32, #tpu.memory_space<vmem>> -> memref<16x128xf32, #tpu.memory_space<vmem>>
        %dma_start3A_2139 = arith.constant 0 : i32
        %dma_start3A_2140 = tpu.memref_slice %arg2[%dma_start3A_2139, %multiple_of3A_2126] : memref<16x1000000xf32, #tpu.memory_space<hbm>> -> memref<16x128xf32, #tpu.memory_space<hbm>>
        tpu.enqueue_dma source(%dma_start3A_2140 : memref<16x128xf32, #tpu.memory_space<hbm>>) target(%dma_start3A_2138 : memref<16x128xf32, #tpu.memory_space<vmem>>) target_semaphore(%arg10 : memref<!tpu.dma_semaphore, #tpu.memory_space<semaphore_mem>>)
        %slice3A_2141 = vector.extract_strided_slice %min3A_1987 {offsets = [9], sizes = [1], strides = [1]} : vector<16xi32> to vector<1xi32>
        %squeeze3A_2142 = vector.extract %slice3A_2141[0] : i32 from vector<1xi32>
        %multiple_of3A_2143 = tpu.assume_multiple %squeeze3A_2142, 128 : i32
        %dma_start3A_2144 = arith.constant 0 : i32
        %dma_start3A_2145 = arith.constant 9 : i32
        %dma_start3A_2146 = arith.constant 0 : i32
        %dma_start3A_2147 = arith.constant 0 : i32
        %dma_start3A_2148 = tpu.memref_slice %arg7[%dma_start3A_2144, %dma_start3A_2145, %dma_start3A_2146, %dma_start3A_2147] : memref<2x16x16x128xf32, #tpu.memory_space<vmem>> -> memref<1x1x16x128xf32, #tpu.memory_space<vmem>>
        %dma_start3A_2149 = tpu.memref_squeeze %dma_start3A_2148 : memref<1x1x16x128xf32, #tpu.memory_space<vmem>> -> memref<16x128xf32, #tpu.memory_space<vmem>>
        %dma_start3A_2150 = arith.constant 0 : i32
        %dma_start3A_2151 = tpu.memref_slice %arg2[%dma_start3A_2150, %multiple_of3A_2143] : memref<16x1000000xf32, #tpu.memory_space<hbm>> -> memref<16x128xf32, #tpu.memory_space<hbm>>
        %dma_start3A_2152 = arith.constant 0 : i32
        %dma_start3A_2153 = arith.constant 0 : i32
        %dma_start3A_2154 = tpu.memref_slice %arg7[%dma_start3A_2144, %dma_start3A_2145, %dma_start3A_2152, %dma_start3A_2153] : memref<2x16x16x128xf32, #tpu.memory_space<vmem>> -> memref<1x1x16x128xf32, #tpu.memory_space<vmem>>
        %dma_start3A_2155 = tpu.memref_squeeze %dma_start3A_2154 : memref<1x1x16x128xf32, #tpu.memory_space<vmem>> -> memref<16x128xf32, #tpu.memory_space<vmem>>
        %dma_start3A_2156 = arith.constant 0 : i32
        %dma_start3A_2157 = tpu.memref_slice %arg2[%dma_start3A_2156, %multiple_of3A_2143] : memref<16x1000000xf32, #tpu.memory_space<hbm>> -> memref<16x128xf32, #tpu.memory_space<hbm>>
        tpu.enqueue_dma source(%dma_start3A_2157 : memref<16x128xf32, #tpu.memory_space<hbm>>) target(%dma_start3A_2155 : memref<16x128xf32, #tpu.memory_space<vmem>>) target_semaphore(%arg10 : memref<!tpu.dma_semaphore, #tpu.memory_space<semaphore_mem>>)
        %slice3A_2158 = vector.extract_strided_slice %min3A_1987 {offsets = [10], sizes = [1], strides = [1]} : vector<16xi32> to vector<1xi32>
        %squeeze3A_2159 = vector.extract %slice3A_2158[0] : i32 from vector<1xi32>
        %multiple_of3A_2160 = tpu.assume_multiple %squeeze3A_2159, 128 : i32
        %dma_start3A_2161 = arith.constant 0 : i32
        %dma_start3A_2162 = arith.constant 10 : i32
        %dma_start3A_2163 = arith.constant 0 : i32
        %dma_start3A_2164 = arith.constant 0 : i32
        %dma_start3A_2165 = tpu.memref_slice %arg7[%dma_start3A_2161, %dma_start3A_2162, %dma_start3A_2163, %dma_start3A_2164] : memref<2x16x16x128xf32, #tpu.memory_space<vmem>> -> memref<1x1x16x128xf32, #tpu.memory_space<vmem>>
        %dma_start3A_2166 = tpu.memref_squeeze %dma_start3A_2165 : memref<1x1x16x128xf32, #tpu.memory_space<vmem>> -> memref<16x128xf32, #tpu.memory_space<vmem>>
        %dma_start3A_2167 = arith.constant 0 : i32
        %dma_start3A_2168 = tpu.memref_slice %arg2[%dma_start3A_2167, %multiple_of3A_2160] : memref<16x1000000xf32, #tpu.memory_space<hbm>> -> memref<16x128xf32, #tpu.memory_space<hbm>>
        %dma_start3A_2169 = arith.constant 0 : i32
        %dma_start3A_2170 = arith.constant 0 : i32
        %dma_start3A_2171 = tpu.memref_slice %arg7[%dma_start3A_2161, %dma_start3A_2162, %dma_start3A_2169, %dma_start3A_2170] : memref<2x16x16x128xf32, #tpu.memory_space<vmem>> -> memref<1x1x16x128xf32, #tpu.memory_space<vmem>>
        %dma_start3A_2172 = tpu.memref_squeeze %dma_start3A_2171 : memref<1x1x16x128xf32, #tpu.memory_space<vmem>> -> memref<16x128xf32, #tpu.memory_space<vmem>>
        %dma_start3A_2173 = arith.constant 0 : i32
        %dma_start3A_2174 = tpu.memref_slice %arg2[%dma_start3A_2173, %multiple_of3A_2160] : memref<16x1000000xf32, #tpu.memory_space<hbm>> -> memref<16x128xf32, #tpu.memory_space<hbm>>
        tpu.enqueue_dma source(%dma_start3A_2174 : memref<16x128xf32, #tpu.memory_space<hbm>>) target(%dma_start3A_2172 : memref<16x128xf32, #tpu.memory_space<vmem>>) target_semaphore(%arg10 : memref<!tpu.dma_semaphore, #tpu.memory_space<semaphore_mem>>)
        %slice3A_2175 = vector.extract_strided_slice %min3A_1987 {offsets = [11], sizes = [1], strides = [1]} : vector<16xi32> to vector<1xi32>
        %squeeze3A_2176 = vector.extract %slice3A_2175[0] : i32 from vector<1xi32>
        %multiple_of3A_2177 = tpu.assume_multiple %squeeze3A_2176, 128 : i32
        %dma_start3A_2178 = arith.constant 0 : i32
        %dma_start3A_2179 = arith.constant 11 : i32
        %dma_start3A_2180 = arith.constant 0 : i32
        %dma_start3A_2181 = arith.constant 0 : i32
        %dma_start3A_2182 = tpu.memref_slice %arg7[%dma_start3A_2178, %dma_start3A_2179, %dma_start3A_2180, %dma_start3A_2181] : memref<2x16x16x128xf32, #tpu.memory_space<vmem>> -> memref<1x1x16x128xf32, #tpu.memory_space<vmem>>
        %dma_start3A_2183 = tpu.memref_squeeze %dma_start3A_2182 : memref<1x1x16x128xf32, #tpu.memory_space<vmem>> -> memref<16x128xf32, #tpu.memory_space<vmem>>
        %dma_start3A_2184 = arith.constant 0 : i32
        %dma_start3A_2185 = tpu.memref_slice %arg2[%dma_start3A_2184, %multiple_of3A_2177] : memref<16x1000000xf32, #tpu.memory_space<hbm>> -> memref<16x128xf32, #tpu.memory_space<hbm>>
        %dma_start3A_2186 = arith.constant 0 : i32
        %dma_start3A_2187 = arith.constant 0 : i32
        %dma_start3A_2188 = tpu.memref_slice %arg7[%dma_start3A_2178, %dma_start3A_2179, %dma_start3A_2186, %dma_start3A_2187] : memref<2x16x16x128xf32, #tpu.memory_space<vmem>> -> memref<1x1x16x128xf32, #tpu.memory_space<vmem>>
        %dma_start3A_2189 = tpu.memref_squeeze %dma_start3A_2188 : memref<1x1x16x128xf32, #tpu.memory_space<vmem>> -> memref<16x128xf32, #tpu.memory_space<vmem>>
        %dma_start3A_2190 = arith.constant 0 : i32
        %dma_start3A_2191 = tpu.memref_slice %arg2[%dma_start3A_2190, %multiple_of3A_2177] : memref<16x1000000xf32, #tpu.memory_space<hbm>> -> memref<16x128xf32, #tpu.memory_space<hbm>>
        tpu.enqueue_dma source(%dma_start3A_2191 : memref<16x128xf32, #tpu.memory_space<hbm>>) target(%dma_start3A_2189 : memref<16x128xf32, #tpu.memory_space<vmem>>) target_semaphore(%arg10 : memref<!tpu.dma_semaphore, #tpu.memory_space<semaphore_mem>>)
        %slice3A_2192 = vector.extract_strided_slice %min3A_1987 {offsets = [12], sizes = [1], strides = [1]} : vector<16xi32> to vector<1xi32>
        %squeeze3A_2193 = vector.extract %slice3A_2192[0] : i32 from vector<1xi32>
        %multiple_of3A_2194 = tpu.assume_multiple %squeeze3A_2193, 128 : i32
        %dma_start3A_2195 = arith.constant 0 : i32
        %dma_start3A_2196 = arith.constant 12 : i32
        %dma_start3A_2197 = arith.constant 0 : i32
        %dma_start3A_2198 = arith.constant 0 : i32
        %dma_start3A_2199 = tpu.memref_slice %arg7[%dma_start3A_2195, %dma_start3A_2196, %dma_start3A_2197, %dma_start3A_2198] : memref<2x16x16x128xf32, #tpu.memory_space<vmem>> -> memref<1x1x16x128xf32, #tpu.memory_space<vmem>>
        %dma_start3A_2200 = tpu.memref_squeeze %dma_start3A_2199 : memref<1x1x16x128xf32, #tpu.memory_space<vmem>> -> memref<16x128xf32, #tpu.memory_space<vmem>>
        %dma_start3A_2201 = arith.constant 0 : i32
        %dma_start3A_2202 = tpu.memref_slice %arg2[%dma_start3A_2201, %multiple_of3A_2194] : memref<16x1000000xf32, #tpu.memory_space<hbm>> -> memref<16x128xf32, #tpu.memory_space<hbm>>
        %dma_start3A_2203 = arith.constant 0 : i32
        %dma_start3A_2204 = arith.constant 0 : i32
        %dma_start3A_2205 = tpu.memref_slice %arg7[%dma_start3A_2195, %dma_start3A_2196, %dma_start3A_2203, %dma_start3A_2204] : memref<2x16x16x128xf32, #tpu.memory_space<vmem>> -> memref<1x1x16x128xf32, #tpu.memory_space<vmem>>
        %dma_start3A_2206 = tpu.memref_squeeze %dma_start3A_2205 : memref<1x1x16x128xf32, #tpu.memory_space<vmem>> -> memref<16x128xf32, #tpu.memory_space<vmem>>
        %dma_start3A_2207 = arith.constant 0 : i32
        %dma_start3A_2208 = tpu.memref_slice %arg2[%dma_start3A_2207, %multiple_of3A_2194] : memref<16x1000000xf32, #tpu.memory_space<hbm>> -> memref<16x128xf32, #tpu.memory_space<hbm>>
        tpu.enqueue_dma source(%dma_start3A_2208 : memref<16x128xf32, #tpu.memory_space<hbm>>) target(%dma_start3A_2206 : memref<16x128xf32, #tpu.memory_space<vmem>>) target_semaphore(%arg10 : memref<!tpu.dma_semaphore, #tpu.memory_space<semaphore_mem>>)
        %slice3A_2209 = vector.extract_strided_slice %min3A_1987 {offsets = [13], sizes = [1], strides = [1]} : vector<16xi32> to vector<1xi32>
        %squeeze3A_2210 = vector.extract %slice3A_2209[0] : i32 from vector<1xi32>
        %multiple_of3A_2211 = tpu.assume_multiple %squeeze3A_2210, 128 : i32
        %dma_start3A_2212 = arith.constant 0 : i32
        %dma_start3A_2213 = arith.constant 13 : i32
        %dma_start3A_2214 = arith.constant 0 : i32
        %dma_start3A_2215 = arith.constant 0 : i32
        %dma_start3A_2216 = tpu.memref_slice %arg7[%dma_start3A_2212, %dma_start3A_2213, %dma_start3A_2214, %dma_start3A_2215] : memref<2x16x16x128xf32, #tpu.memory_space<vmem>> -> memref<1x1x16x128xf32, #tpu.memory_space<vmem>>
        %dma_start3A_2217 = tpu.memref_squeeze %dma_start3A_2216 : memref<1x1x16x128xf32, #tpu.memory_space<vmem>> -> memref<16x128xf32, #tpu.memory_space<vmem>>
        %dma_start3A_2218 = arith.constant 0 : i32
        %dma_start3A_2219 = tpu.memref_slice %arg2[%dma_start3A_2218, %multiple_of3A_2211] : memref<16x1000000xf32, #tpu.memory_space<hbm>> -> memref<16x128xf32, #tpu.memory_space<hbm>>
        %dma_start3A_2220 = arith.constant 0 : i32
        %dma_start3A_2221 = arith.constant 0 : i32
        %dma_start3A_2222 = tpu.memref_slice %arg7[%dma_start3A_2212, %dma_start3A_2213, %dma_start3A_2220, %dma_start3A_2221] : memref<2x16x16x128xf32, #tpu.memory_space<vmem>> -> memref<1x1x16x128xf32, #tpu.memory_space<vmem>>
        %dma_start3A_2223 = tpu.memref_squeeze %dma_start3A_2222 : memref<1x1x16x128xf32, #tpu.memory_space<vmem>> -> memref<16x128xf32, #tpu.memory_space<vmem>>
        %dma_start3A_2224 = arith.constant 0 : i32
        %dma_start3A_2225 = tpu.memref_slice %arg2[%dma_start3A_2224, %multiple_of3A_2211] : memref<16x1000000xf32, #tpu.memory_space<hbm>> -> memref<16x128xf32, #tpu.memory_space<hbm>>
        tpu.enqueue_dma source(%dma_start3A_2225 : memref<16x128xf32, #tpu.memory_space<hbm>>) target(%dma_start3A_2223 : memref<16x128xf32, #tpu.memory_space<vmem>>) target_semaphore(%arg10 : memref<!tpu.dma_semaphore, #tpu.memory_space<semaphore_mem>>)
        %slice3A_2226 = vector.extract_strided_slice %min3A_1987 {offsets = [14], sizes = [1], strides = [1]} : vector<16xi32> to vector<1xi32>
        %squeeze3A_2227 = vector.extract %slice3A_2226[0] : i32 from vector<1xi32>
        %multiple_of3A_2228 = tpu.assume_multiple %squeeze3A_2227, 128 : i32
        %dma_start3A_2229 = arith.constant 0 : i32
        %dma_start3A_2230 = arith.constant 14 : i32
        %dma_start3A_2231 = arith.constant 0 : i32
        %dma_start3A_2232 = arith.constant 0 : i32
        %dma_start3A_2233 = tpu.memref_slice %arg7[%dma_start3A_2229, %dma_start3A_2230, %dma_start3A_2231, %dma_start3A_2232] : memref<2x16x16x128xf32, #tpu.memory_space<vmem>> -> memref<1x1x16x128xf32, #tpu.memory_space<vmem>>
        %dma_start3A_2234 = tpu.memref_squeeze %dma_start3A_2233 : memref<1x1x16x128xf32, #tpu.memory_space<vmem>> -> memref<16x128xf32, #tpu.memory_space<vmem>>
        %dma_start3A_2235 = arith.constant 0 : i32
        %dma_start3A_2236 = tpu.memref_slice %arg2[%dma_start3A_2235, %multiple_of3A_2228] : memref<16x1000000xf32, #tpu.memory_space<hbm>> -> memref<16x128xf32, #tpu.memory_space<hbm>>
        %dma_start3A_2237 = arith.constant 0 : i32
        %dma_start3A_2238 = arith.constant 0 : i32
        %dma_start3A_2239 = tpu.memref_slice %arg7[%dma_start3A_2229, %dma_start3A_2230, %dma_start3A_2237, %dma_start3A_2238] : memref<2x16x16x128xf32, #tpu.memory_space<vmem>> -> memref<1x1x16x128xf32, #tpu.memory_space<vmem>>
        %dma_start3A_2240 = tpu.memref_squeeze %dma_start3A_2239 : memref<1x1x16x128xf32, #tpu.memory_space<vmem>> -> memref<16x128xf32, #tpu.memory_space<vmem>>
        %dma_start3A_2241 = arith.constant 0 : i32
        %dma_start3A_2242 = tpu.memref_slice %arg2[%dma_start3A_2241, %multiple_of3A_2228] : memref<16x1000000xf32, #tpu.memory_space<hbm>> -> memref<16x128xf32, #tpu.memory_space<hbm>>
        tpu.enqueue_dma source(%dma_start3A_2242 : memref<16x128xf32, #tpu.memory_space<hbm>>) target(%dma_start3A_2240 : memref<16x128xf32, #tpu.memory_space<vmem>>) target_semaphore(%arg10 : memref<!tpu.dma_semaphore, #tpu.memory_space<semaphore_mem>>)
        %slice3A_2243 = vector.extract_strided_slice %min3A_1987 {offsets = [15], sizes = [1], strides = [1]} : vector<16xi32> to vector<1xi32>
        %squeeze3A_2244 = vector.extract %slice3A_2243[0] : i32 from vector<1xi32>
        %multiple_of3A_2245 = tpu.assume_multiple %squeeze3A_2244, 128 : i32
        %dma_start3A_2246 = arith.constant 0 : i32
        %dma_start3A_2247 = arith.constant 15 : i32
        %dma_start3A_2248 = arith.constant 0 : i32
        %dma_start3A_2249 = arith.constant 0 : i32
        %dma_start3A_2250 = tpu.memref_slice %arg7[%dma_start3A_2246, %dma_start3A_2247, %dma_start3A_2248, %dma_start3A_2249] : memref<2x16x16x128xf32, #tpu.memory_space<vmem>> -> memref<1x1x16x128xf32, #tpu.memory_space<vmem>>
        %dma_start3A_2251 = tpu.memref_squeeze %dma_start3A_2250 : memref<1x1x16x128xf32, #tpu.memory_space<vmem>> -> memref<16x128xf32, #tpu.memory_space<vmem>>
        %dma_start3A_2252 = arith.constant 0 : i32
        %dma_start3A_2253 = tpu.memref_slice %arg2[%dma_start3A_2252, %multiple_of3A_2245] : memref<16x1000000xf32, #tpu.memory_space<hbm>> -> memref<16x128xf32, #tpu.memory_space<hbm>>
        %dma_start3A_2254 = arith.constant 0 : i32
        %dma_start3A_2255 = arith.constant 0 : i32
        %dma_start3A_2256 = tpu.memref_slice %arg7[%dma_start3A_2246, %dma_start3A_2247, %dma_start3A_2254, %dma_start3A_2255] : memref<2x16x16x128xf32, #tpu.memory_space<vmem>> -> memref<1x1x16x128xf32, #tpu.memory_space<vmem>>
        %dma_start3A_2257 = tpu.memref_squeeze %dma_start3A_2256 : memref<1x1x16x128xf32, #tpu.memory_space<vmem>> -> memref<16x128xf32, #tpu.memory_space<vmem>>
        %dma_start3A_2258 = arith.constant 0 : i32
        %dma_start3A_2259 = tpu.memref_slice %arg2[%dma_start3A_2258, %multiple_of3A_2245] : memref<16x1000000xf32, #tpu.memory_space<hbm>> -> memref<16x128xf32, #tpu.memory_space<hbm>>
        tpu.enqueue_dma source(%dma_start3A_2259 : memref<16x128xf32, #tpu.memory_space<hbm>>) target(%dma_start3A_2257 : memref<16x128xf32, #tpu.memory_space<vmem>>) target_semaphore(%arg10 : memref<!tpu.dma_semaphore, #tpu.memory_space<semaphore_mem>>)
      } else {
      }
      %add3A_1271 = arith.constant 1 : i32
      %add3A_1272 = arith.addi %mul3A_287, %add3A_1271 : i32
      %mul3A_1273 = arith.constant 16 : i32
      %mul3A_1274 = arith.muli %add3A_1272, %mul3A_1273 : i32
      %multiple_of3A_1275 = tpu.assume_multiple %mul3A_1274, 16 : i32
      %get3A_1276 = arith.index_cast %multiple_of3A_1275 : i32 to index
      %get3A_1277 = tpu.vector_load %arg6[%get3A_1276] {strides = array<i32>} : memref<512xi32, #tpu.memory_space<vmem>>, vector<16xi32>,
      %shift_right_arithmetic3A_1278 = arith.constant 7 : i32
      %shift_right_arithmetic3A_1279 = vector.broadcast %shift_right_arithmetic3A_1278 : i32 to vector<16xi32>
      %shift_right_arithmetic3A_1280 = arith.shrsi %get3A_1277, %shift_right_arithmetic3A_1279 : vector<16xi32>
      %shift_left3A_1281 = arith.constant 7 : i32
      %shift_left3A_1282 = vector.broadcast %shift_left3A_1281 : i32 to vector<16xi32>
      %shift_left3A_1283 = arith.shli %shift_right_arithmetic3A_1280, %shift_left3A_1282 : vector<16xi32>
      %min3A_1284 = arith.constant 999808 : i32
      %min3A_1285 = vector.broadcast %min3A_1284 : i32 to vector<16xi32>
      %min3A_1286 = arith.minsi %shift_left3A_1283, %min3A_1285 : vector<16xi32>
      %sub3A_1287 = arith.subi %get3A_1277, %min3A_1286 : vector<16xi32>
      %min3A_1288 = arith.constant 127 : i32
      %min3A_1289 = vector.broadcast %min3A_1288 : i32 to vector<16xi32>
      %min3A_1290 = arith.minsi %sub3A_1287, %min3A_1289 : vector<16xi32>
      %sub3A_1291 = arith.constant 999872 : i32
      %sub3A_1292 = vector.broadcast %sub3A_1291 : i32 to vector<16xi32>
      %sub3A_1293 = arith.subi %get3A_1277, %sub3A_1292 : vector<16xi32>
      %jit3A_1294 = arith.constant 0 : i32
      %jit3A_1295 = arith.constant 127 : i32
      %max3A_1296 = vector.broadcast %jit3A_1294 : i32 to vector<16xi32>
      %max3A_1297 = arith.maxsi %max3A_1296, %sub3A_1293 : vector<16xi32>
      %min3A_1298 = vector.broadcast %jit3A_1295 : i32 to vector<16xi32>
      %min3A_1299 = arith.minsi %min3A_1298, %max3A_1297 : vector<16xi32>
      %dma_wait3A_1300 = arith.constant 1 : i32
      %dma_wait3A_1301 = arith.constant 0 : i32
      %dma_wait3A_1302 = arith.constant 0 : i32
      %dma_wait3A_1303 = arith.constant 0 : i32
      %dma_wait3A_1304 = tpu.memref_slice %arg7[%dma_wait3A_1300, %dma_wait3A_1301, %dma_wait3A_1302, %dma_wait3A_1303] : memref<2x16x16x128xf32, #tpu.memory_space<vmem>> -> memref<1x1x16x128xf32, #tpu.memory_space<vmem>>
      %dma_wait3A_1305 = tpu.memref_squeeze %dma_wait3A_1304 : memref<1x1x16x128xf32, #tpu.memory_space<vmem>> -> memref<16x128xf32, #tpu.memory_space<vmem>>
      %dma_wait3A_1306 = arith.constant 0 : i32
      %dma_wait3A_1307 = arith.constant 0 : i32
      %dma_wait3A_1308 = tpu.memref_slice %arg2[%dma_wait3A_1306, %dma_wait3A_1307] : memref<16x1000000xf32, #tpu.memory_space<hbm>> -> memref<16x128xf32, #tpu.memory_space<hbm>>
      %dma_wait3A_1309 = arith.constant 0 : i32
      %dma_wait3A_1310 = arith.constant 0 : i32
      %dma_wait3A_1311 = tpu.memref_slice %arg7[%dma_wait3A_1300, %dma_wait3A_1301, %dma_wait3A_1309, %dma_wait3A_1310] : memref<2x16x16x128xf32, #tpu.memory_space<vmem>> -> memref<1x1x16x128xf32, #tpu.memory_space<vmem>>
      %dma_wait3A_1312 = tpu.memref_squeeze %dma_wait3A_1311 : memref<1x1x16x128xf32, #tpu.memory_space<vmem>> -> memref<16x128xf32, #tpu.memory_space<vmem>>
      %dma_wait3A_1313 = arith.constant 0 : i32
      %dma_wait3A_1314 = arith.constant 0 : i32
      %dma_wait3A_1315 = tpu.memref_slice %arg2[%dma_wait3A_1313, %dma_wait3A_1314] : memref<16x1000000xf32, #tpu.memory_space<hbm>> -> memref<16x128xf32, #tpu.memory_space<hbm>>
      tpu.wait_dma2 semaphore(%arg10 : memref<!tpu.dma_semaphore, #tpu.memory_space<semaphore_mem>>) src(%dma_wait3A_1315 : memref<16x128xf32, #tpu.memory_space<hbm>>) dst(%dma_wait3A_1312 : memref<16x128xf32, #tpu.memory_space<vmem>>)
      %slice3A_1316 = vector.extract_strided_slice %min3A_1290 {offsets = [0], sizes = [1], strides = [1]} : vector<16xi32> to vector<1xi32>
      %squeeze3A_1317 = vector.extract %slice3A_1316[0] : i32 from vector<1xi32>
      %broadcast_in_dim3A_1318 = vector.broadcast %squeeze3A_1317 : i32 to vector<16xi32>
      %gather3A_1319 = arith.constant 1 : i32
      %gather3A_1320 = arith.constant 0 : i32
      %gather3A_1321 = arith.constant 0 : i32
      %gather3A_1322 = arith.constant 0 : i32
      %gather3A_1323 = tpu.memref_slice %arg7[%gather3A_1319, %gather3A_1320, %gather3A_1321, %gather3A_1322] : memref<2x16x16x128xf32, #tpu.memory_space<vmem>> -> memref<1x1x16x128xf32, #tpu.memory_space<vmem>>
      %gather3A_1324 = tpu.memref_squeeze %gather3A_1323 : memref<1x1x16x128xf32, #tpu.memory_space<vmem>> -> memref<16x128xf32, #tpu.memory_space<vmem>>
      %gather3A_1325 = tpu.vector_load_idx %gather3A_1324[%iota3A, %broadcast_in_dim3A_1318] : memref<16x128xf32, #tpu.memory_space<vmem>>[vector<16xi32>, vector<16xi32>], vector<16xf32>,
      %slice3A_1326 = vector.extract_strided_slice %min3A_1299 {offsets = [0], sizes = [1], strides = [1]} : vector<16xi32> to vector<1xi32>
      %squeeze3A_1327 = vector.extract %slice3A_1326[0] : i32 from vector<1xi32>
      %broadcast_in_dim3A_1328 = vector.broadcast %squeeze3A_1327 : i32 to vector<16xi32>
      %gather3A_1329 = tpu.vector_load_idx %arg8[%iota3A, %broadcast_in_dim3A_1328] : memref<16x128xf32, #tpu.memory_space<vmem>>[vector<16xi32>, vector<16xi32>], vector<16xf32>,
      %slice3A_1330 = vector.extract_strided_slice %get3A_1277 {offsets = [0], sizes = [1], strides = [1]} : vector<16xi32> to vector<1xi32>
      %squeeze3A_1331 = vector.extract %slice3A_1330[0] : i32 from vector<1xi32>
      %broadcast_in_dim3A_1332 = vector.broadcast %squeeze3A_1331 : i32 to vector<16xi32>
      %ge3A_1333 = arith.constant 999936 : i32
      %ge3A_1334 = vector.broadcast %ge3A_1333 : i32 to vector<16xi32>
      %ge3A_1335 = arith.cmpi sge, %broadcast_in_dim3A_1332, %ge3A_1334 : vector<16xi32>
      %select_n3A_1336 = arith.select %ge3A_1335, %gather3A_1329, %gather3A_1325 : vector<16xi1>, vector<16xf32>
      %mul3A_1337 = arith.constant 16 : i32
      %mul3A_1338 = arith.muli %add3A_1272, %mul3A_1337 : i32
      %add3A_1339 = arith.constant 0 : i32
      %add3A_1340 = arith.addi %mul3A_1338, %add3A_1339 : i32
      %broadcast_in_dim3A_1341 = vector.broadcast %add3A_1340 : i32 to vector<16xi32>
      tpu.vector_store_idx %arg9[%iota3A, %broadcast_in_dim3A_1341], %select_n3A_1336 : memref<16x512xf32, #tpu.memory_space<vmem>>[vector<16xi32>, vector<16xi32>], vector<16xf32>,
      %dma_wait3A_1342 = arith.constant 1 : i32
      %dma_wait3A_1343 = arith.constant 1 : i32
      %dma_wait3A_1344 = arith.constant 0 : i32
      %dma_wait3A_1345 = arith.constant 0 : i32
      %dma_wait3A_1346 = tpu.memref_slice %arg7[%dma_wait3A_1342, %dma_wait3A_1343, %dma_wait3A_1344, %dma_wait3A_1345] : memref<2x16x16x128xf32, #tpu.memory_space<vmem>> -> memref<1x1x16x128xf32, #tpu.memory_space<vmem>>
      %dma_wait3A_1347 = tpu.memref_squeeze %dma_wait3A_1346 : memref<1x1x16x128xf32, #tpu.memory_space<vmem>> -> memref<16x128xf32, #tpu.memory_space<vmem>>
      %dma_wait3A_1348 = arith.constant 0 : i32
      %dma_wait3A_1349 = arith.constant 0 : i32
      %dma_wait3A_1350 = tpu.memref_slice %arg2[%dma_wait3A_1348, %dma_wait3A_1349] : memref<16x1000000xf32, #tpu.memory_space<hbm>> -> memref<16x128xf32, #tpu.memory_space<hbm>>
      %dma_wait3A_1351 = arith.constant 0 : i32
      %dma_wait3A_1352 = arith.constant 0 : i32
      %dma_wait3A_1353 = tpu.memref_slice %arg7[%dma_wait3A_1342, %dma_wait3A_1343, %dma_wait3A_1351, %dma_wait3A_1352] : memref<2x16x16x128xf32, #tpu.memory_space<vmem>> -> memref<1x1x16x128xf32, #tpu.memory_space<vmem>>
      %dma_wait3A_1354 = tpu.memref_squeeze %dma_wait3A_1353 : memref<1x1x16x128xf32, #tpu.memory_space<vmem>> -> memref<16x128xf32, #tpu.memory_space<vmem>>
      %dma_wait3A_1355 = arith.constant 0 : i32
      %dma_wait3A_1356 = arith.constant 0 : i32
      %dma_wait3A_1357 = tpu.memref_slice %arg2[%dma_wait3A_1355, %dma_wait3A_1356] : memref<16x1000000xf32, #tpu.memory_space<hbm>> -> memref<16x128xf32, #tpu.memory_space<hbm>>
      tpu.wait_dma2 semaphore(%arg10 : memref<!tpu.dma_semaphore, #tpu.memory_space<semaphore_mem>>) src(%dma_wait3A_1357 : memref<16x128xf32, #tpu.memory_space<hbm>>) dst(%dma_wait3A_1354 : memref<16x128xf32, #tpu.memory_space<vmem>>)
      %slice3A_1358 = vector.extract_strided_slice %min3A_1290 {offsets = [1], sizes = [1], strides = [1]} : vector<16xi32> to vector<1xi32>
      %squeeze3A_1359 = vector.extract %slice3A_1358[0] : i32 from vector<1xi32>
      %broadcast_in_dim3A_1360 = vector.broadcast %squeeze3A_1359 : i32 to vector<16xi32>
      %gather3A_1361 = arith.constant 1 : i32
      %gather3A_1362 = arith.constant 1 : i32
      %gather3A_1363 = arith.constant 0 : i32
      %gather3A_1364 = arith.constant 0 : i32
      %gather3A_1365 = tpu.memref_slice %arg7[%gather3A_1361, %gather3A_1362, %gather3A_1363, %gather3A_1364] : memref<2x16x16x128xf32, #tpu.memory_space<vmem>> -> memref<1x1x16x128xf32, #tpu.memory_space<vmem>>
      %gather3A_1366 = tpu.memref_squeeze %gather3A_1365 : memref<1x1x16x128xf32, #tpu.memory_space<vmem>> -> memref<16x128xf32, #tpu.memory_space<vmem>>
      %gather3A_1367 = tpu.vector_load_idx %gather3A_1366[%iota3A, %broadcast_in_dim3A_1360] : memref<16x128xf32, #tpu.memory_space<vmem>>[vector<16xi32>, vector<16xi32>], vector<16xf32>,
      %slice3A_1368 = vector.extract_strided_slice %min3A_1299 {offsets = [1], sizes = [1], strides = [1]} : vector<16xi32> to vector<1xi32>
      %squeeze3A_1369 = vector.extract %slice3A_1368[0] : i32 from vector<1xi32>
      %broadcast_in_dim3A_1370 = vector.broadcast %squeeze3A_1369 : i32 to vector<16xi32>
      %gather3A_1371 = tpu.vector_load_idx %arg8[%iota3A, %broadcast_in_dim3A_1370] : memref<16x128xf32, #tpu.memory_space<vmem>>[vector<16xi32>, vector<16xi32>], vector<16xf32>,
      %slice3A_1372 = vector.extract_strided_slice %get3A_1277 {offsets = [1], sizes = [1], strides = [1]} : vector<16xi32> to vector<1xi32>
      %squeeze3A_1373 = vector.extract %slice3A_1372[0] : i32 from vector<1xi32>
      %broadcast_in_dim3A_1374 = vector.broadcast %squeeze3A_1373 : i32 to vector<16xi32>
      %ge3A_1375 = arith.constant 999936 : i32
      %ge3A_1376 = vector.broadcast %ge3A_1375 : i32 to vector<16xi32>
      %ge3A_1377 = arith.cmpi sge, %broadcast_in_dim3A_1374, %ge3A_1376 : vector<16xi32>
      %select_n3A_1378 = arith.select %ge3A_1377, %gather3A_1371, %gather3A_1367 : vector<16xi1>, vector<16xf32>
      %mul3A_1379 = arith.constant 16 : i32
      %mul3A_1380 = arith.muli %add3A_1272, %mul3A_1379 : i32
      %add3A_1381 = arith.constant 1 : i32
      %add3A_1382 = arith.addi %mul3A_1380, %add3A_1381 : i32
      %broadcast_in_dim3A_1383 = vector.broadcast %add3A_1382 : i32 to vector<16xi32>
      tpu.vector_store_idx %arg9[%iota3A, %broadcast_in_dim3A_1383], %select_n3A_1378 : memref<16x512xf32, #tpu.memory_space<vmem>>[vector<16xi32>, vector<16xi32>], vector<16xf32>,
      %dma_wait3A_1384 = arith.constant 1 : i32
      %dma_wait3A_1385 = arith.constant 2 : i32
      %dma_wait3A_1386 = arith.constant 0 : i32
      %dma_wait3A_1387 = arith.constant 0 : i32
      %dma_wait3A_1388 = tpu.memref_slice %arg7[%dma_wait3A_1384, %dma_wait3A_1385, %dma_wait3A_1386, %dma_wait3A_1387] : memref<2x16x16x128xf32, #tpu.memory_space<vmem>> -> memref<1x1x16x128xf32, #tpu.memory_space<vmem>>
      %dma_wait3A_1389 = tpu.memref_squeeze %dma_wait3A_1388 : memref<1x1x16x128xf32, #tpu.memory_space<vmem>> -> memref<16x128xf32, #tpu.memory_space<vmem>>
      %dma_wait3A_1390 = arith.constant 0 : i32
      %dma_wait3A_1391 = arith.constant 0 : i32
      %dma_wait3A_1392 = tpu.memref_slice %arg2[%dma_wait3A_1390, %dma_wait3A_1391] : memref<16x1000000xf32, #tpu.memory_space<hbm>> -> memref<16x128xf32, #tpu.memory_space<hbm>>
      %dma_wait3A_1393 = arith.constant 0 : i32
      %dma_wait3A_1394 = arith.constant 0 : i32
      %dma_wait3A_1395 = tpu.memref_slice %arg7[%dma_wait3A_1384, %dma_wait3A_1385, %dma_wait3A_1393, %dma_wait3A_1394] : memref<2x16x16x128xf32, #tpu.memory_space<vmem>> -> memref<1x1x16x128xf32, #tpu.memory_space<vmem>>
      %dma_wait3A_1396 = tpu.memref_squeeze %dma_wait3A_1395 : memref<1x1x16x128xf32, #tpu.memory_space<vmem>> -> memref<16x128xf32, #tpu.memory_space<vmem>>
      %dma_wait3A_1397 = arith.constant 0 : i32
      %dma_wait3A_1398 = arith.constant 0 : i32
      %dma_wait3A_1399 = tpu.memref_slice %arg2[%dma_wait3A_1397, %dma_wait3A_1398] : memref<16x1000000xf32, #tpu.memory_space<hbm>> -> memref<16x128xf32, #tpu.memory_space<hbm>>
      tpu.wait_dma2 semaphore(%arg10 : memref<!tpu.dma_semaphore, #tpu.memory_space<semaphore_mem>>) src(%dma_wait3A_1399 : memref<16x128xf32, #tpu.memory_space<hbm>>) dst(%dma_wait3A_1396 : memref<16x128xf32, #tpu.memory_space<vmem>>)
      %slice3A_1400 = vector.extract_strided_slice %min3A_1290 {offsets = [2], sizes = [1], strides = [1]} : vector<16xi32> to vector<1xi32>
      %squeeze3A_1401 = vector.extract %slice3A_1400[0] : i32 from vector<1xi32>
      %broadcast_in_dim3A_1402 = vector.broadcast %squeeze3A_1401 : i32 to vector<16xi32>
      %gather3A_1403 = arith.constant 1 : i32
      %gather3A_1404 = arith.constant 2 : i32
      %gather3A_1405 = arith.constant 0 : i32
      %gather3A_1406 = arith.constant 0 : i32
      %gather3A_1407 = tpu.memref_slice %arg7[%gather3A_1403, %gather3A_1404, %gather3A_1405, %gather3A_1406] : memref<2x16x16x128xf32, #tpu.memory_space<vmem>> -> memref<1x1x16x128xf32, #tpu.memory_space<vmem>>
      %gather3A_1408 = tpu.memref_squeeze %gather3A_1407 : memref<1x1x16x128xf32, #tpu.memory_space<vmem>> -> memref<16x128xf32, #tpu.memory_space<vmem>>
      %gather3A_1409 = tpu.vector_load_idx %gather3A_1408[%iota3A, %broadcast_in_dim3A_1402] : memref<16x128xf32, #tpu.memory_space<vmem>>[vector<16xi32>, vector<16xi32>], vector<16xf32>,
      %slice3A_1410 = vector.extract_strided_slice %min3A_1299 {offsets = [2], sizes = [1], strides = [1]} : vector<16xi32> to vector<1xi32>
      %squeeze3A_1411 = vector.extract %slice3A_1410[0] : i32 from vector<1xi32>
      %broadcast_in_dim3A_1412 = vector.broadcast %squeeze3A_1411 : i32 to vector<16xi32>
      %gather3A_1413 = tpu.vector_load_idx %arg8[%iota3A, %broadcast_in_dim3A_1412] : memref<16x128xf32, #tpu.memory_space<vmem>>[vector<16xi32>, vector<16xi32>], vector<16xf32>,
      %slice3A_1414 = vector.extract_strided_slice %get3A_1277 {offsets = [2], sizes = [1], strides = [1]} : vector<16xi32> to vector<1xi32>
      %squeeze3A_1415 = vector.extract %slice3A_1414[0] : i32 from vector<1xi32>
      %broadcast_in_dim3A_1416 = vector.broadcast %squeeze3A_1415 : i32 to vector<16xi32>
      %ge3A_1417 = arith.constant 999936 : i32
      %ge3A_1418 = vector.broadcast %ge3A_1417 : i32 to vector<16xi32>
      %ge3A_1419 = arith.cmpi sge, %broadcast_in_dim3A_1416, %ge3A_1418 : vector<16xi32>
      %select_n3A_1420 = arith.select %ge3A_1419, %gather3A_1413, %gather3A_1409 : vector<16xi1>, vector<16xf32>
      %mul3A_1421 = arith.constant 16 : i32
      %mul3A_1422 = arith.muli %add3A_1272, %mul3A_1421 : i32
      %add3A_1423 = arith.constant 2 : i32
      %add3A_1424 = arith.addi %mul3A_1422, %add3A_1423 : i32
      %broadcast_in_dim3A_1425 = vector.broadcast %add3A_1424 : i32 to vector<16xi32>
      tpu.vector_store_idx %arg9[%iota3A, %broadcast_in_dim3A_1425], %select_n3A_1420 : memref<16x512xf32, #tpu.memory_space<vmem>>[vector<16xi32>, vector<16xi32>], vector<16xf32>,
      %dma_wait3A_1426 = arith.constant 1 : i32
      %dma_wait3A_1427 = arith.constant 3 : i32
      %dma_wait3A_1428 = arith.constant 0 : i32
      %dma_wait3A_1429 = arith.constant 0 : i32
      %dma_wait3A_1430 = tpu.memref_slice %arg7[%dma_wait3A_1426, %dma_wait3A_1427, %dma_wait3A_1428, %dma_wait3A_1429] : memref<2x16x16x128xf32, #tpu.memory_space<vmem>> -> memref<1x1x16x128xf32, #tpu.memory_space<vmem>>
      %dma_wait3A_1431 = tpu.memref_squeeze %dma_wait3A_1430 : memref<1x1x16x128xf32, #tpu.memory_space<vmem>> -> memref<16x128xf32, #tpu.memory_space<vmem>>
      %dma_wait3A_1432 = arith.constant 0 : i32
      %dma_wait3A_1433 = arith.constant 0 : i32
      %dma_wait3A_1434 = tpu.memref_slice %arg2[%dma_wait3A_1432, %dma_wait3A_1433] : memref<16x1000000xf32, #tpu.memory_space<hbm>> -> memref<16x128xf32, #tpu.memory_space<hbm>>
      %dma_wait3A_1435 = arith.constant 0 : i32
      %dma_wait3A_1436 = arith.constant 0 : i32
      %dma_wait3A_1437 = tpu.memref_slice %arg7[%dma_wait3A_1426, %dma_wait3A_1427, %dma_wait3A_1435, %dma_wait3A_1436] : memref<2x16x16x128xf32, #tpu.memory_space<vmem>> -> memref<1x1x16x128xf32, #tpu.memory_space<vmem>>
      %dma_wait3A_1438 = tpu.memref_squeeze %dma_wait3A_1437 : memref<1x1x16x128xf32, #tpu.memory_space<vmem>> -> memref<16x128xf32, #tpu.memory_space<vmem>>
      %dma_wait3A_1439 = arith.constant 0 : i32
      %dma_wait3A_1440 = arith.constant 0 : i32
      %dma_wait3A_1441 = tpu.memref_slice %arg2[%dma_wait3A_1439, %dma_wait3A_1440] : memref<16x1000000xf32, #tpu.memory_space<hbm>> -> memref<16x128xf32, #tpu.memory_space<hbm>>
      tpu.wait_dma2 semaphore(%arg10 : memref<!tpu.dma_semaphore, #tpu.memory_space<semaphore_mem>>) src(%dma_wait3A_1441 : memref<16x128xf32, #tpu.memory_space<hbm>>) dst(%dma_wait3A_1438 : memref<16x128xf32, #tpu.memory_space<vmem>>)
      %slice3A_1442 = vector.extract_strided_slice %min3A_1290 {offsets = [3], sizes = [1], strides = [1]} : vector<16xi32> to vector<1xi32>
      %squeeze3A_1443 = vector.extract %slice3A_1442[0] : i32 from vector<1xi32>
      %broadcast_in_dim3A_1444 = vector.broadcast %squeeze3A_1443 : i32 to vector<16xi32>
      %gather3A_1445 = arith.constant 1 : i32
      %gather3A_1446 = arith.constant 3 : i32
      %gather3A_1447 = arith.constant 0 : i32
      %gather3A_1448 = arith.constant 0 : i32
      %gather3A_1449 = tpu.memref_slice %arg7[%gather3A_1445, %gather3A_1446, %gather3A_1447, %gather3A_1448] : memref<2x16x16x128xf32, #tpu.memory_space<vmem>> -> memref<1x1x16x128xf32, #tpu.memory_space<vmem>>
      %gather3A_1450 = tpu.memref_squeeze %gather3A_1449 : memref<1x1x16x128xf32, #tpu.memory_space<vmem>> -> memref<16x128xf32, #tpu.memory_space<vmem>>
      %gather3A_1451 = tpu.vector_load_idx %gather3A_1450[%iota3A, %broadcast_in_dim3A_1444] : memref<16x128xf32, #tpu.memory_space<vmem>>[vector<16xi32>, vector<16xi32>], vector<16xf32>,
      %slice3A_1452 = vector.extract_strided_slice %min3A_1299 {offsets = [3], sizes = [1], strides = [1]} : vector<16xi32> to vector<1xi32>
      %squeeze3A_1453 = vector.extract %slice3A_1452[0] : i32 from vector<1xi32>
      %broadcast_in_dim3A_1454 = vector.broadcast %squeeze3A_1453 : i32 to vector<16xi32>
      %gather3A_1455 = tpu.vector_load_idx %arg8[%iota3A, %broadcast_in_dim3A_1454] : memref<16x128xf32, #tpu.memory_space<vmem>>[vector<16xi32>, vector<16xi32>], vector<16xf32>,
      %slice3A_1456 = vector.extract_strided_slice %get3A_1277 {offsets = [3], sizes = [1], strides = [1]} : vector<16xi32> to vector<1xi32>
      %squeeze3A_1457 = vector.extract %slice3A_1456[0] : i32 from vector<1xi32>
      %broadcast_in_dim3A_1458 = vector.broadcast %squeeze3A_1457 : i32 to vector<16xi32>
      %ge3A_1459 = arith.constant 999936 : i32
      %ge3A_1460 = vector.broadcast %ge3A_1459 : i32 to vector<16xi32>
      %ge3A_1461 = arith.cmpi sge, %broadcast_in_dim3A_1458, %ge3A_1460 : vector<16xi32>
      %select_n3A_1462 = arith.select %ge3A_1461, %gather3A_1455, %gather3A_1451 : vector<16xi1>, vector<16xf32>
      %mul3A_1463 = arith.constant 16 : i32
      %mul3A_1464 = arith.muli %add3A_1272, %mul3A_1463 : i32
      %add3A_1465 = arith.constant 3 : i32
      %add3A_1466 = arith.addi %mul3A_1464, %add3A_1465 : i32
      %broadcast_in_dim3A_1467 = vector.broadcast %add3A_1466 : i32 to vector<16xi32>
      tpu.vector_store_idx %arg9[%iota3A, %broadcast_in_dim3A_1467], %select_n3A_1462 : memref<16x512xf32, #tpu.memory_space<vmem>>[vector<16xi32>, vector<16xi32>], vector<16xf32>,
      %dma_wait3A_1468 = arith.constant 1 : i32
      %dma_wait3A_1469 = arith.constant 4 : i32
      %dma_wait3A_1470 = arith.constant 0 : i32
      %dma_wait3A_1471 = arith.constant 0 : i32
      %dma_wait3A_1472 = tpu.memref_slice %arg7[%dma_wait3A_1468, %dma_wait3A_1469, %dma_wait3A_1470, %dma_wait3A_1471] : memref<2x16x16x128xf32, #tpu.memory_space<vmem>> -> memref<1x1x16x128xf32, #tpu.memory_space<vmem>>
      %dma_wait3A_1473 = tpu.memref_squeeze %dma_wait3A_1472 : memref<1x1x16x128xf32, #tpu.memory_space<vmem>> -> memref<16x128xf32, #tpu.memory_space<vmem>>
      %dma_wait3A_1474 = arith.constant 0 : i32
      %dma_wait3A_1475 = arith.constant 0 : i32
      %dma_wait3A_1476 = tpu.memref_slice %arg2[%dma_wait3A_1474, %dma_wait3A_1475] : memref<16x1000000xf32, #tpu.memory_space<hbm>> -> memref<16x128xf32, #tpu.memory_space<hbm>>
      %dma_wait3A_1477 = arith.constant 0 : i32
      %dma_wait3A_1478 = arith.constant 0 : i32
      %dma_wait3A_1479 = tpu.memref_slice %arg7[%dma_wait3A_1468, %dma_wait3A_1469, %dma_wait3A_1477, %dma_wait3A_1478] : memref<2x16x16x128xf32, #tpu.memory_space<vmem>> -> memref<1x1x16x128xf32, #tpu.memory_space<vmem>>
      %dma_wait3A_1480 = tpu.memref_squeeze %dma_wait3A_1479 : memref<1x1x16x128xf32, #tpu.memory_space<vmem>> -> memref<16x128xf32, #tpu.memory_space<vmem>>
      %dma_wait3A_1481 = arith.constant 0 : i32
      %dma_wait3A_1482 = arith.constant 0 : i32
      %dma_wait3A_1483 = tpu.memref_slice %arg2[%dma_wait3A_1481, %dma_wait3A_1482] : memref<16x1000000xf32, #tpu.memory_space<hbm>> -> memref<16x128xf32, #tpu.memory_space<hbm>>
      tpu.wait_dma2 semaphore(%arg10 : memref<!tpu.dma_semaphore, #tpu.memory_space<semaphore_mem>>) src(%dma_wait3A_1483 : memref<16x128xf32, #tpu.memory_space<hbm>>) dst(%dma_wait3A_1480 : memref<16x128xf32, #tpu.memory_space<vmem>>)
      %slice3A_1484 = vector.extract_strided_slice %min3A_1290 {offsets = [4], sizes = [1], strides = [1]} : vector<16xi32> to vector<1xi32>
      %squeeze3A_1485 = vector.extract %slice3A_1484[0] : i32 from vector<1xi32>
      %broadcast_in_dim3A_1486 = vector.broadcast %squeeze3A_1485 : i32 to vector<16xi32>
      %gather3A_1487 = arith.constant 1 : i32
      %gather3A_1488 = arith.constant 4 : i32
      %gather3A_1489 = arith.constant 0 : i32
      %gather3A_1490 = arith.constant 0 : i32
      %gather3A_1491 = tpu.memref_slice %arg7[%gather3A_1487, %gather3A_1488, %gather3A_1489, %gather3A_1490] : memref<2x16x16x128xf32, #tpu.memory_space<vmem>> -> memref<1x1x16x128xf32, #tpu.memory_space<vmem>>
      %gather3A_1492 = tpu.memref_squeeze %gather3A_1491 : memref<1x1x16x128xf32, #tpu.memory_space<vmem>> -> memref<16x128xf32, #tpu.memory_space<vmem>>
      %gather3A_1493 = tpu.vector_load_idx %gather3A_1492[%iota3A, %broadcast_in_dim3A_1486] : memref<16x128xf32, #tpu.memory_space<vmem>>[vector<16xi32>, vector<16xi32>], vector<16xf32>,
      %slice3A_1494 = vector.extract_strided_slice %min3A_1299 {offsets = [4], sizes = [1], strides = [1]} : vector<16xi32> to vector<1xi32>
      %squeeze3A_1495 = vector.extract %slice3A_1494[0] : i32 from vector<1xi32>
      %broadcast_in_dim3A_1496 = vector.broadcast %squeeze3A_1495 : i32 to vector<16xi32>
      %gather3A_1497 = tpu.vector_load_idx %arg8[%iota3A, %broadcast_in_dim3A_1496] : memref<16x128xf32, #tpu.memory_space<vmem>>[vector<16xi32>, vector<16xi32>], vector<16xf32>,
      %slice3A_1498 = vector.extract_strided_slice %get3A_1277 {offsets = [4], sizes = [1], strides = [1]} : vector<16xi32> to vector<1xi32>
      %squeeze3A_1499 = vector.extract %slice3A_1498[0] : i32 from vector<1xi32>
      %broadcast_in_dim3A_1500 = vector.broadcast %squeeze3A_1499 : i32 to vector<16xi32>
      %ge3A_1501 = arith.constant 999936 : i32
      %ge3A_1502 = vector.broadcast %ge3A_1501 : i32 to vector<16xi32>
      %ge3A_1503 = arith.cmpi sge, %broadcast_in_dim3A_1500, %ge3A_1502 : vector<16xi32>
      %select_n3A_1504 = arith.select %ge3A_1503, %gather3A_1497, %gather3A_1493 : vector<16xi1>, vector<16xf32>
      %mul3A_1505 = arith.constant 16 : i32
      %mul3A_1506 = arith.muli %add3A_1272, %mul3A_1505 : i32
      %add3A_1507 = arith.constant 4 : i32
      %add3A_1508 = arith.addi %mul3A_1506, %add3A_1507 : i32
      %broadcast_in_dim3A_1509 = vector.broadcast %add3A_1508 : i32 to vector<16xi32>
      tpu.vector_store_idx %arg9[%iota3A, %broadcast_in_dim3A_1509], %select_n3A_1504 : memref<16x512xf32, #tpu.memory_space<vmem>>[vector<16xi32>, vector<16xi32>], vector<16xf32>,
      %dma_wait3A_1510 = arith.constant 1 : i32
      %dma_wait3A_1511 = arith.constant 5 : i32
      %dma_wait3A_1512 = arith.constant 0 : i32
      %dma_wait3A_1513 = arith.constant 0 : i32
      %dma_wait3A_1514 = tpu.memref_slice %arg7[%dma_wait3A_1510, %dma_wait3A_1511, %dma_wait3A_1512, %dma_wait3A_1513] : memref<2x16x16x128xf32, #tpu.memory_space<vmem>> -> memref<1x1x16x128xf32, #tpu.memory_space<vmem>>
      %dma_wait3A_1515 = tpu.memref_squeeze %dma_wait3A_1514 : memref<1x1x16x128xf32, #tpu.memory_space<vmem>> -> memref<16x128xf32, #tpu.memory_space<vmem>>
      %dma_wait3A_1516 = arith.constant 0 : i32
      %dma_wait3A_1517 = arith.constant 0 : i32
      %dma_wait3A_1518 = tpu.memref_slice %arg2[%dma_wait3A_1516, %dma_wait3A_1517] : memref<16x1000000xf32, #tpu.memory_space<hbm>> -> memref<16x128xf32, #tpu.memory_space<hbm>>
      %dma_wait3A_1519 = arith.constant 0 : i32
      %dma_wait3A_1520 = arith.constant 0 : i32
      %dma_wait3A_1521 = tpu.memref_slice %arg7[%dma_wait3A_1510, %dma_wait3A_1511, %dma_wait3A_1519, %dma_wait3A_1520] : memref<2x16x16x128xf32, #tpu.memory_space<vmem>> -> memref<1x1x16x128xf32, #tpu.memory_space<vmem>>
      %dma_wait3A_1522 = tpu.memref_squeeze %dma_wait3A_1521 : memref<1x1x16x128xf32, #tpu.memory_space<vmem>> -> memref<16x128xf32, #tpu.memory_space<vmem>>
      %dma_wait3A_1523 = arith.constant 0 : i32
      %dma_wait3A_1524 = arith.constant 0 : i32
      %dma_wait3A_1525 = tpu.memref_slice %arg2[%dma_wait3A_1523, %dma_wait3A_1524] : memref<16x1000000xf32, #tpu.memory_space<hbm>> -> memref<16x128xf32, #tpu.memory_space<hbm>>
      tpu.wait_dma2 semaphore(%arg10 : memref<!tpu.dma_semaphore, #tpu.memory_space<semaphore_mem>>) src(%dma_wait3A_1525 : memref<16x128xf32, #tpu.memory_space<hbm>>) dst(%dma_wait3A_1522 : memref<16x128xf32, #tpu.memory_space<vmem>>)
      %slice3A_1526 = vector.extract_strided_slice %min3A_1290 {offsets = [5], sizes = [1], strides = [1]} : vector<16xi32> to vector<1xi32>
      %squeeze3A_1527 = vector.extract %slice3A_1526[0] : i32 from vector<1xi32>
      %broadcast_in_dim3A_1528 = vector.broadcast %squeeze3A_1527 : i32 to vector<16xi32>
      %gather3A_1529 = arith.constant 1 : i32
      %gather3A_1530 = arith.constant 5 : i32
      %gather3A_1531 = arith.constant 0 : i32
      %gather3A_1532 = arith.constant 0 : i32
      %gather3A_1533 = tpu.memref_slice %arg7[%gather3A_1529, %gather3A_1530, %gather3A_1531, %gather3A_1532] : memref<2x16x16x128xf32, #tpu.memory_space<vmem>> -> memref<1x1x16x128xf32, #tpu.memory_space<vmem>>
      %gather3A_1534 = tpu.memref_squeeze %gather3A_1533 : memref<1x1x16x128xf32, #tpu.memory_space<vmem>> -> memref<16x128xf32, #tpu.memory_space<vmem>>
      %gather3A_1535 = tpu.vector_load_idx %gather3A_1534[%iota3A, %broadcast_in_dim3A_1528] : memref<16x128xf32, #tpu.memory_space<vmem>>[vector<16xi32>, vector<16xi32>], vector<16xf32>,
      %slice3A_1536 = vector.extract_strided_slice %min3A_1299 {offsets = [5], sizes = [1], strides = [1]} : vector<16xi32> to vector<1xi32>
      %squeeze3A_1537 = vector.extract %slice3A_1536[0] : i32 from vector<1xi32>
      %broadcast_in_dim3A_1538 = vector.broadcast %squeeze3A_1537 : i32 to vector<16xi32>
      %gather3A_1539 = tpu.vector_load_idx %arg8[%iota3A, %broadcast_in_dim3A_1538] : memref<16x128xf32, #tpu.memory_space<vmem>>[vector<16xi32>, vector<16xi32>], vector<16xf32>,
      %slice3A_1540 = vector.extract_strided_slice %get3A_1277 {offsets = [5], sizes = [1], strides = [1]} : vector<16xi32> to vector<1xi32>
      %squeeze3A_1541 = vector.extract %slice3A_1540[0] : i32 from vector<1xi32>
      %broadcast_in_dim3A_1542 = vector.broadcast %squeeze3A_1541 : i32 to vector<16xi32>
      %ge3A_1543 = arith.constant 999936 : i32
      %ge3A_1544 = vector.broadcast %ge3A_1543 : i32 to vector<16xi32>
      %ge3A_1545 = arith.cmpi sge, %broadcast_in_dim3A_1542, %ge3A_1544 : vector<16xi32>
      %select_n3A_1546 = arith.select %ge3A_1545, %gather3A_1539, %gather3A_1535 : vector<16xi1>, vector<16xf32>
      %mul3A_1547 = arith.constant 16 : i32
      %mul3A_1548 = arith.muli %add3A_1272, %mul3A_1547 : i32
      %add3A_1549 = arith.constant 5 : i32
      %add3A_1550 = arith.addi %mul3A_1548, %add3A_1549 : i32
      %broadcast_in_dim3A_1551 = vector.broadcast %add3A_1550 : i32 to vector<16xi32>
      tpu.vector_store_idx %arg9[%iota3A, %broadcast_in_dim3A_1551], %select_n3A_1546 : memref<16x512xf32, #tpu.memory_space<vmem>>[vector<16xi32>, vector<16xi32>], vector<16xf32>,
      %dma_wait3A_1552 = arith.constant 1 : i32
      %dma_wait3A_1553 = arith.constant 6 : i32
      %dma_wait3A_1554 = arith.constant 0 : i32
      %dma_wait3A_1555 = arith.constant 0 : i32
      %dma_wait3A_1556 = tpu.memref_slice %arg7[%dma_wait3A_1552, %dma_wait3A_1553, %dma_wait3A_1554, %dma_wait3A_1555] : memref<2x16x16x128xf32, #tpu.memory_space<vmem>> -> memref<1x1x16x128xf32, #tpu.memory_space<vmem>>
      %dma_wait3A_1557 = tpu.memref_squeeze %dma_wait3A_1556 : memref<1x1x16x128xf32, #tpu.memory_space<vmem>> -> memref<16x128xf32, #tpu.memory_space<vmem>>
      %dma_wait3A_1558 = arith.constant 0 : i32
      %dma_wait3A_1559 = arith.constant 0 : i32
      %dma_wait3A_1560 = tpu.memref_slice %arg2[%dma_wait3A_1558, %dma_wait3A_1559] : memref<16x1000000xf32, #tpu.memory_space<hbm>> -> memref<16x128xf32, #tpu.memory_space<hbm>>
      %dma_wait3A_1561 = arith.constant 0 : i32
      %dma_wait3A_1562 = arith.constant 0 : i32
      %dma_wait3A_1563 = tpu.memref_slice %arg7[%dma_wait3A_1552, %dma_wait3A_1553, %dma_wait3A_1561, %dma_wait3A_1562] : memref<2x16x16x128xf32, #tpu.memory_space<vmem>> -> memref<1x1x16x128xf32, #tpu.memory_space<vmem>>
      %dma_wait3A_1564 = tpu.memref_squeeze %dma_wait3A_1563 : memref<1x1x16x128xf32, #tpu.memory_space<vmem>> -> memref<16x128xf32, #tpu.memory_space<vmem>>
      %dma_wait3A_1565 = arith.constant 0 : i32
      %dma_wait3A_1566 = arith.constant 0 : i32
      %dma_wait3A_1567 = tpu.memref_slice %arg2[%dma_wait3A_1565, %dma_wait3A_1566] : memref<16x1000000xf32, #tpu.memory_space<hbm>> -> memref<16x128xf32, #tpu.memory_space<hbm>>
      tpu.wait_dma2 semaphore(%arg10 : memref<!tpu.dma_semaphore, #tpu.memory_space<semaphore_mem>>) src(%dma_wait3A_1567 : memref<16x128xf32, #tpu.memory_space<hbm>>) dst(%dma_wait3A_1564 : memref<16x128xf32, #tpu.memory_space<vmem>>)
      %slice3A_1568 = vector.extract_strided_slice %min3A_1290 {offsets = [6], sizes = [1], strides = [1]} : vector<16xi32> to vector<1xi32>
      %squeeze3A_1569 = vector.extract %slice3A_1568[0] : i32 from vector<1xi32>
      %broadcast_in_dim3A_1570 = vector.broadcast %squeeze3A_1569 : i32 to vector<16xi32>
      %gather3A_1571 = arith.constant 1 : i32
      %gather3A_1572 = arith.constant 6 : i32
      %gather3A_1573 = arith.constant 0 : i32
      %gather3A_1574 = arith.constant 0 : i32
      %gather3A_1575 = tpu.memref_slice %arg7[%gather3A_1571, %gather3A_1572, %gather3A_1573, %gather3A_1574] : memref<2x16x16x128xf32, #tpu.memory_space<vmem>> -> memref<1x1x16x128xf32, #tpu.memory_space<vmem>>
      %gather3A_1576 = tpu.memref_squeeze %gather3A_1575 : memref<1x1x16x128xf32, #tpu.memory_space<vmem>> -> memref<16x128xf32, #tpu.memory_space<vmem>>
      %gather3A_1577 = tpu.vector_load_idx %gather3A_1576[%iota3A, %broadcast_in_dim3A_1570] : memref<16x128xf32, #tpu.memory_space<vmem>>[vector<16xi32>, vector<16xi32>], vector<16xf32>,
      %slice3A_1578 = vector.extract_strided_slice %min3A_1299 {offsets = [6], sizes = [1], strides = [1]} : vector<16xi32> to vector<1xi32>
      %squeeze3A_1579 = vector.extract %slice3A_1578[0] : i32 from vector<1xi32>
      %broadcast_in_dim3A_1580 = vector.broadcast %squeeze3A_1579 : i32 to vector<16xi32>
      %gather3A_1581 = tpu.vector_load_idx %arg8[%iota3A, %broadcast_in_dim3A_1580] : memref<16x128xf32, #tpu.memory_space<vmem>>[vector<16xi32>, vector<16xi32>], vector<16xf32>,
      %slice3A_1582 = vector.extract_strided_slice %get3A_1277 {offsets = [6], sizes = [1], strides = [1]} : vector<16xi32> to vector<1xi32>
      %squeeze3A_1583 = vector.extract %slice3A_1582[0] : i32 from vector<1xi32>
      %broadcast_in_dim3A_1584 = vector.broadcast %squeeze3A_1583 : i32 to vector<16xi32>
      %ge3A_1585 = arith.constant 999936 : i32
      %ge3A_1586 = vector.broadcast %ge3A_1585 : i32 to vector<16xi32>
      %ge3A_1587 = arith.cmpi sge, %broadcast_in_dim3A_1584, %ge3A_1586 : vector<16xi32>
      %select_n3A_1588 = arith.select %ge3A_1587, %gather3A_1581, %gather3A_1577 : vector<16xi1>, vector<16xf32>
      %mul3A_1589 = arith.constant 16 : i32
      %mul3A_1590 = arith.muli %add3A_1272, %mul3A_1589 : i32
      %add3A_1591 = arith.constant 6 : i32
      %add3A_1592 = arith.addi %mul3A_1590, %add3A_1591 : i32
      %broadcast_in_dim3A_1593 = vector.broadcast %add3A_1592 : i32 to vector<16xi32>
      tpu.vector_store_idx %arg9[%iota3A, %broadcast_in_dim3A_1593], %select_n3A_1588 : memref<16x512xf32, #tpu.memory_space<vmem>>[vector<16xi32>, vector<16xi32>], vector<16xf32>,
      %dma_wait3A_1594 = arith.constant 1 : i32
      %dma_wait3A_1595 = arith.constant 7 : i32
      %dma_wait3A_1596 = arith.constant 0 : i32
      %dma_wait3A_1597 = arith.constant 0 : i32
      %dma_wait3A_1598 = tpu.memref_slice %arg7[%dma_wait3A_1594, %dma_wait3A_1595, %dma_wait3A_1596, %dma_wait3A_1597] : memref<2x16x16x128xf32, #tpu.memory_space<vmem>> -> memref<1x1x16x128xf32, #tpu.memory_space<vmem>>
      %dma_wait3A_1599 = tpu.memref_squeeze %dma_wait3A_1598 : memref<1x1x16x128xf32, #tpu.memory_space<vmem>> -> memref<16x128xf32, #tpu.memory_space<vmem>>
      %dma_wait3A_1600 = arith.constant 0 : i32
      %dma_wait3A_1601 = arith.constant 0 : i32
      %dma_wait3A_1602 = tpu.memref_slice %arg2[%dma_wait3A_1600, %dma_wait3A_1601] : memref<16x1000000xf32, #tpu.memory_space<hbm>> -> memref<16x128xf32, #tpu.memory_space<hbm>>
      %dma_wait3A_1603 = arith.constant 0 : i32
      %dma_wait3A_1604 = arith.constant 0 : i32
      %dma_wait3A_1605 = tpu.memref_slice %arg7[%dma_wait3A_1594, %dma_wait3A_1595, %dma_wait3A_1603, %dma_wait3A_1604] : memref<2x16x16x128xf32, #tpu.memory_space<vmem>> -> memref<1x1x16x128xf32, #tpu.memory_space<vmem>>
      %dma_wait3A_1606 = tpu.memref_squeeze %dma_wait3A_1605 : memref<1x1x16x128xf32, #tpu.memory_space<vmem>> -> memref<16x128xf32, #tpu.memory_space<vmem>>
      %dma_wait3A_1607 = arith.constant 0 : i32
      %dma_wait3A_1608 = arith.constant 0 : i32
      %dma_wait3A_1609 = tpu.memref_slice %arg2[%dma_wait3A_1607, %dma_wait3A_1608] : memref<16x1000000xf32, #tpu.memory_space<hbm>> -> memref<16x128xf32, #tpu.memory_space<hbm>>
      tpu.wait_dma2 semaphore(%arg10 : memref<!tpu.dma_semaphore, #tpu.memory_space<semaphore_mem>>) src(%dma_wait3A_1609 : memref<16x128xf32, #tpu.memory_space<hbm>>) dst(%dma_wait3A_1606 : memref<16x128xf32, #tpu.memory_space<vmem>>)
      %slice3A_1610 = vector.extract_strided_slice %min3A_1290 {offsets = [7], sizes = [1], strides = [1]} : vector<16xi32> to vector<1xi32>
      %squeeze3A_1611 = vector.extract %slice3A_1610[0] : i32 from vector<1xi32>
      %broadcast_in_dim3A_1612 = vector.broadcast %squeeze3A_1611 : i32 to vector<16xi32>
      %gather3A_1613 = arith.constant 1 : i32
      %gather3A_1614 = arith.constant 7 : i32
      %gather3A_1615 = arith.constant 0 : i32
      %gather3A_1616 = arith.constant 0 : i32
      %gather3A_1617 = tpu.memref_slice %arg7[%gather3A_1613, %gather3A_1614, %gather3A_1615, %gather3A_1616] : memref<2x16x16x128xf32, #tpu.memory_space<vmem>> -> memref<1x1x16x128xf32, #tpu.memory_space<vmem>>
      %gather3A_1618 = tpu.memref_squeeze %gather3A_1617 : memref<1x1x16x128xf32, #tpu.memory_space<vmem>> -> memref<16x128xf32, #tpu.memory_space<vmem>>
      %gather3A_1619 = tpu.vector_load_idx %gather3A_1618[%iota3A, %broadcast_in_dim3A_1612] : memref<16x128xf32, #tpu.memory_space<vmem>>[vector<16xi32>, vector<16xi32>], vector<16xf32>,
      %slice3A_1620 = vector.extract_strided_slice %min3A_1299 {offsets = [7], sizes = [1], strides = [1]} : vector<16xi32> to vector<1xi32>
      %squeeze3A_1621 = vector.extract %slice3A_1620[0] : i32 from vector<1xi32>
      %broadcast_in_dim3A_1622 = vector.broadcast %squeeze3A_1621 : i32 to vector<16xi32>
      %gather3A_1623 = tpu.vector_load_idx %arg8[%iota3A, %broadcast_in_dim3A_1622] : memref<16x128xf32, #tpu.memory_space<vmem>>[vector<16xi32>, vector<16xi32>], vector<16xf32>,
      %slice3A_1624 = vector.extract_strided_slice %get3A_1277 {offsets = [7], sizes = [1], strides = [1]} : vector<16xi32> to vector<1xi32>
      %squeeze3A_1625 = vector.extract %slice3A_1624[0] : i32 from vector<1xi32>
      %broadcast_in_dim3A_1626 = vector.broadcast %squeeze3A_1625 : i32 to vector<16xi32>
      %ge3A_1627 = arith.constant 999936 : i32
      %ge3A_1628 = vector.broadcast %ge3A_1627 : i32 to vector<16xi32>
      %ge3A_1629 = arith.cmpi sge, %broadcast_in_dim3A_1626, %ge3A_1628 : vector<16xi32>
      %select_n3A_1630 = arith.select %ge3A_1629, %gather3A_1623, %gather3A_1619 : vector<16xi1>, vector<16xf32>
      %mul3A_1631 = arith.constant 16 : i32
      %mul3A_1632 = arith.muli %add3A_1272, %mul3A_1631 : i32
      %add3A_1633 = arith.constant 7 : i32
      %add3A_1634 = arith.addi %mul3A_1632, %add3A_1633 : i32
      %broadcast_in_dim3A_1635 = vector.broadcast %add3A_1634 : i32 to vector<16xi32>
      tpu.vector_store_idx %arg9[%iota3A, %broadcast_in_dim3A_1635], %select_n3A_1630 : memref<16x512xf32, #tpu.memory_space<vmem>>[vector<16xi32>, vector<16xi32>], vector<16xf32>,
      %dma_wait3A_1636 = arith.constant 1 : i32
      %dma_wait3A_1637 = arith.constant 8 : i32
      %dma_wait3A_1638 = arith.constant 0 : i32
      %dma_wait3A_1639 = arith.constant 0 : i32
      %dma_wait3A_1640 = tpu.memref_slice %arg7[%dma_wait3A_1636, %dma_wait3A_1637, %dma_wait3A_1638, %dma_wait3A_1639] : memref<2x16x16x128xf32, #tpu.memory_space<vmem>> -> memref<1x1x16x128xf32, #tpu.memory_space<vmem>>
      %dma_wait3A_1641 = tpu.memref_squeeze %dma_wait3A_1640 : memref<1x1x16x128xf32, #tpu.memory_space<vmem>> -> memref<16x128xf32, #tpu.memory_space<vmem>>
      %dma_wait3A_1642 = arith.constant 0 : i32
      %dma_wait3A_1643 = arith.constant 0 : i32
      %dma_wait3A_1644 = tpu.memref_slice %arg2[%dma_wait3A_1642, %dma_wait3A_1643] : memref<16x1000000xf32, #tpu.memory_space<hbm>> -> memref<16x128xf32, #tpu.memory_space<hbm>>
      %dma_wait3A_1645 = arith.constant 0 : i32
      %dma_wait3A_1646 = arith.constant 0 : i32
      %dma_wait3A_1647 = tpu.memref_slice %arg7[%dma_wait3A_1636, %dma_wait3A_1637, %dma_wait3A_1645, %dma_wait3A_1646] : memref<2x16x16x128xf32, #tpu.memory_space<vmem>> -> memref<1x1x16x128xf32, #tpu.memory_space<vmem>>
      %dma_wait3A_1648 = tpu.memref_squeeze %dma_wait3A_1647 : memref<1x1x16x128xf32, #tpu.memory_space<vmem>> -> memref<16x128xf32, #tpu.memory_space<vmem>>
      %dma_wait3A_1649 = arith.constant 0 : i32
      %dma_wait3A_1650 = arith.constant 0 : i32
      %dma_wait3A_1651 = tpu.memref_slice %arg2[%dma_wait3A_1649, %dma_wait3A_1650] : memref<16x1000000xf32, #tpu.memory_space<hbm>> -> memref<16x128xf32, #tpu.memory_space<hbm>>
      tpu.wait_dma2 semaphore(%arg10 : memref<!tpu.dma_semaphore, #tpu.memory_space<semaphore_mem>>) src(%dma_wait3A_1651 : memref<16x128xf32, #tpu.memory_space<hbm>>) dst(%dma_wait3A_1648 : memref<16x128xf32, #tpu.memory_space<vmem>>)
      %slice3A_1652 = vector.extract_strided_slice %min3A_1290 {offsets = [8], sizes = [1], strides = [1]} : vector<16xi32> to vector<1xi32>
      %squeeze3A_1653 = vector.extract %slice3A_1652[0] : i32 from vector<1xi32>
      %broadcast_in_dim3A_1654 = vector.broadcast %squeeze3A_1653 : i32 to vector<16xi32>
      %gather3A_1655 = arith.constant 1 : i32
      %gather3A_1656 = arith.constant 8 : i32
      %gather3A_1657 = arith.constant 0 : i32
      %gather3A_1658 = arith.constant 0 : i32
      %gather3A_1659 = tpu.memref_slice %arg7[%gather3A_1655, %gather3A_1656, %gather3A_1657, %gather3A_1658] : memref<2x16x16x128xf32, #tpu.memory_space<vmem>> -> memref<1x1x16x128xf32, #tpu.memory_space<vmem>>
      %gather3A_1660 = tpu.memref_squeeze %gather3A_1659 : memref<1x1x16x128xf32, #tpu.memory_space<vmem>> -> memref<16x128xf32, #tpu.memory_space<vmem>>
      %gather3A_1661 = tpu.vector_load_idx %gather3A_1660[%iota3A, %broadcast_in_dim3A_1654] : memref<16x128xf32, #tpu.memory_space<vmem>>[vector<16xi32>, vector<16xi32>], vector<16xf32>,
      %slice3A_1662 = vector.extract_strided_slice %min3A_1299 {offsets = [8], sizes = [1], strides = [1]} : vector<16xi32> to vector<1xi32>
      %squeeze3A_1663 = vector.extract %slice3A_1662[0] : i32 from vector<1xi32>
      %broadcast_in_dim3A_1664 = vector.broadcast %squeeze3A_1663 : i32 to vector<16xi32>
      %gather3A_1665 = tpu.vector_load_idx %arg8[%iota3A, %broadcast_in_dim3A_1664] : memref<16x128xf32, #tpu.memory_space<vmem>>[vector<16xi32>, vector<16xi32>], vector<16xf32>,
      %slice3A_1666 = vector.extract_strided_slice %get3A_1277 {offsets = [8], sizes = [1], strides = [1]} : vector<16xi32> to vector<1xi32>
      %squeeze3A_1667 = vector.extract %slice3A_1666[0] : i32 from vector<1xi32>
      %broadcast_in_dim3A_1668 = vector.broadcast %squeeze3A_1667 : i32 to vector<16xi32>
      %ge3A_1669 = arith.constant 999936 : i32
      %ge3A_1670 = vector.broadcast %ge3A_1669 : i32 to vector<16xi32>
      %ge3A_1671 = arith.cmpi sge, %broadcast_in_dim3A_1668, %ge3A_1670 : vector<16xi32>
      %select_n3A_1672 = arith.select %ge3A_1671, %gather3A_1665, %gather3A_1661 : vector<16xi1>, vector<16xf32>
      %mul3A_1673 = arith.constant 16 : i32
      %mul3A_1674 = arith.muli %add3A_1272, %mul3A_1673 : i32
      %add3A_1675 = arith.constant 8 : i32
      %add3A_1676 = arith.addi %mul3A_1674, %add3A_1675 : i32
      %broadcast_in_dim3A_1677 = vector.broadcast %add3A_1676 : i32 to vector<16xi32>
      tpu.vector_store_idx %arg9[%iota3A, %broadcast_in_dim3A_1677], %select_n3A_1672 : memref<16x512xf32, #tpu.memory_space<vmem>>[vector<16xi32>, vector<16xi32>], vector<16xf32>,
      %dma_wait3A_1678 = arith.constant 1 : i32
      %dma_wait3A_1679 = arith.constant 9 : i32
      %dma_wait3A_1680 = arith.constant 0 : i32
      %dma_wait3A_1681 = arith.constant 0 : i32
      %dma_wait3A_1682 = tpu.memref_slice %arg7[%dma_wait3A_1678, %dma_wait3A_1679, %dma_wait3A_1680, %dma_wait3A_1681] : memref<2x16x16x128xf32, #tpu.memory_space<vmem>> -> memref<1x1x16x128xf32, #tpu.memory_space<vmem>>
      %dma_wait3A_1683 = tpu.memref_squeeze %dma_wait3A_1682 : memref<1x1x16x128xf32, #tpu.memory_space<vmem>> -> memref<16x128xf32, #tpu.memory_space<vmem>>
      %dma_wait3A_1684 = arith.constant 0 : i32
      %dma_wait3A_1685 = arith.constant 0 : i32
      %dma_wait3A_1686 = tpu.memref_slice %arg2[%dma_wait3A_1684, %dma_wait3A_1685] : memref<16x1000000xf32, #tpu.memory_space<hbm>> -> memref<16x128xf32, #tpu.memory_space<hbm>>
      %dma_wait3A_1687 = arith.constant 0 : i32
      %dma_wait3A_1688 = arith.constant 0 : i32
      %dma_wait3A_1689 = tpu.memref_slice %arg7[%dma_wait3A_1678, %dma_wait3A_1679, %dma_wait3A_1687, %dma_wait3A_1688] : memref<2x16x16x128xf32, #tpu.memory_space<vmem>> -> memref<1x1x16x128xf32, #tpu.memory_space<vmem>>
      %dma_wait3A_1690 = tpu.memref_squeeze %dma_wait3A_1689 : memref<1x1x16x128xf32, #tpu.memory_space<vmem>> -> memref<16x128xf32, #tpu.memory_space<vmem>>
      %dma_wait3A_1691 = arith.constant 0 : i32
      %dma_wait3A_1692 = arith.constant 0 : i32
      %dma_wait3A_1693 = tpu.memref_slice %arg2[%dma_wait3A_1691, %dma_wait3A_1692] : memref<16x1000000xf32, #tpu.memory_space<hbm>> -> memref<16x128xf32, #tpu.memory_space<hbm>>
      tpu.wait_dma2 semaphore(%arg10 : memref<!tpu.dma_semaphore, #tpu.memory_space<semaphore_mem>>) src(%dma_wait3A_1693 : memref<16x128xf32, #tpu.memory_space<hbm>>) dst(%dma_wait3A_1690 : memref<16x128xf32, #tpu.memory_space<vmem>>)
      %slice3A_1694 = vector.extract_strided_slice %min3A_1290 {offsets = [9], sizes = [1], strides = [1]} : vector<16xi32> to vector<1xi32>
      %squeeze3A_1695 = vector.extract %slice3A_1694[0] : i32 from vector<1xi32>
      %broadcast_in_dim3A_1696 = vector.broadcast %squeeze3A_1695 : i32 to vector<16xi32>
      %gather3A_1697 = arith.constant 1 : i32
      %gather3A_1698 = arith.constant 9 : i32
      %gather3A_1699 = arith.constant 0 : i32
      %gather3A_1700 = arith.constant 0 : i32
      %gather3A_1701 = tpu.memref_slice %arg7[%gather3A_1697, %gather3A_1698, %gather3A_1699, %gather3A_1700] : memref<2x16x16x128xf32, #tpu.memory_space<vmem>> -> memref<1x1x16x128xf32, #tpu.memory_space<vmem>>
      %gather3A_1702 = tpu.memref_squeeze %gather3A_1701 : memref<1x1x16x128xf32, #tpu.memory_space<vmem>> -> memref<16x128xf32, #tpu.memory_space<vmem>>
      %gather3A_1703 = tpu.vector_load_idx %gather3A_1702[%iota3A, %broadcast_in_dim3A_1696] : memref<16x128xf32, #tpu.memory_space<vmem>>[vector<16xi32>, vector<16xi32>], vector<16xf32>,
      %slice3A_1704 = vector.extract_strided_slice %min3A_1299 {offsets = [9], sizes = [1], strides = [1]} : vector<16xi32> to vector<1xi32>
      %squeeze3A_1705 = vector.extract %slice3A_1704[0] : i32 from vector<1xi32>
      %broadcast_in_dim3A_1706 = vector.broadcast %squeeze3A_1705 : i32 to vector<16xi32>
      %gather3A_1707 = tpu.vector_load_idx %arg8[%iota3A, %broadcast_in_dim3A_1706] : memref<16x128xf32, #tpu.memory_space<vmem>>[vector<16xi32>, vector<16xi32>], vector<16xf32>,
      %slice3A_1708 = vector.extract_strided_slice %get3A_1277 {offsets = [9], sizes = [1], strides = [1]} : vector<16xi32> to vector<1xi32>
      %squeeze3A_1709 = vector.extract %slice3A_1708[0] : i32 from vector<1xi32>
      %broadcast_in_dim3A_1710 = vector.broadcast %squeeze3A_1709 : i32 to vector<16xi32>
      %ge3A_1711 = arith.constant 999936 : i32
      %ge3A_1712 = vector.broadcast %ge3A_1711 : i32 to vector<16xi32>
      %ge3A_1713 = arith.cmpi sge, %broadcast_in_dim3A_1710, %ge3A_1712 : vector<16xi32>
      %select_n3A_1714 = arith.select %ge3A_1713, %gather3A_1707, %gather3A_1703 : vector<16xi1>, vector<16xf32>
      %mul3A_1715 = arith.constant 16 : i32
      %mul3A_1716 = arith.muli %add3A_1272, %mul3A_1715 : i32
      %add3A_1717 = arith.constant 9 : i32
      %add3A_1718 = arith.addi %mul3A_1716, %add3A_1717 : i32
      %broadcast_in_dim3A_1719 = vector.broadcast %add3A_1718 : i32 to vector<16xi32>
      tpu.vector_store_idx %arg9[%iota3A, %broadcast_in_dim3A_1719], %select_n3A_1714 : memref<16x512xf32, #tpu.memory_space<vmem>>[vector<16xi32>, vector<16xi32>], vector<16xf32>,
      %dma_wait3A_1720 = arith.constant 1 : i32
      %dma_wait3A_1721 = arith.constant 10 : i32
      %dma_wait3A_1722 = arith.constant 0 : i32
      %dma_wait3A_1723 = arith.constant 0 : i32
      %dma_wait3A_1724 = tpu.memref_slice %arg7[%dma_wait3A_1720, %dma_wait3A_1721, %dma_wait3A_1722, %dma_wait3A_1723] : memref<2x16x16x128xf32, #tpu.memory_space<vmem>> -> memref<1x1x16x128xf32, #tpu.memory_space<vmem>>
      %dma_wait3A_1725 = tpu.memref_squeeze %dma_wait3A_1724 : memref<1x1x16x128xf32, #tpu.memory_space<vmem>> -> memref<16x128xf32, #tpu.memory_space<vmem>>
      %dma_wait3A_1726 = arith.constant 0 : i32
      %dma_wait3A_1727 = arith.constant 0 : i32
      %dma_wait3A_1728 = tpu.memref_slice %arg2[%dma_wait3A_1726, %dma_wait3A_1727] : memref<16x1000000xf32, #tpu.memory_space<hbm>> -> memref<16x128xf32, #tpu.memory_space<hbm>>
      %dma_wait3A_1729 = arith.constant 0 : i32
      %dma_wait3A_1730 = arith.constant 0 : i32
      %dma_wait3A_1731 = tpu.memref_slice %arg7[%dma_wait3A_1720, %dma_wait3A_1721, %dma_wait3A_1729, %dma_wait3A_1730] : memref<2x16x16x128xf32, #tpu.memory_space<vmem>> -> memref<1x1x16x128xf32, #tpu.memory_space<vmem>>
      %dma_wait3A_1732 = tpu.memref_squeeze %dma_wait3A_1731 : memref<1x1x16x128xf32, #tpu.memory_space<vmem>> -> memref<16x128xf32, #tpu.memory_space<vmem>>
      %dma_wait3A_1733 = arith.constant 0 : i32
      %dma_wait3A_1734 = arith.constant 0 : i32
      %dma_wait3A_1735 = tpu.memref_slice %arg2[%dma_wait3A_1733, %dma_wait3A_1734] : memref<16x1000000xf32, #tpu.memory_space<hbm>> -> memref<16x128xf32, #tpu.memory_space<hbm>>
      tpu.wait_dma2 semaphore(%arg10 : memref<!tpu.dma_semaphore, #tpu.memory_space<semaphore_mem>>) src(%dma_wait3A_1735 : memref<16x128xf32, #tpu.memory_space<hbm>>) dst(%dma_wait3A_1732 : memref<16x128xf32, #tpu.memory_space<vmem>>)
      %slice3A_1736 = vector.extract_strided_slice %min3A_1290 {offsets = [10], sizes = [1], strides = [1]} : vector<16xi32> to vector<1xi32>
      %squeeze3A_1737 = vector.extract %slice3A_1736[0] : i32 from vector<1xi32>
      %broadcast_in_dim3A_1738 = vector.broadcast %squeeze3A_1737 : i32 to vector<16xi32>
      %gather3A_1739 = arith.constant 1 : i32
      %gather3A_1740 = arith.constant 10 : i32
      %gather3A_1741 = arith.constant 0 : i32
      %gather3A_1742 = arith.constant 0 : i32
      %gather3A_1743 = tpu.memref_slice %arg7[%gather3A_1739, %gather3A_1740, %gather3A_1741, %gather3A_1742] : memref<2x16x16x128xf32, #tpu.memory_space<vmem>> -> memref<1x1x16x128xf32, #tpu.memory_space<vmem>>
      %gather3A_1744 = tpu.memref_squeeze %gather3A_1743 : memref<1x1x16x128xf32, #tpu.memory_space<vmem>> -> memref<16x128xf32, #tpu.memory_space<vmem>>
      %gather3A_1745 = tpu.vector_load_idx %gather3A_1744[%iota3A, %broadcast_in_dim3A_1738] : memref<16x128xf32, #tpu.memory_space<vmem>>[vector<16xi32>, vector<16xi32>], vector<16xf32>,
      %slice3A_1746 = vector.extract_strided_slice %min3A_1299 {offsets = [10], sizes = [1], strides = [1]} : vector<16xi32> to vector<1xi32>
      %squeeze3A_1747 = vector.extract %slice3A_1746[0] : i32 from vector<1xi32>
      %broadcast_in_dim3A_1748 = vector.broadcast %squeeze3A_1747 : i32 to vector<16xi32>
      %gather3A_1749 = tpu.vector_load_idx %arg8[%iota3A, %broadcast_in_dim3A_1748] : memref<16x128xf32, #tpu.memory_space<vmem>>[vector<16xi32>, vector<16xi32>], vector<16xf32>,
      %slice3A_1750 = vector.extract_strided_slice %get3A_1277 {offsets = [10], sizes = [1], strides = [1]} : vector<16xi32> to vector<1xi32>
      %squeeze3A_1751 = vector.extract %slice3A_1750[0] : i32 from vector<1xi32>
      %broadcast_in_dim3A_1752 = vector.broadcast %squeeze3A_1751 : i32 to vector<16xi32>
      %ge3A_1753 = arith.constant 999936 : i32
      %ge3A_1754 = vector.broadcast %ge3A_1753 : i32 to vector<16xi32>
      %ge3A_1755 = arith.cmpi sge, %broadcast_in_dim3A_1752, %ge3A_1754 : vector<16xi32>
      %select_n3A_1756 = arith.select %ge3A_1755, %gather3A_1749, %gather3A_1745 : vector<16xi1>, vector<16xf32>
      %mul3A_1757 = arith.constant 16 : i32
      %mul3A_1758 = arith.muli %add3A_1272, %mul3A_1757 : i32
      %add3A_1759 = arith.constant 10 : i32
      %add3A_1760 = arith.addi %mul3A_1758, %add3A_1759 : i32
      %broadcast_in_dim3A_1761 = vector.broadcast %add3A_1760 : i32 to vector<16xi32>
      tpu.vector_store_idx %arg9[%iota3A, %broadcast_in_dim3A_1761], %select_n3A_1756 : memref<16x512xf32, #tpu.memory_space<vmem>>[vector<16xi32>, vector<16xi32>], vector<16xf32>,
      %dma_wait3A_1762 = arith.constant 1 : i32
      %dma_wait3A_1763 = arith.constant 11 : i32
      %dma_wait3A_1764 = arith.constant 0 : i32
      %dma_wait3A_1765 = arith.constant 0 : i32
      %dma_wait3A_1766 = tpu.memref_slice %arg7[%dma_wait3A_1762, %dma_wait3A_1763, %dma_wait3A_1764, %dma_wait3A_1765] : memref<2x16x16x128xf32, #tpu.memory_space<vmem>> -> memref<1x1x16x128xf32, #tpu.memory_space<vmem>>
      %dma_wait3A_1767 = tpu.memref_squeeze %dma_wait3A_1766 : memref<1x1x16x128xf32, #tpu.memory_space<vmem>> -> memref<16x128xf32, #tpu.memory_space<vmem>>
      %dma_wait3A_1768 = arith.constant 0 : i32
      %dma_wait3A_1769 = arith.constant 0 : i32
      %dma_wait3A_1770 = tpu.memref_slice %arg2[%dma_wait3A_1768, %dma_wait3A_1769] : memref<16x1000000xf32, #tpu.memory_space<hbm>> -> memref<16x128xf32, #tpu.memory_space<hbm>>
      %dma_wait3A_1771 = arith.constant 0 : i32
      %dma_wait3A_1772 = arith.constant 0 : i32
      %dma_wait3A_1773 = tpu.memref_slice %arg7[%dma_wait3A_1762, %dma_wait3A_1763, %dma_wait3A_1771, %dma_wait3A_1772] : memref<2x16x16x128xf32, #tpu.memory_space<vmem>> -> memref<1x1x16x128xf32, #tpu.memory_space<vmem>>
      %dma_wait3A_1774 = tpu.memref_squeeze %dma_wait3A_1773 : memref<1x1x16x128xf32, #tpu.memory_space<vmem>> -> memref<16x128xf32, #tpu.memory_space<vmem>>
      %dma_wait3A_1775 = arith.constant 0 : i32
      %dma_wait3A_1776 = arith.constant 0 : i32
      %dma_wait3A_1777 = tpu.memref_slice %arg2[%dma_wait3A_1775, %dma_wait3A_1776] : memref<16x1000000xf32, #tpu.memory_space<hbm>> -> memref<16x128xf32, #tpu.memory_space<hbm>>
      tpu.wait_dma2 semaphore(%arg10 : memref<!tpu.dma_semaphore, #tpu.memory_space<semaphore_mem>>) src(%dma_wait3A_1777 : memref<16x128xf32, #tpu.memory_space<hbm>>) dst(%dma_wait3A_1774 : memref<16x128xf32, #tpu.memory_space<vmem>>)
      %slice3A_1778 = vector.extract_strided_slice %min3A_1290 {offsets = [11], sizes = [1], strides = [1]} : vector<16xi32> to vector<1xi32>
      %squeeze3A_1779 = vector.extract %slice3A_1778[0] : i32 from vector<1xi32>
      %broadcast_in_dim3A_1780 = vector.broadcast %squeeze3A_1779 : i32 to vector<16xi32>
      %gather3A_1781 = arith.constant 1 : i32
      %gather3A_1782 = arith.constant 11 : i32
      %gather3A_1783 = arith.constant 0 : i32
      %gather3A_1784 = arith.constant 0 : i32
      %gather3A_1785 = tpu.memref_slice %arg7[%gather3A_1781, %gather3A_1782, %gather3A_1783, %gather3A_1784] : memref<2x16x16x128xf32, #tpu.memory_space<vmem>> -> memref<1x1x16x128xf32, #tpu.memory_space<vmem>>
      %gather3A_1786 = tpu.memref_squeeze %gather3A_1785 : memref<1x1x16x128xf32, #tpu.memory_space<vmem>> -> memref<16x128xf32, #tpu.memory_space<vmem>>
      %gather3A_1787 = tpu.vector_load_idx %gather3A_1786[%iota3A, %broadcast_in_dim3A_1780] : memref<16x128xf32, #tpu.memory_space<vmem>>[vector<16xi32>, vector<16xi32>], vector<16xf32>,
      %slice3A_1788 = vector.extract_strided_slice %min3A_1299 {offsets = [11], sizes = [1], strides = [1]} : vector<16xi32> to vector<1xi32>
      %squeeze3A_1789 = vector.extract %slice3A_1788[0] : i32 from vector<1xi32>
      %broadcast_in_dim3A_1790 = vector.broadcast %squeeze3A_1789 : i32 to vector<16xi32>
      %gather3A_1791 = tpu.vector_load_idx %arg8[%iota3A, %broadcast_in_dim3A_1790] : memref<16x128xf32, #tpu.memory_space<vmem>>[vector<16xi32>, vector<16xi32>], vector<16xf32>,
      %slice3A_1792 = vector.extract_strided_slice %get3A_1277 {offsets = [11], sizes = [1], strides = [1]} : vector<16xi32> to vector<1xi32>
      %squeeze3A_1793 = vector.extract %slice3A_1792[0] : i32 from vector<1xi32>
      %broadcast_in_dim3A_1794 = vector.broadcast %squeeze3A_1793 : i32 to vector<16xi32>
      %ge3A_1795 = arith.constant 999936 : i32
      %ge3A_1796 = vector.broadcast %ge3A_1795 : i32 to vector<16xi32>
      %ge3A_1797 = arith.cmpi sge, %broadcast_in_dim3A_1794, %ge3A_1796 : vector<16xi32>
      %select_n3A_1798 = arith.select %ge3A_1797, %gather3A_1791, %gather3A_1787 : vector<16xi1>, vector<16xf32>
      %mul3A_1799 = arith.constant 16 : i32
      %mul3A_1800 = arith.muli %add3A_1272, %mul3A_1799 : i32
      %add3A_1801 = arith.constant 11 : i32
      %add3A_1802 = arith.addi %mul3A_1800, %add3A_1801 : i32
      %broadcast_in_dim3A_1803 = vector.broadcast %add3A_1802 : i32 to vector<16xi32>
      tpu.vector_store_idx %arg9[%iota3A, %broadcast_in_dim3A_1803], %select_n3A_1798 : memref<16x512xf32, #tpu.memory_space<vmem>>[vector<16xi32>, vector<16xi32>], vector<16xf32>,
      %dma_wait3A_1804 = arith.constant 1 : i32
      %dma_wait3A_1805 = arith.constant 12 : i32
      %dma_wait3A_1806 = arith.constant 0 : i32
      %dma_wait3A_1807 = arith.constant 0 : i32
      %dma_wait3A_1808 = tpu.memref_slice %arg7[%dma_wait3A_1804, %dma_wait3A_1805, %dma_wait3A_1806, %dma_wait3A_1807] : memref<2x16x16x128xf32, #tpu.memory_space<vmem>> -> memref<1x1x16x128xf32, #tpu.memory_space<vmem>>
      %dma_wait3A_1809 = tpu.memref_squeeze %dma_wait3A_1808 : memref<1x1x16x128xf32, #tpu.memory_space<vmem>> -> memref<16x128xf32, #tpu.memory_space<vmem>>
      %dma_wait3A_1810 = arith.constant 0 : i32
      %dma_wait3A_1811 = arith.constant 0 : i32
      %dma_wait3A_1812 = tpu.memref_slice %arg2[%dma_wait3A_1810, %dma_wait3A_1811] : memref<16x1000000xf32, #tpu.memory_space<hbm>> -> memref<16x128xf32, #tpu.memory_space<hbm>>
      %dma_wait3A_1813 = arith.constant 0 : i32
      %dma_wait3A_1814 = arith.constant 0 : i32
      %dma_wait3A_1815 = tpu.memref_slice %arg7[%dma_wait3A_1804, %dma_wait3A_1805, %dma_wait3A_1813, %dma_wait3A_1814] : memref<2x16x16x128xf32, #tpu.memory_space<vmem>> -> memref<1x1x16x128xf32, #tpu.memory_space<vmem>>
      %dma_wait3A_1816 = tpu.memref_squeeze %dma_wait3A_1815 : memref<1x1x16x128xf32, #tpu.memory_space<vmem>> -> memref<16x128xf32, #tpu.memory_space<vmem>>
      %dma_wait3A_1817 = arith.constant 0 : i32
      %dma_wait3A_1818 = arith.constant 0 : i32
      %dma_wait3A_1819 = tpu.memref_slice %arg2[%dma_wait3A_1817, %dma_wait3A_1818] : memref<16x1000000xf32, #tpu.memory_space<hbm>> -> memref<16x128xf32, #tpu.memory_space<hbm>>
      tpu.wait_dma2 semaphore(%arg10 : memref<!tpu.dma_semaphore, #tpu.memory_space<semaphore_mem>>) src(%dma_wait3A_1819 : memref<16x128xf32, #tpu.memory_space<hbm>>) dst(%dma_wait3A_1816 : memref<16x128xf32, #tpu.memory_space<vmem>>)
      %slice3A_1820 = vector.extract_strided_slice %min3A_1290 {offsets = [12], sizes = [1], strides = [1]} : vector<16xi32> to vector<1xi32>
      %squeeze3A_1821 = vector.extract %slice3A_1820[0] : i32 from vector<1xi32>
      %broadcast_in_dim3A_1822 = vector.broadcast %squeeze3A_1821 : i32 to vector<16xi32>
      %gather3A_1823 = arith.constant 1 : i32
      %gather3A_1824 = arith.constant 12 : i32
      %gather3A_1825 = arith.constant 0 : i32
      %gather3A_1826 = arith.constant 0 : i32
      %gather3A_1827 = tpu.memref_slice %arg7[%gather3A_1823, %gather3A_1824, %gather3A_1825, %gather3A_1826] : memref<2x16x16x128xf32, #tpu.memory_space<vmem>> -> memref<1x1x16x128xf32, #tpu.memory_space<vmem>>
      %gather3A_1828 = tpu.memref_squeeze %gather3A_1827 : memref<1x1x16x128xf32, #tpu.memory_space<vmem>> -> memref<16x128xf32, #tpu.memory_space<vmem>>
      %gather3A_1829 = tpu.vector_load_idx %gather3A_1828[%iota3A, %broadcast_in_dim3A_1822] : memref<16x128xf32, #tpu.memory_space<vmem>>[vector<16xi32>, vector<16xi32>], vector<16xf32>,
      %slice3A_1830 = vector.extract_strided_slice %min3A_1299 {offsets = [12], sizes = [1], strides = [1]} : vector<16xi32> to vector<1xi32>
      %squeeze3A_1831 = vector.extract %slice3A_1830[0] : i32 from vector<1xi32>
      %broadcast_in_dim3A_1832 = vector.broadcast %squeeze3A_1831 : i32 to vector<16xi32>
      %gather3A_1833 = tpu.vector_load_idx %arg8[%iota3A, %broadcast_in_dim3A_1832] : memref<16x128xf32, #tpu.memory_space<vmem>>[vector<16xi32>, vector<16xi32>], vector<16xf32>,
      %slice3A_1834 = vector.extract_strided_slice %get3A_1277 {offsets = [12], sizes = [1], strides = [1]} : vector<16xi32> to vector<1xi32>
      %squeeze3A_1835 = vector.extract %slice3A_1834[0] : i32 from vector<1xi32>
      %broadcast_in_dim3A_1836 = vector.broadcast %squeeze3A_1835 : i32 to vector<16xi32>
      %ge3A_1837 = arith.constant 999936 : i32
      %ge3A_1838 = vector.broadcast %ge3A_1837 : i32 to vector<16xi32>
      %ge3A_1839 = arith.cmpi sge, %broadcast_in_dim3A_1836, %ge3A_1838 : vector<16xi32>
      %select_n3A_1840 = arith.select %ge3A_1839, %gather3A_1833, %gather3A_1829 : vector<16xi1>, vector<16xf32>
      %mul3A_1841 = arith.constant 16 : i32
      %mul3A_1842 = arith.muli %add3A_1272, %mul3A_1841 : i32
      %add3A_1843 = arith.constant 12 : i32
      %add3A_1844 = arith.addi %mul3A_1842, %add3A_1843 : i32
      %broadcast_in_dim3A_1845 = vector.broadcast %add3A_1844 : i32 to vector<16xi32>
      tpu.vector_store_idx %arg9[%iota3A, %broadcast_in_dim3A_1845], %select_n3A_1840 : memref<16x512xf32, #tpu.memory_space<vmem>>[vector<16xi32>, vector<16xi32>], vector<16xf32>,
      %dma_wait3A_1846 = arith.constant 1 : i32
      %dma_wait3A_1847 = arith.constant 13 : i32
      %dma_wait3A_1848 = arith.constant 0 : i32
      %dma_wait3A_1849 = arith.constant 0 : i32
      %dma_wait3A_1850 = tpu.memref_slice %arg7[%dma_wait3A_1846, %dma_wait3A_1847, %dma_wait3A_1848, %dma_wait3A_1849] : memref<2x16x16x128xf32, #tpu.memory_space<vmem>> -> memref<1x1x16x128xf32, #tpu.memory_space<vmem>>
      %dma_wait3A_1851 = tpu.memref_squeeze %dma_wait3A_1850 : memref<1x1x16x128xf32, #tpu.memory_space<vmem>> -> memref<16x128xf32, #tpu.memory_space<vmem>>
      %dma_wait3A_1852 = arith.constant 0 : i32
      %dma_wait3A_1853 = arith.constant 0 : i32
      %dma_wait3A_1854 = tpu.memref_slice %arg2[%dma_wait3A_1852, %dma_wait3A_1853] : memref<16x1000000xf32, #tpu.memory_space<hbm>> -> memref<16x128xf32, #tpu.memory_space<hbm>>
      %dma_wait3A_1855 = arith.constant 0 : i32
      %dma_wait3A_1856 = arith.constant 0 : i32
      %dma_wait3A_1857 = tpu.memref_slice %arg7[%dma_wait3A_1846, %dma_wait3A_1847, %dma_wait3A_1855, %dma_wait3A_1856] : memref<2x16x16x128xf32, #tpu.memory_space<vmem>> -> memref<1x1x16x128xf32, #tpu.memory_space<vmem>>
      %dma_wait3A_1858 = tpu.memref_squeeze %dma_wait3A_1857 : memref<1x1x16x128xf32, #tpu.memory_space<vmem>> -> memref<16x128xf32, #tpu.memory_space<vmem>>
      %dma_wait3A_1859 = arith.constant 0 : i32
      %dma_wait3A_1860 = arith.constant 0 : i32
      %dma_wait3A_1861 = tpu.memref_slice %arg2[%dma_wait3A_1859, %dma_wait3A_1860] : memref<16x1000000xf32, #tpu.memory_space<hbm>> -> memref<16x128xf32, #tpu.memory_space<hbm>>
      tpu.wait_dma2 semaphore(%arg10 : memref<!tpu.dma_semaphore, #tpu.memory_space<semaphore_mem>>) src(%dma_wait3A_1861 : memref<16x128xf32, #tpu.memory_space<hbm>>) dst(%dma_wait3A_1858 : memref<16x128xf32, #tpu.memory_space<vmem>>)
      %slice3A_1862 = vector.extract_strided_slice %min3A_1290 {offsets = [13], sizes = [1], strides = [1]} : vector<16xi32> to vector<1xi32>
      %squeeze3A_1863 = vector.extract %slice3A_1862[0] : i32 from vector<1xi32>
      %broadcast_in_dim3A_1864 = vector.broadcast %squeeze3A_1863 : i32 to vector<16xi32>
      %gather3A_1865 = arith.constant 1 : i32
      %gather3A_1866 = arith.constant 13 : i32
      %gather3A_1867 = arith.constant 0 : i32
      %gather3A_1868 = arith.constant 0 : i32
      %gather3A_1869 = tpu.memref_slice %arg7[%gather3A_1865, %gather3A_1866, %gather3A_1867, %gather3A_1868] : memref<2x16x16x128xf32, #tpu.memory_space<vmem>> -> memref<1x1x16x128xf32, #tpu.memory_space<vmem>>
      %gather3A_1870 = tpu.memref_squeeze %gather3A_1869 : memref<1x1x16x128xf32, #tpu.memory_space<vmem>> -> memref<16x128xf32, #tpu.memory_space<vmem>>
      %gather3A_1871 = tpu.vector_load_idx %gather3A_1870[%iota3A, %broadcast_in_dim3A_1864] : memref<16x128xf32, #tpu.memory_space<vmem>>[vector<16xi32>, vector<16xi32>], vector<16xf32>,
      %slice3A_1872 = vector.extract_strided_slice %min3A_1299 {offsets = [13], sizes = [1], strides = [1]} : vector<16xi32> to vector<1xi32>
      %squeeze3A_1873 = vector.extract %slice3A_1872[0] : i32 from vector<1xi32>
      %broadcast_in_dim3A_1874 = vector.broadcast %squeeze3A_1873 : i32 to vector<16xi32>
      %gather3A_1875 = tpu.vector_load_idx %arg8[%iota3A, %broadcast_in_dim3A_1874] : memref<16x128xf32, #tpu.memory_space<vmem>>[vector<16xi32>, vector<16xi32>], vector<16xf32>,
      %slice3A_1876 = vector.extract_strided_slice %get3A_1277 {offsets = [13], sizes = [1], strides = [1]} : vector<16xi32> to vector<1xi32>
      %squeeze3A_1877 = vector.extract %slice3A_1876[0] : i32 from vector<1xi32>
      %broadcast_in_dim3A_1878 = vector.broadcast %squeeze3A_1877 : i32 to vector<16xi32>
      %ge3A_1879 = arith.constant 999936 : i32
      %ge3A_1880 = vector.broadcast %ge3A_1879 : i32 to vector<16xi32>
      %ge3A_1881 = arith.cmpi sge, %broadcast_in_dim3A_1878, %ge3A_1880 : vector<16xi32>
      %select_n3A_1882 = arith.select %ge3A_1881, %gather3A_1875, %gather3A_1871 : vector<16xi1>, vector<16xf32>
      %mul3A_1883 = arith.constant 16 : i32
      %mul3A_1884 = arith.muli %add3A_1272, %mul3A_1883 : i32
      %add3A_1885 = arith.constant 13 : i32
      %add3A_1886 = arith.addi %mul3A_1884, %add3A_1885 : i32
      %broadcast_in_dim3A_1887 = vector.broadcast %add3A_1886 : i32 to vector<16xi32>
      tpu.vector_store_idx %arg9[%iota3A, %broadcast_in_dim3A_1887], %select_n3A_1882 : memref<16x512xf32, #tpu.memory_space<vmem>>[vector<16xi32>, vector<16xi32>], vector<16xf32>,
      %dma_wait3A_1888 = arith.constant 1 : i32
      %dma_wait3A_1889 = arith.constant 14 : i32
      %dma_wait3A_1890 = arith.constant 0 : i32
      %dma_wait3A_1891 = arith.constant 0 : i32
      %dma_wait3A_1892 = tpu.memref_slice %arg7[%dma_wait3A_1888, %dma_wait3A_1889, %dma_wait3A_1890, %dma_wait3A_1891] : memref<2x16x16x128xf32, #tpu.memory_space<vmem>> -> memref<1x1x16x128xf32, #tpu.memory_space<vmem>>
      %dma_wait3A_1893 = tpu.memref_squeeze %dma_wait3A_1892 : memref<1x1x16x128xf32, #tpu.memory_space<vmem>> -> memref<16x128xf32, #tpu.memory_space<vmem>>
      %dma_wait3A_1894 = arith.constant 0 : i32
      %dma_wait3A_1895 = arith.constant 0 : i32
      %dma_wait3A_1896 = tpu.memref_slice %arg2[%dma_wait3A_1894, %dma_wait3A_1895] : memref<16x1000000xf32, #tpu.memory_space<hbm>> -> memref<16x128xf32, #tpu.memory_space<hbm>>
      %dma_wait3A_1897 = arith.constant 0 : i32
      %dma_wait3A_1898 = arith.constant 0 : i32
      %dma_wait3A_1899 = tpu.memref_slice %arg7[%dma_wait3A_1888, %dma_wait3A_1889, %dma_wait3A_1897, %dma_wait3A_1898] : memref<2x16x16x128xf32, #tpu.memory_space<vmem>> -> memref<1x1x16x128xf32, #tpu.memory_space<vmem>>
      %dma_wait3A_1900 = tpu.memref_squeeze %dma_wait3A_1899 : memref<1x1x16x128xf32, #tpu.memory_space<vmem>> -> memref<16x128xf32, #tpu.memory_space<vmem>>
      %dma_wait3A_1901 = arith.constant 0 : i32
      %dma_wait3A_1902 = arith.constant 0 : i32
      %dma_wait3A_1903 = tpu.memref_slice %arg2[%dma_wait3A_1901, %dma_wait3A_1902] : memref<16x1000000xf32, #tpu.memory_space<hbm>> -> memref<16x128xf32, #tpu.memory_space<hbm>>
      tpu.wait_dma2 semaphore(%arg10 : memref<!tpu.dma_semaphore, #tpu.memory_space<semaphore_mem>>) src(%dma_wait3A_1903 : memref<16x128xf32, #tpu.memory_space<hbm>>) dst(%dma_wait3A_1900 : memref<16x128xf32, #tpu.memory_space<vmem>>)
      %slice3A_1904 = vector.extract_strided_slice %min3A_1290 {offsets = [14], sizes = [1], strides = [1]} : vector<16xi32> to vector<1xi32>
      %squeeze3A_1905 = vector.extract %slice3A_1904[0] : i32 from vector<1xi32>
      %broadcast_in_dim3A_1906 = vector.broadcast %squeeze3A_1905 : i32 to vector<16xi32>
      %gather3A_1907 = arith.constant 1 : i32
      %gather3A_1908 = arith.constant 14 : i32
      %gather3A_1909 = arith.constant 0 : i32
      %gather3A_1910 = arith.constant 0 : i32
      %gather3A_1911 = tpu.memref_slice %arg7[%gather3A_1907, %gather3A_1908, %gather3A_1909, %gather3A_1910] : memref<2x16x16x128xf32, #tpu.memory_space<vmem>> -> memref<1x1x16x128xf32, #tpu.memory_space<vmem>>
      %gather3A_1912 = tpu.memref_squeeze %gather3A_1911 : memref<1x1x16x128xf32, #tpu.memory_space<vmem>> -> memref<16x128xf32, #tpu.memory_space<vmem>>
      %gather3A_1913 = tpu.vector_load_idx %gather3A_1912[%iota3A, %broadcast_in_dim3A_1906] : memref<16x128xf32, #tpu.memory_space<vmem>>[vector<16xi32>, vector<16xi32>], vector<16xf32>,
      %slice3A_1914 = vector.extract_strided_slice %min3A_1299 {offsets = [14], sizes = [1], strides = [1]} : vector<16xi32> to vector<1xi32>
      %squeeze3A_1915 = vector.extract %slice3A_1914[0] : i32 from vector<1xi32>
      %broadcast_in_dim3A_1916 = vector.broadcast %squeeze3A_1915 : i32 to vector<16xi32>
      %gather3A_1917 = tpu.vector_load_idx %arg8[%iota3A, %broadcast_in_dim3A_1916] : memref<16x128xf32, #tpu.memory_space<vmem>>[vector<16xi32>, vector<16xi32>], vector<16xf32>,
      %slice3A_1918 = vector.extract_strided_slice %get3A_1277 {offsets = [14], sizes = [1], strides = [1]} : vector<16xi32> to vector<1xi32>
      %squeeze3A_1919 = vector.extract %slice3A_1918[0] : i32 from vector<1xi32>
      %broadcast_in_dim3A_1920 = vector.broadcast %squeeze3A_1919 : i32 to vector<16xi32>
      %ge3A_1921 = arith.constant 999936 : i32
      %ge3A_1922 = vector.broadcast %ge3A_1921 : i32 to vector<16xi32>
      %ge3A_1923 = arith.cmpi sge, %broadcast_in_dim3A_1920, %ge3A_1922 : vector<16xi32>
      %select_n3A_1924 = arith.select %ge3A_1923, %gather3A_1917, %gather3A_1913 : vector<16xi1>, vector<16xf32>
      %mul3A_1925 = arith.constant 16 : i32
      %mul3A_1926 = arith.muli %add3A_1272, %mul3A_1925 : i32
      %add3A_1927 = arith.constant 14 : i32
      %add3A_1928 = arith.addi %mul3A_1926, %add3A_1927 : i32
      %broadcast_in_dim3A_1929 = vector.broadcast %add3A_1928 : i32 to vector<16xi32>
      tpu.vector_store_idx %arg9[%iota3A, %broadcast_in_dim3A_1929], %select_n3A_1924 : memref<16x512xf32, #tpu.memory_space<vmem>>[vector<16xi32>, vector<16xi32>], vector<16xf32>,
      %dma_wait3A_1930 = arith.constant 1 : i32
      %dma_wait3A_1931 = arith.constant 15 : i32
      %dma_wait3A_1932 = arith.constant 0 : i32
      %dma_wait3A_1933 = arith.constant 0 : i32
      %dma_wait3A_1934 = tpu.memref_slice %arg7[%dma_wait3A_1930, %dma_wait3A_1931, %dma_wait3A_1932, %dma_wait3A_1933] : memref<2x16x16x128xf32, #tpu.memory_space<vmem>> -> memref<1x1x16x128xf32, #tpu.memory_space<vmem>>
      %dma_wait3A_1935 = tpu.memref_squeeze %dma_wait3A_1934 : memref<1x1x16x128xf32, #tpu.memory_space<vmem>> -> memref<16x128xf32, #tpu.memory_space<vmem>>
      %dma_wait3A_1936 = arith.constant 0 : i32
      %dma_wait3A_1937 = arith.constant 0 : i32
      %dma_wait3A_1938 = tpu.memref_slice %arg2[%dma_wait3A_1936, %dma_wait3A_1937] : memref<16x1000000xf32, #tpu.memory_space<hbm>> -> memref<16x128xf32, #tpu.memory_space<hbm>>
      %dma_wait3A_1939 = arith.constant 0 : i32
      %dma_wait3A_1940 = arith.constant 0 : i32
      %dma_wait3A_1941 = tpu.memref_slice %arg7[%dma_wait3A_1930, %dma_wait3A_1931, %dma_wait3A_1939, %dma_wait3A_1940] : memref<2x16x16x128xf32, #tpu.memory_space<vmem>> -> memref<1x1x16x128xf32, #tpu.memory_space<vmem>>
      %dma_wait3A_1942 = tpu.memref_squeeze %dma_wait3A_1941 : memref<1x1x16x128xf32, #tpu.memory_space<vmem>> -> memref<16x128xf32, #tpu.memory_space<vmem>>
      %dma_wait3A_1943 = arith.constant 0 : i32
      %dma_wait3A_1944 = arith.constant 0 : i32
      %dma_wait3A_1945 = tpu.memref_slice %arg2[%dma_wait3A_1943, %dma_wait3A_1944] : memref<16x1000000xf32, #tpu.memory_space<hbm>> -> memref<16x128xf32, #tpu.memory_space<hbm>>
      tpu.wait_dma2 semaphore(%arg10 : memref<!tpu.dma_semaphore, #tpu.memory_space<semaphore_mem>>) src(%dma_wait3A_1945 : memref<16x128xf32, #tpu.memory_space<hbm>>) dst(%dma_wait3A_1942 : memref<16x128xf32, #tpu.memory_space<vmem>>)
      %slice3A_1946 = vector.extract_strided_slice %min3A_1290 {offsets = [15], sizes = [1], strides = [1]} : vector<16xi32> to vector<1xi32>
      %squeeze3A_1947 = vector.extract %slice3A_1946[0] : i32 from vector<1xi32>
      %broadcast_in_dim3A_1948 = vector.broadcast %squeeze3A_1947 : i32 to vector<16xi32>
      %gather3A_1949 = arith.constant 1 : i32
      %gather3A_1950 = arith.constant 15 : i32
      %gather3A_1951 = arith.constant 0 : i32
      %gather3A_1952 = arith.constant 0 : i32
      %gather3A_1953 = tpu.memref_slice %arg7[%gather3A_1949, %gather3A_1950, %gather3A_1951, %gather3A_1952] : memref<2x16x16x128xf32, #tpu.memory_space<vmem>> -> memref<1x1x16x128xf32, #tpu.memory_space<vmem>>
      %gather3A_1954 = tpu.memref_squeeze %gather3A_1953 : memref<1x1x16x128xf32, #tpu.memory_space<vmem>> -> memref<16x128xf32, #tpu.memory_space<vmem>>
      %gather3A_1955 = tpu.vector_load_idx %gather3A_1954[%iota3A, %broadcast_in_dim3A_1948] : memref<16x128xf32, #tpu.memory_space<vmem>>[vector<16xi32>, vector<16xi32>], vector<16xf32>,
      %slice3A_1956 = vector.extract_strided_slice %min3A_1299 {offsets = [15], sizes = [1], strides = [1]} : vector<16xi32> to vector<1xi32>
      %squeeze3A_1957 = vector.extract %slice3A_1956[0] : i32 from vector<1xi32>
      %broadcast_in_dim3A_1958 = vector.broadcast %squeeze3A_1957 : i32 to vector<16xi32>
      %gather3A_1959 = tpu.vector_load_idx %arg8[%iota3A, %broadcast_in_dim3A_1958] : memref<16x128xf32, #tpu.memory_space<vmem>>[vector<16xi32>, vector<16xi32>], vector<16xf32>,
      %slice3A_1960 = vector.extract_strided_slice %get3A_1277 {offsets = [15], sizes = [1], strides = [1]} : vector<16xi32> to vector<1xi32>
      %squeeze3A_1961 = vector.extract %slice3A_1960[0] : i32 from vector<1xi32>
      %broadcast_in_dim3A_1962 = vector.broadcast %squeeze3A_1961 : i32 to vector<16xi32>
      %ge3A_1963 = arith.constant 999936 : i32
      %ge3A_1964 = vector.broadcast %ge3A_1963 : i32 to vector<16xi32>
      %ge3A_1965 = arith.cmpi sge, %broadcast_in_dim3A_1962, %ge3A_1964 : vector<16xi32>
      %select_n3A_1966 = arith.select %ge3A_1965, %gather3A_1959, %gather3A_1955 : vector<16xi1>, vector<16xf32>
      %mul3A_1967 = arith.constant 16 : i32
      %mul3A_1968 = arith.muli %add3A_1272, %mul3A_1967 : i32
      %add3A_1969 = arith.constant 15 : i32
      %add3A_1970 = arith.addi %mul3A_1968, %add3A_1969 : i32
      %broadcast_in_dim3A_1971 = vector.broadcast %add3A_1970 : i32 to vector<16xi32>
      tpu.vector_store_idx %arg9[%iota3A, %broadcast_in_dim3A_1971], %select_n3A_1966 : memref<16x512xf32, #tpu.memory_space<vmem>>[vector<16xi32>, vector<16xi32>], vector<16xf32>,
    }
    %scan3A_284 = arith.constant 16 : i32
    "tpu.region"() ({
      %run_scoped3A = tpu.sem_alloc : memref<!tpu.dma_semaphore, #tpu.memory_space<semaphore_mem>>
      %dma_start3A_285 = arith.constant 0 : i32
      %dma_start3A_286 = tpu.memref_slice %arg5[%dma_start3A_285, %mul3A_2] : memref<16x16384xf32, #tpu.memory_space<hbm>> -> memref<16x512xf32, #tpu.memory_space<hbm>>
      %dma_start3A_287 = arith.constant 0 : i32
      %dma_start3A_288 = tpu.memref_slice %arg5[%dma_start3A_287, %mul3A_2] : memref<16x16384xf32, #tpu.memory_space<hbm>> -> memref<16x512xf32, #tpu.memory_space<hbm>>
      tpu.enqueue_dma source(%arg9 : memref<16x512xf32, #tpu.memory_space<vmem>>) target(%dma_start3A_288 : memref<16x512xf32, #tpu.memory_space<hbm>>) target_semaphore(%run_scoped3A : memref<!tpu.dma_semaphore, #tpu.memory_space<semaphore_mem>>)
      %dma_wait3A = arith.constant 0 : i32
      %dma_wait3A_289 = tpu.memref_slice %arg5[%dma_wait3A, %mul3A_2] : memref<16x16384xf32, #tpu.memory_space<hbm>> -> memref<16x512xf32, #tpu.memory_space<hbm>>
      %dma_wait3A_290 = arith.constant 0 : i32
      %dma_wait3A_291 = tpu.memref_slice %arg5[%dma_wait3A_290, %mul3A_2] : memref<16x16384xf32, #tpu.memory_space<hbm>> -> memref<16x512xf32, #tpu.memory_space<hbm>>
      tpu.wait_dma2 semaphore(%run_scoped3A : memref<!tpu.dma_semaphore, #tpu.memory_space<semaphore_mem>>) src(%arg9 : memref<16x512xf32, #tpu.memory_space<vmem>>) dst(%dma_wait3A_291 : memref<16x512xf32, #tpu.memory_space<hbm>>)
      tpu.yield
    }) : () -> ()
    return
  }
}

</mosaic_0001>

<sc_bundles>
// kernel: kernel.3.cloned.1.call-start
scs
__scs_entry_jumppad:
0x0: {  	(pc) =	sbr.rel $0x88, $3  }
0x1: {  	(tag) =	ssettag $0x0;
	lr =	simm.s32 $0x1  }
0x2: {  	[smem:$0x3F9F] =	sst lr;
	_ =	strace $0xD0000000  }
0x3: {  	_ = 	snop  }
0x4: {  	_ = 	snop  }
0x5: {  	_ = 	snop  }
0x6: {  	_ = 	snop  }
0x7: {  	_ = 	snop  }
__scs_overlays_trampoline_lowered:
0x8: {  	[smem:$0x3FAE] =	sst s0  }
0x9: {  	[smem:$0x3FAF] =	sst s1  }
0xa: {  	[smem:$0x3FB0] =	sst s2  }
0xb: {  	[smem:$0x3FB1] =	sst s3  }
0xc: {  	[smem:$0x3FB2] =	sst s4  }
0xd: {  	[smem:$0x3FB3] =	sst s5  }
0xe: {  	[smem:$0x3FB4] =	sst s6  }
0xf: {  	[smem:$0x3FB5] =	sst s7  }
0x10: {  	[smem:$0x3FB6] =	sst s8  }
0x11: {  	[smem:$0x3FB7] =	sst s9;
	s0 =	simm.s32 @!p0 $0x0  }
0x12: {  	s1 =	sld [smem:$0x3F9D];
	s0 =	simm.s32 @p0 $0x1  }
0x13: {  	[smem:$0x3FB8] =	sst s0;
	s0 =	simm.s32 @!p1 $0x0  }
0x14: {  	s2 =	sld [smem:$0x3F9C];
	s0 =	simm.s32 @p1 $0x1  }
0x15: {  	[smem:$0x3FB9] =	sst s0;
	s0 =	simm.s32 @!p2 $0x0  }
0x16: {  	s3 =	sld [smem:$0x3FDB];
	s0 =	simm.s32 @p2 $0x1  }
0x17: {  	s4 =	simm.s32 $0x1BF5;
	[smem:$0x3FBB] =	sst s0  }
0x18: {  	s0 =	sld [smem:$0x3F9E];
	_ =	swait.ge [sflag:s4], $0x0  }
0x19: {  	s7 =	sld [smem:$0x3F9F]  }
0x1a: {  	s8 =	sadd.s32 $0xFFFFE003, lr  }
0x1b: {  	s9 =	sadd.s32 $0xFFFFFEF7, lr;
	s5 =	simm.s32 $0xFFFFFFFF;
	p2 =	slt.u32 s8, $0xFFFFF086  }
0x1c: {  	p1 =	slt.u32 s9, $0xF7A;
	s5 =	simm.s32 @!p2 $0x0  }
0x1d: {  	s5 =	simm.s32 @p1 $0x1;
	p0 =	seq.s32 s7, s2  }
0x1e: {  	s7 =	smul.u32 @!p0 $0xF7A, s2;
	p2 =	seq.s32 @!p0 s5, $0x0  }
0x1f: {  	s9 =	smul.u32 $0xF7A, s1;
	s8 =	simm.s32 @!p0 $0x1BF5;
	p2 =	por !p2, p0  }
0x20: {  	[sflag:s8] =	ssyncset.s32 @!p0 $0xFFFFF086;
	s6 =	sadd.s32 @!p0 s3, s7;
	s7 =	simm.s32 @!p0 $0x108  }
0x21: {  	s3 =	sadd.s32 s3, s9;
	s6 =	sadd.s32 @!p0 $0x88, s6;
	s7 =	simm.s32 @p2 $0x1082  }
0x22: {  	[simem:s7], [sflag:s8] =	dma.local @!p0 [hbm:s6], $0xF7A  }
0x23: {  	s9 =	sor.u32 $0xD0000000, s2;
	s6 =	simm.s32 $0x108;
	_ =	swait.ge @!p0 [sflag:s8], $0x0  }
0x24: {  	s3 =	sadd.s32 $0x88, s3;
	s6 =	simm.s32 @!p1 $0x1082;
	[sflag:s4] =	ssyncset.s32 $0xFFFFF086  }
0x25: {  	[simem:s6], [sflag:s4] =	dma.local [hbm:s3], $0xF7A  }
0x26: {  	[smem:$0x3F9F] =	sst s1;
	(tag) =	ssettag s2;
	_ =	strace s9  }
0x27: {  	s1 =	sld [smem:$0x3FAF]  }
0x28: {  	s2 =	sld [smem:$0x3FB0]  }
0x29: {  	s4 =	sld [smem:$0x3FB2]  }
0x2a: {  	p0 =	seq.s32 s5, $0x0;
	s5 =	sld [smem:$0x3FB3]  }
0x2b: {  	s6 =	sld [smem:$0x3FB4]  }
0x2c: {  	s7 =	sld [smem:$0x3FB5]  }
0x2d: {  	s3 =	simm.s32 $0x108;
	s8 =	sld [smem:$0x3FB6]  }
0x2e: {  	s3 =	simm.s32 @!p0 $0x1082;
	s9 =	sld [smem:$0x3FB7]  }
0x2f: {  	lr =	sadd.s32 s0, s3;
	s0 =	sld [smem:$0x3FAE]  }
0x30: {  	s3 =	sld [smem:$0x3FB1]  }
0x31: {  	[smem:$0x3FBA] =	sst s10  }
0x32: {  	s10 =	sld [smem:$0x3FB8];
	_ =	sdelay $0x3  }
0x33: {  	p0 =	seq.s32 s10, $0x1;
	s10 =	sld [smem:$0x3FBA];
	_ =	sdelay $0x3  }
0x34: {  	[smem:$0x3FBA] =	sst s10  }
0x35: {  	s10 =	sld [smem:$0x3FB9];
	_ =	sdelay $0x3  }
0x36: {  	p1 =	seq.s32 s10, $0x1;
	s10 =	sld [smem:$0x3FBA];
	_ =	sdelay $0x3  }
0x37: {  	[smem:$0x3FBA] =	sst s10  }
0x38: {  	s10 =	sld [smem:$0x3FBB]  }
0x39: {  	_ = 	snop;
	(pc) =	sbr.ind lr, $3  }
0x3a: {  	_ = 	snop  }
0x3b: {  	_ = 	snop  }
0x3c: {  	p2 =	seq.s32 s10, $0x1;
	s10 =	sld [smem:$0x3FBA]  }
0x3d: {  	_ =	shalt  }
0x3e: {  	_ =	shalt  }
0x3f: {  	_ =	shalt  }
0x40: {  	_ =	shalt  }
0x41: {  	_ =	shalt  }
0x42: {  	_ =	shalt  }
0x43: {  	_ =	shalt  }
0x44: {  	_ =	shalt  }
0x45: {  	_ =	shalt  }
0x46: {  	_ =	shalt  }
0x47: {  	_ =	shalt  }
0x48: {  	_ =	shalt  }
0x49: {  	_ =	shalt  }
0x4a: {  	_ =	shalt  }
0x4b: {  	_ =	shalt  }
0x4c: {  	_ =	shalt  }
0x4d: {  	_ =	shalt  }
0x4e: {  	_ =	shalt  }
0x4f: {  	_ =	shalt  }
0x50: {  	_ =	shalt  }
0x51: {  	_ =	shalt  }
0x52: {  	_ =	shalt  }
0x53: {  	_ =	shalt  }
0x54: {  	_ =	shalt  }
0x55: {  	_ =	shalt  }
0x56: {  	_ =	shalt  }
0x57: {  	_ =	shalt  }
0x58: {  	_ =	shalt  }
0x59: {  	_ =	shalt  }
0x5a: {  	_ =	shalt  }
0x5b: {  	_ =	shalt  }
0x5c: {  	_ =	shalt  }
0x5d: {  	_ =	shalt  }
0x5e: {  	_ =	shalt  }
0x5f: {  	_ =	shalt  }
0x60: {  	_ =	shalt  }
0x61: {  	_ =	shalt  }
0x62: {  	_ =	shalt  }
0x63: {  	_ =	shalt  }
0x64: {  	_ =	shalt  }
0x65: {  	_ =	shalt  }
0x66: {  	_ =	shalt  }
0x67: {  	_ =	shalt  }
0x68: {  	_ =	shalt  }
0x69: {  	_ =	shalt  }
0x6a: {  	_ =	shalt  }
0x6b: {  	_ =	shalt  }
0x6c: {  	_ =	shalt  }
0x6d: {  	_ =	shalt  }
0x6e: {  	_ =	shalt  }
0x6f: {  	_ =	shalt  }
0x70: {  	_ =	shalt  }
0x71: {  	_ =	shalt  }
0x72: {  	_ =	shalt  }
0x73: {  	_ =	shalt  }
0x74: {  	_ =	shalt  }
0x75: {  	_ =	shalt  }
0x76: {  	_ =	shalt  }
0x77: {  	_ =	shalt  }
0x78: {  	_ =	shalt  }
0x79: {  	_ =	shalt  }
0x7a: {  	_ =	shalt  }
0x7b: {  	_ =	shalt  }
0x7c: {  	_ =	shalt  }
0x7d: {  	_ =	shalt  }
0x7e: {  	_ =	shalt  }
0x7f: {  	_ =	shalt  }
0x80: {  	_ =	shalt  }
0x81: {  	_ =	shalt  }
0x82: {  	_ =	shalt  }
0x83: {  	_ =	shalt  }
0x84: {  	_ =	shalt  }
0x85: {  	_ =	shalt  }
0x86: {  	_ =	shalt  }
0x87: {  	_ =	shalt  }
.Lfunc_end0:
.L_simem_size_0:
called_computation_lowered:
.L_overlay_start_0:
0x88: {  	s2 =	sld [smem:$0x3FD9]  }
0x89: {  	s3 =	sld [smem:$0x3FFE];
	_ =	sdelay $0x1  }
0x8a: {  	s1 =	srdreg.scid  }
0x8b: {  	s0 =	sand.u32 $0x1, s1  }
0x8c: {  	s17 =	sshll.u32 s0, $0xA;
	s2 =	sadd.s32 s3, s2  }
0x8d: {  	s2 =	sadd.s32 s2, s17  }
0x8e: {  	[smem:$0x3FC6] =	sst s2  }
0x8f: {  	_ = 	snop  }
0x90: {  	s2 =	sld [smem:$0x3FC9]  }
0x91: {  	s18 =	sld [smem:$0x3FC8]  }
0x92: {  	s4 =	sld [smem:$0x3FD0];
	(tm) =	ssettm $0x1  }
0x93: {  	s5 =	sld [smem:$0x3FFB];
	_ =	sdelay $0x3  }
0x94: {  	_ =	strace s5  }
0x95: {  	s5 =	sld [smem:$0x3FFC];
	_ =	sdelay $0x3  }
0x96: {  	_ =	strace s5  }
0x97: {  	s5 =	sld [smem:$0x3FFD];
	_ =	sdelay $0x3  }
0x98: {  	_ =	strace s5  }
0x99: {  	_ =	strace $0x8FFFFFFF  }
0x9a: {  	s19 =	sld [smem:$0x3FDB];
	_ =	sdelay $0x1  }
0x9b: {  	s6 =	simm.s32 $_scs_section_size  }
0x9c: {  	s7 =	simm.s32 $_size__tile_overlayer_lowered;
	s8 =	simm.s32 $_tile_overlayer_lowered  }
0x9d: {  	s22 =	simm.s32 $0x1BFF;
	s21 =	sshll.u32 s8, $0x1;
	s5 =	sadd.s32 s6, s19  }
0x9e: {  	s9 =	simm.s32 $0x0;
	s20 =	sshll.u32 s7, $0x1;
	s7 =	sadd.s32 s21, s5  }
0x9f: {  	[timem:s9], [sflag:s22] =	dma.local [hbm:s7], s20  }
0xa0: {  	_ =	swait.ge [sflag:s22], s20  }
0xa1: {  	s6 =	ssub.s32 $0x0, s20;
	[sflag:s22] =	ssyncset.done $0x0  }
0xa2: {  	[sflag:s22] =	ssyncadd.s32 s6;
	_ =	sdelay $0x1  }
0xa3: {  	s23 =	simm.s32 $0x1B8B  }
0xa4: {  	_ =	swait.ge [sflag:s23], $0x1  }
0xa5: {  	[sflag:s23] =	ssyncset.done $0x0  }
0xa6: {  	s25 =	simm.s32 $0x1B8E;
	s24 =	sld [smem:$0x3FFE];
	[sflag:s23] =	ssyncadd.s32 $0xFFFFFFFF  }
0xa7: {  	s26 =	simm.s32 $execute0_lowered;
	[smem:$0x3FD2] =	sst s25  }
0xa8: {  	s7 =	sshll.u32 s26, $0x1;
	_ =	strace $0x80000046;
	[dreg:$0x1] =	wrdreg $0xFFFFFFFF  }
0xa9: {  	s28 =	simm.s32 $_size_execute0_lowered;
	s5 =	sadd.s32 s5, s7;
	[dreg:$0x0] =	wrdreg $0x0  }
0xaa: {  	s7 =	sshll.u32 s28, $0x1;
	[dreg:$0x2] =	wrdreg s5  }
0xab: {  	[dreg:$0x3] =	wrdreg s7  }
0xac: {  	[dreg:$0x4] =	wrdreg $0xC0  }
0xad: {  	_ =	task [dreg:s9], $0x5FFFF  }
0xae: {  	[dreg:$0x1] =	wrdreg $0xFFFFFFFF  }
0xaf: {  	[dreg:$0x0] =	wrdreg $0x60  }
0xb0: {  	[dreg:$0x2] =	wrdreg s18  }
0xb1: {  	[dreg:$0x3] =	wrdreg s24  }
0xb2: {  	[dreg:$0x4] =	wrdreg s2  }
0xb3: {  	[dreg:$0x5] =	wrdreg s4  }
0xb4: {  	[dreg:$0x6] =	wrdreg $0x9  }
0xb5: {  	_ =	task.clear_ibuf [dreg:s9], $0x7FFFF;
	_ =	strace $0x90000046  }
0xb6: {  	s29 =	simm.s32 $0x9;
	_ =	strace $0x80000048  }
0xb7: {  	_ =	swait.ge [sflag:s29], $0x1  }
0xb8: {  	[sflag:s29] =	ssyncadd.s32 $0xFFFFFFFF  }
0xb9: {  	_ =	strace $0x90000048  }
0xba: {  	_ =	sfence  }
0xbb: {  	s30 =	sld [smem:$0x0];
	_ =	sdelay $0x2  }
0xbc: {  	s31 =	sshll.u32 s1, $0xD;
	s1 =	sshrl.u32 s1, $0x2  }
0xbd: {  	s3 =	sand.u32 $0x4000, s31;
	s1 =	sadd.s32 s1, s30  }
0xbe: {  	s0 =	sor.u32 s3, s0;
	s1 =	sshll.u32 s1, $0x11  }
0xbf: {  	s0 =	sor.u32 s1, s0  }
0xc0: {  	s0 =	sadd.s32 $0x8F2B, s0  }
0xc1: {  	[sflag:s0] =	ssyncadd.remote.s32 $0x1  }
0xc2: {  	_ =	sfence.sel $0xFFFF  }
0xc3: {  	[dreg:$0x0] =	wrdreg $0xFFFFFFFF;
	(pc) =	sbr.abs _section_cstart, $3  }
0xc4: {  	[dreg:$0x1] =	wrdreg $0xFFFFFFFF  }
0xc5: {  	_ =	task.clear_ibuf [dreg:s9], $0x2FFFF;
	_ =	strace $0x9FFFFFFF  }
0xc6: {  	(tm) =	ssettm $0x7FFFFFFF  }
0xc7: {  	_ =	shalt  }
tec
execute0_lowered:
.L_overlay_start_1:
0x0: {  	(tag) =	ssettag $0x1  }
0x1: {  	v0 =	vimm.s32 $0x1380;
	vm0 =	vcmask $0x300  }
0x2: {  	s0 =	rddreg [dreg:$0x1];
	vm14 =	vcmask $0x704;
	v0 =	vsel vm0, $0x0, v0  }
0x3: {  	s1 =	rddreg [dreg:$0x2];
	vm15 =	vcmask $0xB08;
	v0 =	vsel vm14, $0x80, v0  }
0x4: {  	s2 =	rddreg [dreg:$0x3];
	vm4 =	vcmask $0xF0C;
	v0 =	vsel vm15, $0x100, v0  }
0x5: {  	s3 =	srdreg.scid;
	s5 =	simm.s32 $0x0;
	s4 =	stileid.u32;
	vm5 =	vcmask $0x1310;
	v0 =	vsel vm4, $0x180, v0  }
0x6: {  	s20 =	simm.s32 $0x2;
	s9 =	simm.s32 $0x10200;
	s10 =	simm.s32 $0x400;
	vm6 =	vcmask $0x1714;
	v0 =	vsel vm5, $0x200, v0  }
0x7: {  	s11 =	simm.s32 $0x7A1400;
	s22 =	simm.s32 $0x1A00;
	s23 =	simm.s32 $0x2A00;
	vm7 =	vcmask $0x1B18;
	v0 =	vsel vm6, $0x280, v0  }
0x8: {  	s24 =	simm.s32 $0x3A00;
	s25 =	simm.s32 $0x4A00;
	vm8 =	vcmask $0x1F1C;
	s28 =	simm.s32 $0x6A00;
	v0 =	vsel vm7, $0x300, v0  }
0x9: {  	vm9 =	vcmask $0x2320;
	s29 =	simm.s32 $0x7A00;
	s16 =	simm.s32 $0x1;
	s3 =	sand.u32 $0x1, s3;
	v0 =	vsel vm8, $0x380, v0  }
0xa: {  	vm10 =	vcmask $0x2724;
	[smem:$0x7FF] =	sst s5;
	s4 =	sshll.u32 s4, $0xA;
	s0 =	sadd.s32 $0x400, s0;
	v0 =	vsel vm9, $0x1000, v0  }
0xb: {  	vm11 =	vcmask $0x2B28;
	s26 =	sshll.u32 s3, $0x9;
	_ =	strace $0x80000047;
	s3 =	ssub.s32 $0x2, s3;
	v0 =	vsel vm10, $0x1080, v0  }
.Ltmp0:
0xc: {  	vm12 =	vcmask $0x2F2C;
	[dreg:$0x5] =	wrdreg s0;
	s4 =	sor.u32 s26, s4;
	v0 =	vsel vm11, $0x1100, v0;
	(pc) =	sbr.rel .LBB2_1-.Ltmp0, $4  }
0xd: {  	vm13 =	vcmask $0x3330;
	s30 =	sshrl.u32 s3, $0x1;
	s5 =	sshrl.u32 s4, $0x3;
	s31 =	sadd.s32 s2, s4;
	v0 =	vsel vm12, $0x1180, v0  }
0xe: {  	vm14 =	vcmask $0x3734;
	s0 =	ssub.s32 s3, s30;
	s1 =	sadd.s32 s1, s5;
	[dreg:$0x7] =	wrdreg s31;
	v0 =	vsel vm13, $0x1200, v0  }
0xf: {  	v1 =	vlaneseq.u32;
	s17 =	simm.s32 $0x10A00;
	vm15 =	vcmask $0x3B38;
	s0 =	smax.u32 s0, $0x1;
	[dreg:$0x6] =	wrdreg s1;
	v2 =	vsel vm14, $0x1280, v0  }
0x10: {  	s26 =	simm.s32 $0x5A00;
	[dreg:$0x8] =	wrdreg s0;
	s0 =	simm.s32 $0x0;
	v0 =	vmul.u32 $0x80, v1;
	v1 =	vimm.s32 $0x0;
	v2 =	vsel vm15, $0x1300, v2  }
.LBB2_5:
0x11: {  	s18 =	rddreg [dreg:$0x7]  }
0x12: {  	s0 =	simm.s32 $0x1000;
	s1 =	simm.s32 $0x20000;
	s20 =	simm.s32 $0x2  }
0x13: {  	[hbm4b:s18+s0] =	stream.strided.scatter [tilespmem:s17], [sflag:$0x2], $0x2000, s1, s0, $0x38;
	[tilespmem:$0x12A00] =	vst v63  }
0x14: {  	_ =	swait.ge [sflag:s20], $0x2000  }
0x15: {  	s30 =	rddreg [dreg:$0x9]  }
0x16: {  	s31 =	rddreg [dreg:$0x8];
	s0 =	sadd.s32 $0x1, s30  }
0x17: {  	p0 =	sne.s32 s0, s31  }
.Ltmp1:
0x18: {  	_ = 	snop;
	(pc) =	sbr.rel @!p0 .LBB2_6-.Ltmp1, $3  }
0x19: {  	_ =	sdelay $0x1  }
0x1a: {  	[sflag:s20] =	ssyncset.done $0x0  }
0x1b: {  	[sflag:s20] =	ssyncadd.s32 $0xFFFFE000  }
.LBB2_1:
0x1c: {  	[dreg:$0x9] =	wrdreg s0  }
0x1d: {  	s18 =	simm.s32 $0x0;
	s19 =	rddreg [dreg:$0x6]  }
0x1e: {  	[tilespmem:s18], [sflag:$0x2] =	stream.linear.gather [hbm4b:s19+s18], $0x200, $0x38;
	[tilespmem:$0x12A00] =	vst v63  }
0x1f: {  	_ =	swait.ge [sflag:s20], $0x200  }
0x20: {  	[sflag:s20] =	ssyncset.done $0x0  }
0x21: {  	s5 =	rddreg [dreg:$0x5];
	[sflag:s20] =	ssyncadd.s32 $0xFFFFFE00  }
0x22: {  	[tilespmem:s9], [sflag:$0x2] =	stream.linear.gather [hbm4b:s5+s18], $0x800, $0x38;
	[tilespmem:$0x12A00] =	vst v63  }
0x23: {  	_ =	swait.ge [sflag:s20], $0x800  }
0x24: {  	[sflag:s20] =	ssyncset.done $0x0  }
0x25: {  	[sflag:s20] =	ssyncadd.s32 $0xFFFFF800  }
0x26: {  	v3 =	vld [tilespmem:$0x0];
	_ =	sdelay $0x4  }
0x27: {  	v3 =	vand.u32 $0xFFFFFF80, v3  }
0x28: {  	vm0 =	vlt.s32 v3, $0xF4180  }
0x29: {  	s6 =	rddreg [dreg:$0x0];
	v3 =	vnsel vm0, $0xF4180, v3  }
0x2a: {  	v3 =	vadd.s32 s6, v3  }
0x2b: {  	(v2sf) =	vpush v3, $0x0;
	_ =	sdelay $0x1  }
0x2c: {  	(v2sf) =	vpush v3, $0x1;
	_ =	sdelay $0x1  }
0x2d: {  	(v2sf) =	vpush v3, $0x2;
	_ =	sdelay $0x1  }
0x2e: {  	(v2sf) =	vpush v3, $0x3;
	_ =	sdelay $0x1  }
0x2f: {  	(v2sf) =	vpush v3, $0x4;
	_ =	sdelay $0x1  }
0x30: {  	(v2sf) =	vpush v3, $0x5;
	_ =	sdelay $0x1  }
0x31: {  	(v2sf) =	vpush v3, $0x6;
	_ =	sdelay $0x1  }
0x32: {  	(v2sf) =	vpush v3, $0x7  }
0x33: {  	s8 =	simm.s32 $0x200;
	s7 =	spop (v2sf)  }
0x34: {  	(v2sf) =	vpush v3, $0x8;
	[tilespmem:s8], [sflag:$0x1] =	stream.strided.gather [hbm4b:s7+s10], $0x800, s11, s10, $0x38;
	[tilespmem:$0x12A00] =	vst v63  }
0x35: {  	s13 =	simm.s32 $0xA00;
	s12 =	spop (v2sf);
	(v2sf) =	vpush v3, $0x9  }
0x36: {  	[tilespmem:s13], [sflag:$0x1] =	stream.strided.gather [hbm4b:s12+s10], $0x800, s11, s10, $0x38;
	[tilespmem:$0x12A00] =	vst v63  }
0x37: {  	s15 =	simm.s32 $0x1200;
	s14 =	spop (v2sf);
	(v2sf) =	vpush v3, $0xA  }
0x38: {  	[tilespmem:s15], [sflag:$0x1] =	stream.strided.gather [hbm4b:s14+s10], $0x800, s11, s10, $0x38;
	[tilespmem:$0x12A00] =	vst v63  }
0x39: {  	s19 =	spop (v2sf);
	(v2sf) =	vpush v3, $0xB  }
0x3a: {  	[tilespmem:s22], [sflag:$0x1] =	stream.strided.gather [hbm4b:s19+s10], $0x800, s11, s10, $0x38;
	[tilespmem:$0x12A00] =	vst v63  }
0x3b: {  	s21 =	simm.s32 $0x2200;
	s20 =	spop (v2sf);
	(v2sf) =	vpush v3, $0xC  }
0x3c: {  	[tilespmem:s21], [sflag:$0x1] =	stream.strided.gather [hbm4b:s20+s10], $0x800, s11, s10, $0x38;
	[tilespmem:$0x12A00] =	vst v63  }
0x3d: {  	s0 =	spop (v2sf);
	(v2sf) =	vpush v3, $0xD  }
0x3e: {  	[tilespmem:s23], [sflag:$0x1] =	stream.strided.gather [hbm4b:s0+s10], $0x800, s11, s10, $0x38;
	[tilespmem:$0x12A00] =	vst v63  }
0x3f: {  	s2 =	simm.s32 $0x3200;
	s1 =	spop (v2sf);
	(v2sf) =	vpush v3, $0xE  }
0x40: {  	[tilespmem:s2], [sflag:$0x1] =	stream.strided.gather [hbm4b:s1+s10], $0x800, s11, s10, $0x38;
	[tilespmem:$0x12A00] =	vst v63  }
0x41: {  	s30 =	simm.s32 $0x8200;
	s3 =	spop (v2sf);
	(v2sf) =	vpush v3, $0xF  }
0x42: {  	[tilespmem:s24], [sflag:$0x1] =	stream.strided.gather [hbm4b:s3+s10], $0x800, s11, s10, $0x38;
	[tilespmem:$0x12A00] =	vst v63  }
0x43: {  	s31 =	simm.s32 $0x8A00;
	s5 =	simm.s32 $0x4200;
	s4 =	spop (v2sf)  }
0x44: {  	s18 =	simm.s32 $0x10;
	s8 =	simm.s32 $0x5200;
	s6 =	spop (v2sf)  }
0x45: {  	[tilespmem:s5], [sflag:$0x1] =	stream.strided.gather [hbm4b:s4+s10], $0x800, s11, s10, $0x38;
	[tilespmem:$0x12A00] =	vst v63  }
0x46: {  	s14 =	simm.s32 $0x6200;
	s20 =	simm.s32 $0x7200;
	s7 =	spop (v2sf)  }
0x47: {  	[tilespmem:s25], [sflag:$0x1] =	stream.strided.gather [hbm4b:s6+s10], $0x800, s11, s10, $0x38;
	[tilespmem:$0x12A00] =	vst v63  }
0x48: {  	s0 =	simm.s32 $0x9200;
	s2 =	simm.s32 $0x9A00;
	s12 =	spop (v2sf)  }
0x49: {  	[tilespmem:s8], [sflag:$0x1] =	stream.strided.gather [hbm4b:s7+s10], $0x800, s11, s10, $0x38;
	[tilespmem:$0x12A00] =	vst v63  }
0x4a: {  	s1 =	simm.s32 $0xD200;
	s3 =	simm.s32 $0xA200;
	s13 =	spop (v2sf)  }
0x4b: {  	[tilespmem:s26], [sflag:$0x1] =	stream.strided.gather [hbm4b:s12+s10], $0x800, s11, s10, $0x38;
	[tilespmem:$0x12A00] =	vst v63  }
0x4c: {  	s4 =	simm.s32 $0xAA00;
	s5 =	simm.s32 $0xB200;
	s15 =	spop (v2sf)  }
0x4d: {  	[tilespmem:s14], [sflag:$0x1] =	stream.strided.gather [hbm4b:s13+s10], $0x800, s11, s10, $0x38;
	[tilespmem:$0x12A00] =	vst v63  }
0x4e: {  	s6 =	simm.s32 $0xBA00;
	s19 =	spop (v2sf);
	s7 =	simm.s32 $0xC200  }
0x4f: {  	[tilespmem:s28], [sflag:$0x1] =	stream.strided.gather [hbm4b:s15+s10], $0x800, s11, s10, $0x38;
	[tilespmem:$0x12A00] =	vst v63  }
.Ltmp2:
0x50: {  	s8 =	simm.s32 $0xCA00;
	s21 =	spop (v2sf);
	(pc) =	sbr.rel .LBB2_2-.Ltmp2, $4  }
0x51: {  	[tilespmem:s20], [sflag:$0x1] =	stream.strided.gather [hbm4b:s19+s10], $0x800, s11, s10, $0x38;
	[tilespmem:$0x12A00] =	vst v63  }
0x52: {  	s12 =	simm.s32 $0xDA00;
	s13 =	simm.s32 $0xE200;
	s14 =	simm.s32 $0xEA00  }
0x53: {  	[tilespmem:s29], [sflag:$0x1] =	stream.strided.gather [hbm4b:s21+s10], $0x800, s11, s10, $0x38;
	[tilespmem:$0x12A00] =	vst v63  }
0x54: {  	s15 =	simm.s32 $0xF200;
	s19 =	simm.s32 $0x0;
	s21 =	simm.s32 $0xFA00  }
.LBB2_4:
0x55: {  	v5 =	vld [tilespmem:s18+$0x0];
	_ =	sdelay $0x4  }
0x56: {  	v3 =	vand.u32 $0xFFFFFF80, v5  }
0x57: {  	v4 =	vadd.s32 $0xFFF0BE40, v5;
	vm0 =	vlt.s32 v3, $0xF4180  }
0x58: {  	vm1 =	vgt.s32 v4, $0x0;
	v3 =	vnsel vm0, $0xF4180, v3  }
0x59: {  	v4 =	vnsel vm1, $0x0, v4;
	v3 =	vsub.s32 v5, v3  }
0x5a: {  	v4 =	vmin.u32 v4, $0x7F;
	vm10 =	vlt.s32 v3, $0x7F  }
0x5b: {  	v7 =	vbroadcast v4, $0x0;
	v3 =	vnsel vm10, $0x7F, v3  }
0x5c: {  	v6 =	vbroadcast v3, $0x0  }
0x5d: {  	v7 =	vor.u32 v0, v7  }
0x5e: {  	v6 =	vadd.s32 v0, v6  }
0x5f: {  	s20 =	sadd.s32 $0x10, s19;
	_ =	swait.ge [sflag:s16], $0x800  }
0x60: {  	[sflag:s16] =	ssyncset.done $0x0;
	v8 =	vmov s20  }
0x61: {  	[sflag:s16] =	ssyncadd.s32 $0xFFFFF800;
	v9 =	vshll.u32 v8, $0x3  }
0x62: {  	s30 =	simm.s32 $0x8200;
	v8 =	vand.u32 $0x70, v8;
	v9 =	vand.u32 $0xC00, v9;
	vm11 =	vgt.s32 v5, $0xF41FF;
	v7 =	vld.idx.msk [tilespmem:v7+s9+$0x0], $0xffff  }
0x63: {  	v8 =	vor.u32 v9, v8;
	v5 =	vsel vm11, $0x1, v1;
	v6 =	vld.idx.msk [tilespmem:v6+s30+$0x0], $0xffff  }
0x64: {  	v8 =	vor.u32 v2, v8;
	v16 =	vbroadcast v5, $0x0;
	_ =	sdelay $0x1  }
0x65: {  	v9 =	vand.u32 $0x1, v16;
	v10 =	vbroadcast v3, $0x1  }
0x66: {  	v17 =	vbroadcast v4, $0x1;
	vm12 =	veq.s32 v9, $0x1  }
0x67: {  	v18 =	vadd.s32 v0, v10;
	v6 =	vsel vm12, v7, v6  }
0x68: {  	v19 =	vor.u32 v0, v17;
	[tilespmem:v8+s17+$0x0] =	vst.idx.msk $0xffff, v6  }
0x69: {  	s5 =	sadd.s32 $0x11, s19;
	_ =	swait.ge [sflag:s16], $0x800  }
0x6a: {  	v20 =	vmov s5;
	[sflag:s16] =	ssyncset.done $0x0  }
0x6b: {  	s31 =	simm.s32 $0x8A00;
	v21 =	vshll.u32 v20, $0x3;
	[sflag:s16] =	ssyncadd.s32 $0xFFFFF800  }
0x6c: {  	v9 =	vand.u32 $0xC00, v21;
	v8 =	vand.u32 $0x71, v20;
	v7 =	vld.idx.msk [tilespmem:v18+s31+$0x0], $0xffff  }
0x6d: {  	v8 =	vor.u32 v9, v8;
	v6 =	vld.idx.msk [tilespmem:v19+s9+$0x0], $0xffff  }
0x6e: {  	v22 =	vbroadcast v5, $0x1;
	v8 =	vor.u32 v2, v8;
	_ =	sdelay $0x1  }
0x6f: {  	v23 =	vbroadcast v3, $0x2;
	v9 =	vand.u32 $0x1, v22  }
0x70: {  	v24 =	vbroadcast v4, $0x2;
	vm13 =	veq.s32 v9, $0x1  }
0x71: {  	v25 =	vadd.s32 v0, v23;
	v6 =	vsel vm13, v6, v7  }
0x72: {  	v26 =	vor.u32 v0, v24;
	[tilespmem:v8+s17+$0x0] =	vst.idx.msk $0xffff, v6  }
0x73: {  	s6 =	sadd.s32 $0x12, s19;
	_ =	swait.ge [sflag:s16], $0x800  }
0x74: {  	v27 =	vmov s6;
	[sflag:s16] =	ssyncset.done $0x0  }
0x75: {  	s0 =	simm.s32 $0x9200;
	v28 =	vshll.u32 v27, $0x3;
	[sflag:s16] =	ssyncadd.s32 $0xFFFFF800  }
0x76: {  	v9 =	vand.u32 $0xC00, v28;
	v8 =	vand.u32 $0x72, v27;
	v7 =	vld.idx.msk [tilespmem:v25+s0+$0x0], $0xffff  }
0x77: {  	v8 =	vor.u32 v9, v8;
	v6 =	vld.idx.msk [tilespmem:v26+s9+$0x0], $0xffff  }
0x78: {  	v29 =	vbroadcast v5, $0x2;
	v8 =	vor.u32 v2, v8;
	_ =	sdelay $0x1  }
0x79: {  	v30 =	vbroadcast v3, $0x3;
	v9 =	vand.u32 $0x1, v29  }
0x7a: {  	v31 =	vbroadcast v4, $0x3;
	vm14 =	veq.s32 v9, $0x1  }
0x7b: {  	v32 =	vadd.s32 v0, v30;
	v6 =	vsel vm14, v6, v7  }
0x7c: {  	v33 =	vor.u32 v0, v31;
	[tilespmem:v8+s17+$0x0] =	vst.idx.msk $0xffff, v6  }
0x7d: {  	s7 =	sadd.s32 $0x13, s19;
	_ =	swait.ge [sflag:s16], $0x800  }
0x7e: {  	v34 =	vmov s7;
	[sflag:s16] =	ssyncset.done $0x0  }
0x7f: {  	s2 =	simm.s32 $0x9A00;
	v35 =	vshll.u32 v34, $0x3;
	[sflag:s16] =	ssyncadd.s32 $0xFFFFF800  }
0x80: {  	v9 =	vand.u32 $0xC00, v35;
	v8 =	vand.u32 $0x73, v34;
	v7 =	vld.idx.msk [tilespmem:v32+s2+$0x0], $0xffff  }
0x81: {  	v8 =	vor.u32 v9, v8;
	v6 =	vld.idx.msk [tilespmem:v33+s9+$0x0], $0xffff  }
0x82: {  	v36 =	vbroadcast v5, $0x3;
	v8 =	vor.u32 v2, v8;
	_ =	sdelay $0x1  }
0x83: {  	v37 =	vbroadcast v3, $0x4;
	v9 =	vand.u32 $0x1, v36  }
0x84: {  	v38 =	vbroadcast v4, $0x4;
	vm15 =	veq.s32 v9, $0x1  }
0x85: {  	v39 =	vadd.s32 v0, v37;
	v6 =	vsel vm15, v6, v7  }
0x86: {  	v40 =	vor.u32 v0, v38;
	[tilespmem:v8+s17+$0x0] =	vst.idx.msk $0xffff, v6  }
0x87: {  	s8 =	sadd.s32 $0x14, s19;
	_ =	swait.ge [sflag:s16], $0x800  }
0x88: {  	v41 =	vmov s8;
	[sflag:s16] =	ssyncset.done $0x0  }
0x89: {  	s3 =	simm.s32 $0xA200;
	v42 =	vshll.u32 v41, $0x3;
	[sflag:s16] =	ssyncadd.s32 $0xFFFFF800  }
0x8a: {  	v9 =	vand.u32 $0xC00, v42;
	v8 =	vand.u32 $0x74, v41;
	v7 =	vld.idx.msk [tilespmem:v39+s3+$0x0], $0xffff  }
0x8b: {  	v8 =	vor.u32 v9, v8;
	v6 =	vld.idx.msk [tilespmem:v40+s9+$0x0], $0xffff  }
0x8c: {  	v43 =	vbroadcast v5, $0x4;
	v8 =	vor.u32 v2, v8;
	_ =	sdelay $0x1  }
0x8d: {  	v44 =	vbroadcast v3, $0x5;
	v9 =	vand.u32 $0x1, v43  }
0x8e: {  	v45 =	vbroadcast v4, $0x5;
	vm4 =	veq.s32 v9, $0x1  }
0x8f: {  	v46 =	vadd.s32 v0, v44;
	v6 =	vsel vm4, v6, v7  }
0x90: {  	v47 =	vor.u32 v0, v45;
	[tilespmem:v8+s17+$0x0] =	vst.idx.msk $0xffff, v6  }
0x91: {  	s12 =	sadd.s32 $0x15, s19;
	_ =	swait.ge [sflag:s16], $0x800  }
0x92: {  	v48 =	vmov s12;
	[sflag:s16] =	ssyncset.done $0x0  }
0x93: {  	s4 =	simm.s32 $0xAA00;
	v49 =	vshll.u32 v48, $0x3;
	[sflag:s16] =	ssyncadd.s32 $0xFFFFF800  }
0x94: {  	v9 =	vand.u32 $0xC00, v49;
	v8 =	vand.u32 $0x75, v48;
	v7 =	vld.idx.msk [tilespmem:v46+s4+$0x0], $0xffff  }
0x95: {  	v8 =	vor.u32 v9, v8;
	v6 =	vld.idx.msk [tilespmem:v47+s9+$0x0], $0xffff  }
0x96: {  	v50 =	vbroadcast v5, $0x5;
	v8 =	vor.u32 v2, v8;
	_ =	sdelay $0x1  }
0x97: {  	v51 =	vbroadcast v3, $0x6;
	v9 =	vand.u32 $0x1, v50  }
0x98: {  	v52 =	vbroadcast v4, $0x6;
	vm5 =	veq.s32 v9, $0x1  }
0x99: {  	v53 =	vadd.s32 v0, v51;
	v6 =	vsel vm5, v6, v7  }
0x9a: {  	v54 =	vor.u32 v0, v52;
	[tilespmem:v8+s17+$0x0] =	vst.idx.msk $0xffff, v6  }
0x9b: {  	s13 =	sadd.s32 $0x16, s19;
	_ =	swait.ge [sflag:s16], $0x800  }
0x9c: {  	v55 =	vmov s13;
	[sflag:s16] =	ssyncset.done $0x0  }
0x9d: {  	s5 =	simm.s32 $0xB200;
	v56 =	vshll.u32 v55, $0x3;
	[sflag:s16] =	ssyncadd.s32 $0xFFFFF800  }
0x9e: {  	v9 =	vand.u32 $0xC00, v56;
	v8 =	vand.u32 $0x76, v55;
	v7 =	vld.idx.msk [tilespmem:v53+s5+$0x0], $0xffff  }
0x9f: {  	v8 =	vor.u32 v9, v8;
	v6 =	vld.idx.msk [tilespmem:v54+s9+$0x0], $0xffff  }
0xa0: {  	v57 =	vbroadcast v5, $0x6;
	v8 =	vor.u32 v2, v8;
	_ =	sdelay $0x1  }
0xa1: {  	v58 =	vbroadcast v3, $0x7;
	v9 =	vand.u32 $0x1, v57  }
0xa2: {  	v59 =	vbroadcast v4, $0x7;
	vm6 =	veq.s32 v9, $0x1  }
0xa3: {  	v60 =	vadd.s32 v0, v58;
	v6 =	vsel vm6, v6, v7  }
0xa4: {  	v61 =	vor.u32 v0, v59;
	[tilespmem:v8+s17+$0x0] =	vst.idx.msk $0xffff, v6  }
0xa5: {  	s14 =	sadd.s32 $0x17, s19;
	_ =	swait.ge [sflag:s16], $0x800  }
0xa6: {  	v62 =	vmov s14;
	[sflag:s16] =	ssyncset.done $0x0  }
0xa7: {  	s6 =	simm.s32 $0xBA00;
	v63 =	vshll.u32 v62, $0x3;
	[sflag:s16] =	ssyncadd.s32 $0xFFFFF800  }
0xa8: {  	v9 =	vand.u32 $0xC00, v63;
	v8 =	vand.u32 $0x77, v62;
	v7 =	vld.idx.msk [tilespmem:v60+s6+$0x0], $0xffff  }
0xa9: {  	v8 =	vor.u32 v9, v8;
	v6 =	vld.idx.msk [tilespmem:v61+s9+$0x0], $0xffff  }
0xaa: {  	v12 =	vbroadcast v5, $0x7;
	v8 =	vor.u32 v2, v8;
	_ =	sdelay $0x1  }
0xab: {  	v13 =	vbroadcast v3, $0x8;
	v9 =	vand.u32 $0x1, v12  }
0xac: {  	v14 =	vbroadcast v4, $0x8;
	vm7 =	veq.s32 v9, $0x1  }
0xad: {  	v15 =	vadd.s32 v0, v13;
	v6 =	vsel vm7, v6, v7  }
0xae: {  	v16 =	vor.u32 v0, v14;
	[tilespmem:v8+s17+$0x0] =	vst.idx.msk $0xffff, v6  }
0xaf: {  	s15 =	sadd.s32 $0x18, s19;
	_ =	swait.ge [sflag:s16], $0x800  }
0xb0: {  	v17 =	vmov s15;
	[sflag:s16] =	ssyncset.done $0x0  }
0xb1: {  	s7 =	simm.s32 $0xC200;
	v18 =	vshll.u32 v17, $0x3;
	[sflag:s16] =	ssyncadd.s32 $0xFFFFF800  }
0xb2: {  	v9 =	vand.u32 $0xC00, v18;
	v8 =	vand.u32 $0x78, v17;
	v7 =	vld.idx.msk [tilespmem:v15+s7+$0x0], $0xffff  }
0xb3: {  	v8 =	vor.u32 v9, v8;
	v6 =	vld.idx.msk [tilespmem:v16+s9+$0x0], $0xffff  }
0xb4: {  	v19 =	vbroadcast v5, $0x8;
	v8 =	vor.u32 v2, v8;
	_ =	sdelay $0x1  }
0xb5: {  	v20 =	vbroadcast v3, $0x9;
	v9 =	vand.u32 $0x1, v19  }
0xb6: {  	v21 =	vbroadcast v4, $0x9;
	vm8 =	veq.s32 v9, $0x1  }
0xb7: {  	v22 =	vadd.s32 v0, v20;
	v6 =	vsel vm8, v6, v7  }
0xb8: {  	v23 =	vor.u32 v0, v21;
	[tilespmem:v8+s17+$0x0] =	vst.idx.msk $0xffff, v6  }
0xb9: {  	s21 =	sadd.s32 $0x19, s19;
	_ =	swait.ge [sflag:s16], $0x800  }
0xba: {  	v24 =	vmov s21;
	[sflag:s16] =	ssyncset.done $0x0  }
0xbb: {  	s8 =	simm.s32 $0xCA00;
	v25 =	vshll.u32 v24, $0x3;
	[sflag:s16] =	ssyncadd.s32 $0xFFFFF800  }
0xbc: {  	v9 =	vand.u32 $0xC00, v25;
	v8 =	vand.u32 $0x79, v24;
	v7 =	vld.idx.msk [tilespmem:v22+s8+$0x0], $0xffff  }
0xbd: {  	v8 =	vor.u32 v9, v8;
	v6 =	vld.idx.msk [tilespmem:v23+s9+$0x0], $0xffff  }
0xbe: {  	v26 =	vbroadcast v5, $0x9;
	v8 =	vor.u32 v2, v8;
	_ =	sdelay $0x1  }
0xbf: {  	v27 =	vbroadcast v3, $0xA;
	v9 =	vand.u32 $0x1, v26  }
0xc0: {  	v28 =	vbroadcast v4, $0xA;
	vm9 =	veq.s32 v9, $0x1  }
0xc1: {  	v29 =	vadd.s32 v0, v27;
	v6 =	vsel vm9, v6, v7  }
0xc2: {  	v30 =	vor.u32 v0, v28;
	[tilespmem:v8+s17+$0x0] =	vst.idx.msk $0xffff, v6  }
0xc3: {  	s1 =	sadd.s32 $0x1A, s19;
	_ =	swait.ge [sflag:s16], $0x800  }
0xc4: {  	v31 =	vmov s1;
	[sflag:s16] =	ssyncset.done $0x0  }
0xc5: {  	s1 =	simm.s32 $0xD200;
	v32 =	vshll.u32 v31, $0x3;
	[sflag:s16] =	ssyncadd.s32 $0xFFFFF800  }
0xc6: {  	v9 =	vand.u32 $0xC00, v32;
	v8 =	vand.u32 $0x7A, v31;
	v7 =	vld.idx.msk [tilespmem:v29+s1+$0x0], $0xffff  }
0xc7: {  	v8 =	vor.u32 v9, v8;
	v6 =	vld.idx.msk [tilespmem:v30+s9+$0x0], $0xffff  }
0xc8: {  	v33 =	vbroadcast v5, $0xA;
	v8 =	vor.u32 v2, v8;
	_ =	sdelay $0x1  }
0xc9: {  	v34 =	vbroadcast v3, $0xB;
	v9 =	vand.u32 $0x1, v33  }
0xca: {  	v35 =	vbroadcast v4, $0xB;
	vm10 =	veq.s32 v9, $0x1  }
0xcb: {  	v36 =	vadd.s32 v0, v34;
	v6 =	vsel vm10, v6, v7  }
0xcc: {  	v37 =	vor.u32 v0, v35;
	[tilespmem:v8+s17+$0x0] =	vst.idx.msk $0xffff, v6  }
0xcd: {  	s12 =	sadd.s32 $0x1B, s19;
	_ =	swait.ge [sflag:s16], $0x800  }
0xce: {  	v38 =	vmov s12;
	[sflag:s16] =	ssyncset.done $0x0  }
0xcf: {  	s12 =	simm.s32 $0xDA00;
	v39 =	vshll.u32 v38, $0x3;
	[sflag:s16] =	ssyncadd.s32 $0xFFFFF800  }
0xd0: {  	v9 =	vand.u32 $0xC00, v39;
	v8 =	vand.u32 $0x7B, v38;
	v7 =	vld.idx.msk [tilespmem:v36+s12+$0x0], $0xffff  }
0xd1: {  	v8 =	vor.u32 v9, v8;
	v6 =	vld.idx.msk [tilespmem:v37+s9+$0x0], $0xffff  }
0xd2: {  	v40 =	vbroadcast v5, $0xB;
	v8 =	vor.u32 v2, v8;
	_ =	sdelay $0x1  }
0xd3: {  	v41 =	vbroadcast v3, $0xC;
	v9 =	vand.u32 $0x1, v40  }
0xd4: {  	v42 =	vbroadcast v4, $0xC;
	vm11 =	veq.s32 v9, $0x1  }
0xd5: {  	v43 =	vadd.s32 v0, v41;
	v6 =	vsel vm11, v6, v7  }
0xd6: {  	v44 =	vor.u32 v0, v42;
	[tilespmem:v8+s17+$0x0] =	vst.idx.msk $0xffff, v6  }
0xd7: {  	s13 =	sadd.s32 $0x1C, s19;
	_ =	swait.ge [sflag:s16], $0x800  }
0xd8: {  	v45 =	vmov s13;
	[sflag:s16] =	ssyncset.done $0x0  }
0xd9: {  	s13 =	simm.s32 $0xE200;
	v46 =	vshll.u32 v45, $0x3;
	[sflag:s16] =	ssyncadd.s32 $0xFFFFF800  }
0xda: {  	v9 =	vand.u32 $0xC00, v46;
	v8 =	vand.u32 $0x7C, v45;
	v7 =	vld.idx.msk [tilespmem:v43+s13+$0x0], $0xffff  }
0xdb: {  	v8 =	vor.u32 v9, v8;
	v6 =	vld.idx.msk [tilespmem:v44+s9+$0x0], $0xffff  }
0xdc: {  	v47 =	vbroadcast v5, $0xC;
	v8 =	vor.u32 v2, v8;
	_ =	sdelay $0x1  }
0xdd: {  	v48 =	vbroadcast v3, $0xD;
	v9 =	vand.u32 $0x1, v47  }
0xde: {  	v49 =	vbroadcast v4, $0xD;
	vm12 =	veq.s32 v9, $0x1  }
0xdf: {  	v50 =	vadd.s32 v0, v48;
	v6 =	vsel vm12, v6, v7  }
0xe0: {  	v51 =	vor.u32 v0, v49;
	[tilespmem:v8+s17+$0x0] =	vst.idx.msk $0xffff, v6  }
0xe1: {  	s14 =	sadd.s32 $0x1D, s19;
	_ =	swait.ge [sflag:s16], $0x800  }
0xe2: {  	v52 =	vmov s14;
	[sflag:s16] =	ssyncset.done $0x0  }
0xe3: {  	s14 =	simm.s32 $0xEA00;
	v53 =	vshll.u32 v52, $0x3;
	[sflag:s16] =	ssyncadd.s32 $0xFFFFF800  }
0xe4: {  	v9 =	vand.u32 $0xC00, v53;
	v8 =	vand.u32 $0x7D, v52;
	v7 =	vld.idx.msk [tilespmem:v50+s14+$0x0], $0xffff  }
0xe5: {  	v8 =	vor.u32 v9, v8;
	v6 =	vld.idx.msk [tilespmem:v51+s9+$0x0], $0xffff  }
0xe6: {  	v54 =	vbroadcast v5, $0xD;
	v8 =	vor.u32 v2, v8;
	_ =	sdelay $0x1  }
0xe7: {  	v55 =	vbroadcast v3, $0xE;
	v9 =	vand.u32 $0x1, v54  }
0xe8: {  	v56 =	vbroadcast v4, $0xE;
	vm13 =	veq.s32 v9, $0x1  }
0xe9: {  	v57 =	vadd.s32 v0, v55;
	v6 =	vsel vm13, v6, v7  }
0xea: {  	v58 =	vor.u32 v0, v56;
	[tilespmem:v8+s17+$0x0] =	vst.idx.msk $0xffff, v6  }
0xeb: {  	s15 =	sadd.s32 $0x1E, s19;
	_ =	swait.ge [sflag:s16], $0x800  }
0xec: {  	v59 =	vmov s15;
	[sflag:s16] =	ssyncset.done $0x0  }
0xed: {  	s15 =	simm.s32 $0xF200;
	v60 =	vshll.u32 v59, $0x3;
	[sflag:s16] =	ssyncadd.s32 $0xFFFFF800  }
0xee: {  	v9 =	vand.u32 $0xC00, v60;
	v8 =	vand.u32 $0x7E, v59;
	v7 =	vld.idx.msk [tilespmem:v57+s15+$0x0], $0xffff  }
0xef: {  	v8 =	vor.u32 v9, v8;
	v6 =	vld.idx.msk [tilespmem:v58+s9+$0x0], $0xffff  }
0xf0: {  	v61 =	vbroadcast v5, $0xE;
	v8 =	vor.u32 v2, v8;
	_ =	sdelay $0x1  }
0xf1: {  	v3 =	vbroadcast v3, $0xF;
	v9 =	vand.u32 $0x1, v61  }
0xf2: {  	v4 =	vbroadcast v4, $0xF;
	vm14 =	veq.s32 v9, $0x1  }
0xf3: {  	v3 =	vadd.s32 v0, v3;
	v6 =	vsel vm14, v6, v7  }
0xf4: {  	v4 =	vor.u32 v0, v4;
	[tilespmem:v8+s17+$0x0] =	vst.idx.msk $0xffff, v6  }
0xf5: {  	s21 =	sadd.s32 $0x1F, s19;
	_ =	swait.ge [sflag:s16], $0x800  }
0xf6: {  	v62 =	vmov s21;
	[sflag:s16] =	ssyncset.done $0x0  }
0xf7: {  	s21 =	simm.s32 $0xFA00;
	v63 =	vshll.u32 v62, $0x3;
	[sflag:s16] =	ssyncadd.s32 $0xFFFFF800  }
0xf8: {  	v7 =	vand.u32 $0xC00, v63;
	v6 =	vand.u32 $0x7F, v62;
	v3 =	vld.idx.msk [tilespmem:v3+s21+$0x0], $0xffff  }
0xf9: {  	s19 =	sadd.s32 $0x20, s19;
	v6 =	vor.u32 v7, v6;
	v4 =	vld.idx.msk [tilespmem:v4+s9+$0x0], $0xffff  }
0xfa: {  	p0 =	sne.s32 s19, $0x200;
	v5 =	vbroadcast v5, $0xF;
	v6 =	vor.u32 v2, v6  }
.Ltmp3:
0xfb: {  	_ = 	snop;
	(pc) =	sbr.rel @!p0 .LBB2_5-.Ltmp3, $4  }
0xfc: {  	v5 =	vand.u32 $0x1, v5  }
0xfd: {  	vm15 =	veq.s32 v5, $0x1  }
0xfe: {  	v3 =	vsel vm15, v4, v3  }
0xff: {  	s18 =	sadd.s32 $0x20, s18;
	[tilespmem:v6+s17+$0x0] =	vst.idx.msk $0xffff, v3  }
.LBB2_2:
0x100: {  	v3 =	vld [tilespmem:s18+$0x0];
	_ =	sdelay $0x4  }
0x101: {  	v3 =	vand.u32 $0xFFFFFF80, v3  }
0x102: {  	vm0 =	vlt.s32 v3, $0xF4180  }
0x103: {  	s20 =	rddreg [dreg:$0x0];
	v3 =	vnsel vm0, $0xF4180, v3  }
0x104: {  	v3 =	vadd.s32 s20, v3  }
0x105: {  	(v2sf) =	vpush v3, $0x0;
	_ =	sdelay $0x1  }
0x106: {  	(v2sf) =	vpush v3, $0x1;
	_ =	sdelay $0x1  }
0x107: {  	(v2sf) =	vpush v3, $0x2;
	_ =	sdelay $0x1  }
0x108: {  	(v2sf) =	vpush v3, $0x3;
	_ =	sdelay $0x1  }
0x109: {  	(v2sf) =	vpush v3, $0x4;
	_ =	sdelay $0x1  }
0x10a: {  	(v2sf) =	vpush v3, $0x5;
	_ =	sdelay $0x1  }
0x10b: {  	(v2sf) =	vpush v3, $0x6;
	_ =	sdelay $0x1  }
0x10c: {  	(v2sf) =	vpush v3, $0x7  }
0x10d: {  	s20 =	spop (v2sf)  }
0x10e: {  	(v2sf) =	vpush v3, $0x8;
	[tilespmem:s30], [sflag:$0x1] =	stream.strided.gather [hbm4b:s20+s10], $0x800, s11, s10, $0x38;
	[tilespmem:$0x12A00] =	vst v63  }
0x10f: {  	s30 =	spop (v2sf)  }
0x110: {  	(v2sf) =	vpush v3, $0x9;
	[tilespmem:s31], [sflag:$0x1] =	stream.strided.gather [hbm4b:s30+s10], $0x800, s11, s10, $0x38;
	[tilespmem:$0x12A00] =	vst v63  }
0x111: {  	s31 =	spop (v2sf)  }
0x112: {  	(v2sf) =	vpush v3, $0xA;
	[tilespmem:s0], [sflag:$0x1] =	stream.strided.gather [hbm4b:s31+s10], $0x800, s11, s10, $0x38;
	[tilespmem:$0x12A00] =	vst v63  }
0x113: {  	s0 =	spop (v2sf)  }
0x114: {  	(v2sf) =	vpush v3, $0xB;
	[tilespmem:s2], [sflag:$0x1] =	stream.strided.gather [hbm4b:s0+s10], $0x800, s11, s10, $0x38;
	[tilespmem:$0x12A00] =	vst v63  }
0x115: {  	s2 =	spop (v2sf)  }
0x116: {  	(v2sf) =	vpush v3, $0xC;
	[tilespmem:s3], [sflag:$0x1] =	stream.strided.gather [hbm4b:s2+s10], $0x800, s11, s10, $0x38;
	[tilespmem:$0x12A00] =	vst v63  }
0x117: {  	s3 =	spop (v2sf)  }
0x118: {  	(v2sf) =	vpush v3, $0xD;
	[tilespmem:s4], [sflag:$0x1] =	stream.strided.gather [hbm4b:s3+s10], $0x800, s11, s10, $0x38;
	[tilespmem:$0x12A00] =	vst v63  }
0x119: {  	s4 =	spop (v2sf)  }
0x11a: {  	(v2sf) =	vpush v3, $0xE;
	[tilespmem:s5], [sflag:$0x1] =	stream.strided.gather [hbm4b:s4+s10], $0x800, s11, s10, $0x38;
	[tilespmem:$0x12A00] =	vst v63  }
0x11b: {  	s30 =	spop (v2sf)  }
0x11c: {  	(v2sf) =	vpush v3, $0xF;
	[tilespmem:s6], [sflag:$0x1] =	stream.strided.gather [hbm4b:s30+s10], $0x800, s11, s10, $0x38;
	[tilespmem:$0x12A00] =	vst v63  }
0x11d: {  	s31 =	spop (v2sf)  }
0x11e: {  	[tilespmem:s7], [sflag:$0x1] =	stream.strided.gather [hbm4b:s31+s10], $0x800, s11, s10, $0x38;
	[tilespmem:$0x12A00] =	vst v63  }
0x11f: {  	s0 =	spop (v2sf)  }
0x120: {  	[tilespmem:s8], [sflag:$0x1] =	stream.strided.gather [hbm4b:s0+s10], $0x800, s11, s10, $0x38;
	[tilespmem:$0x12A00] =	vst v63  }
0x121: {  	s2 =	spop (v2sf)  }
0x122: {  	[tilespmem:s1], [sflag:$0x1] =	stream.strided.gather [hbm4b:s2+s10], $0x800, s11, s10, $0x38;
	[tilespmem:$0x12A00] =	vst v63  }
0x123: {  	s3 =	spop (v2sf)  }
0x124: {  	[tilespmem:s12], [sflag:$0x1] =	stream.strided.gather [hbm4b:s3+s10], $0x800, s11, s10, $0x38;
	[tilespmem:$0x12A00] =	vst v63  }
0x125: {  	s4 =	spop (v2sf)  }
0x126: {  	[tilespmem:s13], [sflag:$0x1] =	stream.strided.gather [hbm4b:s4+s10], $0x800, s11, s10, $0x38;
	[tilespmem:$0x12A00] =	vst v63  }
0x127: {  	s5 =	spop (v2sf)  }
0x128: {  	[tilespmem:s14], [sflag:$0x1] =	stream.strided.gather [hbm4b:s5+s10], $0x800, s11, s10, $0x38;
	[tilespmem:$0x12A00] =	vst v63  }
0x129: {  	s6 =	spop (v2sf)  }
0x12a: {  	[tilespmem:s15], [sflag:$0x1] =	stream.strided.gather [hbm4b:s6+s10], $0x800, s11, s10, $0x38;
	[tilespmem:$0x12A00] =	vst v63  }
0x12b: {  	s7 =	spop (v2sf)  }
0x12c: {  	[tilespmem:s21], [sflag:$0x1] =	stream.strided.gather [hbm4b:s7+s10], $0x800, s11, s10, $0x38;
	[tilespmem:$0x12A00] =	vst v63  }
0x12d: {  	v3 =	vld [tilespmem:s18+$0xFFFFFFF0];
	_ =	sdelay $0x4  }
0x12e: {  	v4 =	vand.u32 $0xFFFFFF80, v3  }
0x12f: {  	v5 =	vadd.s32 $0xFFF0BE40, v3;
	vm9 =	vlt.s32 v4, $0xF4180  }
0x130: {  	vm1 =	vgt.s32 v5, $0x0;
	v4 =	vnsel vm9, $0xF4180, v4  }
0x131: {  	v5 =	vnsel vm1, $0x0, v5;
	v4 =	vsub.s32 v3, v4  }
0x132: {  	v5 =	vmin.u32 v5, $0x7F;
	vm10 =	vlt.s32 v4, $0x7F  }
0x133: {  	v7 =	vbroadcast v5, $0x0;
	v4 =	vnsel vm10, $0x7F, v4  }
0x134: {  	v6 =	vbroadcast v4, $0x0  }
0x135: {  	v7 =	vor.u32 v0, v7  }
0x136: {  	v6 =	vadd.s32 v0, v6  }
0x137: {  	_ =	swait.ge [sflag:s16], $0x800  }
0x138: {  	v8 =	vmov s19;
	[sflag:s16] =	ssyncset.done $0x0  }
0x139: {  	v9 =	vshll.u32 v8, $0x3;
	[sflag:s16] =	ssyncadd.s32 $0xFFFFF800  }
0x13a: {  	v8 =	vand.u32 $0x60, v8;
	v9 =	vand.u32 $0xC00, v9;
	s8 =	simm.s32 $0x200;
	vm11 =	vgt.s32 v3, $0xF41FF;
	v7 =	vld.idx.msk [tilespmem:v7+s9+$0x0], $0xffff  }
0x13b: {  	v8 =	vor.u32 v9, v8;
	v3 =	vsel vm11, $0x1, v1;
	v6 =	vld.idx.msk [tilespmem:v6+s8+$0x0], $0xffff  }
0x13c: {  	v8 =	vor.u32 v2, v8;
	v16 =	vbroadcast v3, $0x0;
	_ =	sdelay $0x1  }
0x13d: {  	v9 =	vand.u32 $0x1, v16;
	v10 =	vbroadcast v4, $0x1  }
0x13e: {  	v17 =	vbroadcast v5, $0x1;
	vm12 =	veq.s32 v9, $0x1  }
0x13f: {  	v18 =	vadd.s32 v0, v10;
	v6 =	vsel vm12, v7, v6  }
0x140: {  	v19 =	vor.u32 v0, v17;
	[tilespmem:v8+s17+$0x0] =	vst.idx.msk $0xffff, v6  }
0x141: {  	s12 =	sadd.s32 $0x1, s19;
	_ =	swait.ge [sflag:s16], $0x800  }
0x142: {  	v20 =	vmov s12;
	[sflag:s16] =	ssyncset.done $0x0  }
0x143: {  	v21 =	vshll.u32 v20, $0x3;
	s13 =	simm.s32 $0xA00;
	[sflag:s16] =	ssyncadd.s32 $0xFFFFF800  }
0x144: {  	v9 =	vand.u32 $0xC00, v21;
	v8 =	vand.u32 $0x61, v20;
	v7 =	vld.idx.msk [tilespmem:v18+s13+$0x0], $0xffff  }
0x145: {  	v8 =	vor.u32 v9, v8;
	v6 =	vld.idx.msk [tilespmem:v19+s9+$0x0], $0xffff  }
0x146: {  	v22 =	vbroadcast v3, $0x1;
	v8 =	vor.u32 v2, v8;
	_ =	sdelay $0x1  }
0x147: {  	v23 =	vbroadcast v4, $0x2;
	v9 =	vand.u32 $0x1, v22  }
0x148: {  	v24 =	vbroadcast v5, $0x2;
	vm13 =	veq.s32 v9, $0x1  }
0x149: {  	v25 =	vadd.s32 v0, v23;
	v6 =	vsel vm13, v6, v7  }
0x14a: {  	v26 =	vor.u32 v0, v24;
	[tilespmem:v8+s17+$0x0] =	vst.idx.msk $0xffff, v6  }
0x14b: {  	s14 =	sadd.s32 $0x2, s19;
	_ =	swait.ge [sflag:s16], $0x800  }
0x14c: {  	v27 =	vmov s14;
	[sflag:s16] =	ssyncset.done $0x0  }
0x14d: {  	v28 =	vshll.u32 v27, $0x3;
	s15 =	simm.s32 $0x1200;
	[sflag:s16] =	ssyncadd.s32 $0xFFFFF800  }
0x14e: {  	v9 =	vand.u32 $0xC00, v28;
	v8 =	vand.u32 $0x62, v27;
	v7 =	vld.idx.msk [tilespmem:v25+s15+$0x0], $0xffff  }
0x14f: {  	v8 =	vor.u32 v9, v8;
	v6 =	vld.idx.msk [tilespmem:v26+s9+$0x0], $0xffff  }
0x150: {  	v29 =	vbroadcast v3, $0x2;
	v8 =	vor.u32 v2, v8;
	_ =	sdelay $0x1  }
0x151: {  	v30 =	vbroadcast v4, $0x3;
	v9 =	vand.u32 $0x1, v29  }
0x152: {  	v31 =	vbroadcast v5, $0x3;
	vm14 =	veq.s32 v9, $0x1  }
0x153: {  	v32 =	vadd.s32 v0, v30;
	v6 =	vsel vm14, v6, v7  }
0x154: {  	v33 =	vor.u32 v0, v31;
	[tilespmem:v8+s17+$0x0] =	vst.idx.msk $0xffff, v6  }
0x155: {  	s21 =	sadd.s32 $0x3, s19;
	_ =	swait.ge [sflag:s16], $0x800  }
0x156: {  	v34 =	vmov s21;
	[sflag:s16] =	ssyncset.done $0x0  }
0x157: {  	v35 =	vshll.u32 v34, $0x3;
	[sflag:s16] =	ssyncadd.s32 $0xFFFFF800  }
0x158: {  	v9 =	vand.u32 $0xC00, v35;
	v8 =	vand.u32 $0x63, v34;
	v7 =	vld.idx.msk [tilespmem:v32+s22+$0x0], $0xffff  }
0x159: {  	v8 =	vor.u32 v9, v8;
	v6 =	vld.idx.msk [tilespmem:v33+s9+$0x0], $0xffff  }
0x15a: {  	v36 =	vbroadcast v3, $0x3;
	v8 =	vor.u32 v2, v8;
	_ =	sdelay $0x1  }
0x15b: {  	v37 =	vbroadcast v4, $0x4;
	v9 =	vand.u32 $0x1, v36  }
0x15c: {  	v38 =	vbroadcast v5, $0x4;
	vm15 =	veq.s32 v9, $0x1  }
0x15d: {  	v39 =	vadd.s32 v0, v37;
	v6 =	vsel vm15, v6, v7  }
0x15e: {  	v40 =	vor.u32 v0, v38;
	[tilespmem:v8+s17+$0x0] =	vst.idx.msk $0xffff, v6  }
0x15f: {  	s30 =	sadd.s32 $0x4, s19;
	_ =	swait.ge [sflag:s16], $0x800  }
0x160: {  	v41 =	vmov s30;
	[sflag:s16] =	ssyncset.done $0x0  }
0x161: {  	v42 =	vshll.u32 v41, $0x3;
	s31 =	simm.s32 $0x2200;
	[sflag:s16] =	ssyncadd.s32 $0xFFFFF800  }
0x162: {  	v9 =	vand.u32 $0xC00, v42;
	v8 =	vand.u32 $0x64, v41;
	v7 =	vld.idx.msk [tilespmem:v39+s31+$0x0], $0xffff  }
0x163: {  	v8 =	vor.u32 v9, v8;
	v6 =	vld.idx.msk [tilespmem:v40+s9+$0x0], $0xffff  }
0x164: {  	v43 =	vbroadcast v3, $0x4;
	v8 =	vor.u32 v2, v8;
	_ =	sdelay $0x1  }
0x165: {  	v44 =	vbroadcast v4, $0x5;
	v9 =	vand.u32 $0x1, v43  }
0x166: {  	v45 =	vbroadcast v5, $0x5;
	vm4 =	veq.s32 v9, $0x1  }
0x167: {  	v46 =	vadd.s32 v0, v44;
	v6 =	vsel vm4, v6, v7  }
0x168: {  	v47 =	vor.u32 v0, v45;
	[tilespmem:v8+s17+$0x0] =	vst.idx.msk $0xffff, v6  }
0x169: {  	s0 =	sadd.s32 $0x5, s19;
	_ =	swait.ge [sflag:s16], $0x800  }
0x16a: {  	v48 =	vmov s0;
	[sflag:s16] =	ssyncset.done $0x0  }
0x16b: {  	v49 =	vshll.u32 v48, $0x3;
	[sflag:s16] =	ssyncadd.s32 $0xFFFFF800  }
0x16c: {  	v9 =	vand.u32 $0xC00, v49;
	v8 =	vand.u32 $0x65, v48;
	v7 =	vld.idx.msk [tilespmem:v46+s23+$0x0], $0xffff  }
0x16d: {  	v8 =	vor.u32 v9, v8;
	v6 =	vld.idx.msk [tilespmem:v47+s9+$0x0], $0xffff  }
0x16e: {  	v50 =	vbroadcast v3, $0x5;
	v8 =	vor.u32 v2, v8;
	_ =	sdelay $0x1  }
0x16f: {  	v51 =	vbroadcast v4, $0x6;
	v9 =	vand.u32 $0x1, v50  }
0x170: {  	v52 =	vbroadcast v5, $0x6;
	vm5 =	veq.s32 v9, $0x1  }
0x171: {  	v53 =	vadd.s32 v0, v51;
	v6 =	vsel vm5, v6, v7  }
0x172: {  	v54 =	vor.u32 v0, v52;
	[tilespmem:v8+s17+$0x0] =	vst.idx.msk $0xffff, v6  }
0x173: {  	s1 =	sadd.s32 $0x6, s19;
	_ =	swait.ge [sflag:s16], $0x800  }
0x174: {  	v55 =	vmov s1;
	[sflag:s16] =	ssyncset.done $0x0  }
0x175: {  	s2 =	simm.s32 $0x3200;
	v56 =	vshll.u32 v55, $0x3;
	[sflag:s16] =	ssyncadd.s32 $0xFFFFF800  }
0x176: {  	v9 =	vand.u32 $0xC00, v56;
	v8 =	vand.u32 $0x66, v55;
	v7 =	vld.idx.msk [tilespmem:v53+s2+$0x0], $0xffff  }
0x177: {  	v8 =	vor.u32 v9, v8;
	v6 =	vld.idx.msk [tilespmem:v54+s9+$0x0], $0xffff  }
0x178: {  	v57 =	vbroadcast v3, $0x6;
	v8 =	vor.u32 v2, v8;
	_ =	sdelay $0x1  }
0x179: {  	v58 =	vbroadcast v4, $0x7;
	v9 =	vand.u32 $0x1, v57  }
0x17a: {  	v59 =	vbroadcast v5, $0x7;
	vm6 =	veq.s32 v9, $0x1  }
0x17b: {  	v60 =	vadd.s32 v0, v58;
	v6 =	vsel vm6, v6, v7  }
0x17c: {  	v61 =	vor.u32 v0, v59;
	[tilespmem:v8+s17+$0x0] =	vst.idx.msk $0xffff, v6  }
0x17d: {  	s3 =	sadd.s32 $0x7, s19;
	_ =	swait.ge [sflag:s16], $0x800  }
0x17e: {  	v62 =	vmov s3;
	[sflag:s16] =	ssyncset.done $0x0  }
0x17f: {  	v63 =	vshll.u32 v62, $0x3;
	[sflag:s16] =	ssyncadd.s32 $0xFFFFF800  }
0x180: {  	v9 =	vand.u32 $0xC00, v63;
	v8 =	vand.u32 $0x67, v62;
	v7 =	vld.idx.msk [tilespmem:v60+s24+$0x0], $0xffff  }
0x181: {  	v8 =	vor.u32 v9, v8;
	v6 =	vld.idx.msk [tilespmem:v61+s9+$0x0], $0xffff  }
0x182: {  	v12 =	vbroadcast v3, $0x7;
	v8 =	vor.u32 v2, v8;
	_ =	sdelay $0x1  }
0x183: {  	v13 =	vbroadcast v4, $0x8;
	v9 =	vand.u32 $0x1, v12  }
0x184: {  	v14 =	vbroadcast v5, $0x8;
	vm7 =	veq.s32 v9, $0x1  }
0x185: {  	v15 =	vadd.s32 v0, v13;
	v6 =	vsel vm7, v6, v7  }
0x186: {  	v16 =	vor.u32 v0, v14;
	[tilespmem:v8+s17+$0x0] =	vst.idx.msk $0xffff, v6  }
0x187: {  	s4 =	sadd.s32 $0x8, s19;
	_ =	swait.ge [sflag:s16], $0x800  }
0x188: {  	v17 =	vmov s4;
	[sflag:s16] =	ssyncset.done $0x0  }
0x189: {  	s5 =	simm.s32 $0x4200;
	v18 =	vshll.u32 v17, $0x3;
	[sflag:s16] =	ssyncadd.s32 $0xFFFFF800  }
0x18a: {  	v9 =	vand.u32 $0xC00, v18;
	v8 =	vand.u32 $0x68, v17;
	v7 =	vld.idx.msk [tilespmem:v15+s5+$0x0], $0xffff  }
0x18b: {  	v8 =	vor.u32 v9, v8;
	v6 =	vld.idx.msk [tilespmem:v16+s9+$0x0], $0xffff  }
0x18c: {  	v19 =	vbroadcast v3, $0x8;
	v8 =	vor.u32 v2, v8;
	_ =	sdelay $0x1  }
0x18d: {  	v20 =	vbroadcast v4, $0x9;
	v9 =	vand.u32 $0x1, v19  }
0x18e: {  	v21 =	vbroadcast v5, $0x9;
	vm8 =	veq.s32 v9, $0x1  }
0x18f: {  	v22 =	vadd.s32 v0, v20;
	v6 =	vsel vm8, v6, v7  }
0x190: {  	v23 =	vor.u32 v0, v21;
	[tilespmem:v8+s17+$0x0] =	vst.idx.msk $0xffff, v6  }
0x191: {  	s6 =	sadd.s32 $0x9, s19;
	_ =	swait.ge [sflag:s16], $0x800  }
0x192: {  	v24 =	vmov s6;
	[sflag:s16] =	ssyncset.done $0x0  }
0x193: {  	v25 =	vshll.u32 v24, $0x3;
	[sflag:s16] =	ssyncadd.s32 $0xFFFFF800  }
0x194: {  	v9 =	vand.u32 $0xC00, v25;
	v8 =	vand.u32 $0x69, v24;
	v7 =	vld.idx.msk [tilespmem:v22+s25+$0x0], $0xffff  }
0x195: {  	v8 =	vor.u32 v9, v8;
	v6 =	vld.idx.msk [tilespmem:v23+s9+$0x0], $0xffff  }
0x196: {  	v26 =	vbroadcast v3, $0x9;
	v8 =	vor.u32 v2, v8;
	_ =	sdelay $0x1  }
0x197: {  	v27 =	vbroadcast v4, $0xA;
	v9 =	vand.u32 $0x1, v26  }
0x198: {  	v28 =	vbroadcast v5, $0xA;
	vm9 =	veq.s32 v9, $0x1  }
0x199: {  	v29 =	vadd.s32 v0, v27;
	v6 =	vsel vm9, v6, v7  }
0x19a: {  	v30 =	vor.u32 v0, v28;
	[tilespmem:v8+s17+$0x0] =	vst.idx.msk $0xffff, v6  }
0x19b: {  	s7 =	sadd.s32 $0xA, s19;
	_ =	swait.ge [sflag:s16], $0x800  }
0x19c: {  	v31 =	vmov s7;
	[sflag:s16] =	ssyncset.done $0x0  }
0x19d: {  	s8 =	simm.s32 $0x5200;
	v32 =	vshll.u32 v31, $0x3;
	[sflag:s16] =	ssyncadd.s32 $0xFFFFF800  }
0x19e: {  	v9 =	vand.u32 $0xC00, v32;
	v8 =	vand.u32 $0x6A, v31;
	v7 =	vld.idx.msk [tilespmem:v29+s8+$0x0], $0xffff  }
0x19f: {  	v8 =	vor.u32 v9, v8;
	v6 =	vld.idx.msk [tilespmem:v30+s9+$0x0], $0xffff  }
0x1a0: {  	v33 =	vbroadcast v3, $0xA;
	v8 =	vor.u32 v2, v8;
	_ =	sdelay $0x1  }
0x1a1: {  	v34 =	vbroadcast v4, $0xB;
	v9 =	vand.u32 $0x1, v33  }
0x1a2: {  	v35 =	vbroadcast v5, $0xB;
	vm10 =	veq.s32 v9, $0x1  }
0x1a3: {  	v36 =	vadd.s32 v0, v34;
	v6 =	vsel vm10, v6, v7  }
0x1a4: {  	v37 =	vor.u32 v0, v35;
	[tilespmem:v8+s17+$0x0] =	vst.idx.msk $0xffff, v6  }
0x1a5: {  	s12 =	sadd.s32 $0xB, s19;
	_ =	swait.ge [sflag:s16], $0x800  }
0x1a6: {  	v38 =	vmov s12;
	[sflag:s16] =	ssyncset.done $0x0  }
0x1a7: {  	v39 =	vshll.u32 v38, $0x3;
	[sflag:s16] =	ssyncadd.s32 $0xFFFFF800  }
0x1a8: {  	v9 =	vand.u32 $0xC00, v39;
	v8 =	vand.u32 $0x6B, v38;
	v7 =	vld.idx.msk [tilespmem:v36+s26+$0x0], $0xffff  }
0x1a9: {  	v8 =	vor.u32 v9, v8;
	v6 =	vld.idx.msk [tilespmem:v37+s9+$0x0], $0xffff  }
0x1aa: {  	v40 =	vbroadcast v3, $0xB;
	v8 =	vor.u32 v2, v8;
	_ =	sdelay $0x1  }
0x1ab: {  	v41 =	vbroadcast v4, $0xC;
	v9 =	vand.u32 $0x1, v40  }
0x1ac: {  	v42 =	vbroadcast v5, $0xC;
	vm11 =	veq.s32 v9, $0x1  }
0x1ad: {  	v43 =	vadd.s32 v0, v41;
	v6 =	vsel vm11, v6, v7  }
0x1ae: {  	v44 =	vor.u32 v0, v42;
	[tilespmem:v8+s17+$0x0] =	vst.idx.msk $0xffff, v6  }
0x1af: {  	s13 =	sadd.s32 $0xC, s19;
	_ =	swait.ge [sflag:s16], $0x800  }
0x1b0: {  	v45 =	vmov s13;
	[sflag:s16] =	ssyncset.done $0x0  }
0x1b1: {  	s14 =	simm.s32 $0x6200;
	v46 =	vshll.u32 v45, $0x3;
	[sflag:s16] =	ssyncadd.s32 $0xFFFFF800  }
0x1b2: {  	v9 =	vand.u32 $0xC00, v46;
	v8 =	vand.u32 $0x6C, v45;
	v7 =	vld.idx.msk [tilespmem:v43+s14+$0x0], $0xffff  }
0x1b3: {  	v8 =	vor.u32 v9, v8;
	v6 =	vld.idx.msk [tilespmem:v44+s9+$0x0], $0xffff  }
0x1b4: {  	v47 =	vbroadcast v3, $0xC;
	v8 =	vor.u32 v2, v8;
	_ =	sdelay $0x1  }
0x1b5: {  	v48 =	vbroadcast v4, $0xD;
	v9 =	vand.u32 $0x1, v47  }
0x1b6: {  	v49 =	vbroadcast v5, $0xD;
	vm12 =	veq.s32 v9, $0x1  }
0x1b7: {  	v50 =	vadd.s32 v0, v48;
	v6 =	vsel vm12, v6, v7  }
0x1b8: {  	v51 =	vor.u32 v0, v49;
	[tilespmem:v8+s17+$0x0] =	vst.idx.msk $0xffff, v6  }
0x1b9: {  	s15 =	sadd.s32 $0xD, s19;
	_ =	swait.ge [sflag:s16], $0x800  }
0x1ba: {  	v52 =	vmov s15;
	[sflag:s16] =	ssyncset.done $0x0  }
0x1bb: {  	v53 =	vshll.u32 v52, $0x3;
	[sflag:s16] =	ssyncadd.s32 $0xFFFFF800  }
0x1bc: {  	v9 =	vand.u32 $0xC00, v53;
	v8 =	vand.u32 $0x6D, v52;
	v7 =	vld.idx.msk [tilespmem:v50+s28+$0x0], $0xffff  }
0x1bd: {  	v8 =	vor.u32 v9, v8;
	v6 =	vld.idx.msk [tilespmem:v51+s9+$0x0], $0xffff  }
0x1be: {  	v54 =	vbroadcast v3, $0xD;
	v8 =	vor.u32 v2, v8;
	_ =	sdelay $0x1  }
0x1bf: {  	v55 =	vbroadcast v4, $0xE;
	v9 =	vand.u32 $0x1, v54  }
0x1c0: {  	v56 =	vbroadcast v5, $0xE;
	vm13 =	veq.s32 v9, $0x1  }
0x1c1: {  	v57 =	vadd.s32 v0, v55;
	v6 =	vsel vm13, v6, v7  }
0x1c2: {  	v58 =	vor.u32 v0, v56;
	[tilespmem:v8+s17+$0x0] =	vst.idx.msk $0xffff, v6  }
0x1c3: {  	s21 =	sadd.s32 $0xE, s19;
	_ =	swait.ge [sflag:s16], $0x800  }
0x1c4: {  	v59 =	vmov s21;
	[sflag:s16] =	ssyncset.done $0x0  }
0x1c5: {  	s30 =	simm.s32 $0x7200;
	v60 =	vshll.u32 v59, $0x3;
	[sflag:s16] =	ssyncadd.s32 $0xFFFFF800  }
0x1c6: {  	v9 =	vand.u32 $0xC00, v60;
	v8 =	vand.u32 $0x6E, v59;
	v7 =	vld.idx.msk [tilespmem:v57+s30+$0x0], $0xffff  }
0x1c7: {  	v8 =	vor.u32 v9, v8;
	v6 =	vld.idx.msk [tilespmem:v58+s9+$0x0], $0xffff  }
0x1c8: {  	v61 =	vbroadcast v3, $0xE;
	v8 =	vor.u32 v2, v8;
	_ =	sdelay $0x1  }
0x1c9: {  	v4 =	vbroadcast v4, $0xF;
	v9 =	vand.u32 $0x1, v61  }
0x1ca: {  	v5 =	vbroadcast v5, $0xF;
	vm14 =	veq.s32 v9, $0x1  }
0x1cb: {  	v4 =	vadd.s32 v0, v4;
	v6 =	vsel vm14, v6, v7  }
0x1cc: {  	v5 =	vor.u32 v0, v5;
	[tilespmem:v8+s17+$0x0] =	vst.idx.msk $0xffff, v6  }
0x1cd: {  	s31 =	sadd.s32 $0xF, s19;
	_ =	swait.ge [sflag:s16], $0x800  }
0x1ce: {  	v62 =	vmov s31;
	[sflag:s16] =	ssyncset.done $0x0  }
0x1cf: {  	v63 =	vshll.u32 v62, $0x3;
	[sflag:s16] =	ssyncadd.s32 $0xFFFFF800  }
0x1d0: {  	v7 =	vand.u32 $0xC00, v63;
	v6 =	vand.u32 $0x6F, v62;
	v4 =	vld.idx.msk [tilespmem:v4+s29+$0x0], $0xffff  }
0x1d1: {  	v6 =	vor.u32 v7, v6;
	v5 =	vld.idx.msk [tilespmem:v5+s9+$0x0], $0xffff  }
0x1d2: {  	p0 =	seq.s32 s19, $0x1E0;
	v3 =	vbroadcast v3, $0xF;
	v6 =	vor.u32 v2, v6  }
.Ltmp4:
0x1d3: {  	_ = 	snop;
	(pc) =	sbr.rel @p0 .LBB2_4-.Ltmp4, $4  }
0x1d4: {  	v3 =	vand.u32 $0x1, v3  }
0x1d5: {  	vm15 =	veq.s32 v3, $0x1  }
0x1d6: {  	v3 =	vsel vm15, v5, v4  }
0x1d7: {  	[tilespmem:v6+s17+$0x0] =	vst.idx.msk $0xffff, v3  }
0x1d8: {  	v3 =	vld [tilespmem:s18+$0x10];
	_ =	sdelay $0x4  }
0x1d9: {  	v3 =	vand.u32 $0xFFFFFF80, v3  }
0x1da: {  	vm0 =	vlt.s32 v3, $0xF4180  }
0x1db: {  	s20 =	rddreg [dreg:$0x0];
	v3 =	vnsel vm0, $0xF4180, v3  }
0x1dc: {  	v3 =	vadd.s32 s20, v3  }
0x1dd: {  	(v2sf) =	vpush v3, $0x0;
	_ =	sdelay $0x1  }
0x1de: {  	(v2sf) =	vpush v3, $0x1;
	_ =	sdelay $0x1  }
0x1df: {  	(v2sf) =	vpush v3, $0x2;
	_ =	sdelay $0x1  }
0x1e0: {  	(v2sf) =	vpush v3, $0x3;
	_ =	sdelay $0x1  }
0x1e1: {  	(v2sf) =	vpush v3, $0x4;
	_ =	sdelay $0x1  }
0x1e2: {  	(v2sf) =	vpush v3, $0x5;
	_ =	sdelay $0x1  }
0x1e3: {  	(v2sf) =	vpush v3, $0x6;
	_ =	sdelay $0x1  }
0x1e4: {  	(v2sf) =	vpush v3, $0x7  }
0x1e5: {  	s21 =	simm.s32 $0x200;
	s0 =	spop (v2sf)  }
0x1e6: {  	(v2sf) =	vpush v3, $0x8;
	[tilespmem:s21], [sflag:$0x1] =	stream.strided.gather [hbm4b:s0+s10], $0x800, s11, s10, $0x38;
	[tilespmem:$0x12A00] =	vst v63  }
0x1e7: {  	s0 =	simm.s32 $0xA00;
	s1 =	spop (v2sf)  }
0x1e8: {  	(v2sf) =	vpush v3, $0x9;
	[tilespmem:s0], [sflag:$0x1] =	stream.strided.gather [hbm4b:s1+s10], $0x800, s11, s10, $0x38;
	[tilespmem:$0x12A00] =	vst v63  }
0x1e9: {  	s22 =	simm.s32 $0x1200;
	s2 =	spop (v2sf)  }
0x1ea: {  	(v2sf) =	vpush v3, $0xA;
	[tilespmem:s22], [sflag:$0x1] =	stream.strided.gather [hbm4b:s2+s10], $0x800, s11, s10, $0x38;
	[tilespmem:$0x12A00] =	vst v63  }
0x1eb: {  	s3 =	spop (v2sf);
	s22 =	simm.s32 $0x1A00  }
0x1ec: {  	(v2sf) =	vpush v3, $0xB;
	[tilespmem:s22], [sflag:$0x1] =	stream.strided.gather [hbm4b:s3+s10], $0x800, s11, s10, $0x38;
	[tilespmem:$0x12A00] =	vst v63  }
0x1ed: {  	s23 =	simm.s32 $0x2200;
	s4 =	spop (v2sf)  }
0x1ee: {  	(v2sf) =	vpush v3, $0xC;
	[tilespmem:s23], [sflag:$0x1] =	stream.strided.gather [hbm4b:s4+s10], $0x800, s11, s10, $0x38;
	[tilespmem:$0x12A00] =	vst v63  }
0x1ef: {  	s5 =	spop (v2sf);
	s23 =	simm.s32 $0x2A00  }
0x1f0: {  	(v2sf) =	vpush v3, $0xD;
	[tilespmem:s23], [sflag:$0x1] =	stream.strided.gather [hbm4b:s5+s10], $0x800, s11, s10, $0x38;
	[tilespmem:$0x12A00] =	vst v63  }
0x1f1: {  	s24 =	simm.s32 $0x3200;
	s6 =	spop (v2sf)  }
0x1f2: {  	[tilespmem:s24], [sflag:$0x1] =	stream.strided.gather [hbm4b:s6+s10], $0x800, s11, s10, $0x38;
	[tilespmem:$0x12A00] =	vst v63  }
0x1f3: {  	(v2sf) =	vpush v3, $0xE;
	s7 =	spop (v2sf);
	s24 =	simm.s32 $0x3A00  }
0x1f4: {  	[tilespmem:s24], [sflag:$0x1] =	stream.strided.gather [hbm4b:s7+s10], $0x800, s11, s10, $0x38;
	[tilespmem:$0x12A00] =	vst v63  }
0x1f5: {  	s25 =	simm.s32 $0x4200;
	(v2sf) =	vpush v3, $0xF;
	s8 =	spop (v2sf)  }
0x1f6: {  	[tilespmem:s25], [sflag:$0x1] =	stream.strided.gather [hbm4b:s8+s10], $0x800, s11, s10, $0x38;
	[tilespmem:$0x12A00] =	vst v63  }
0x1f7: {  	s12 =	spop (v2sf);
	s25 =	simm.s32 $0x4A00  }
0x1f8: {  	[tilespmem:s25], [sflag:$0x1] =	stream.strided.gather [hbm4b:s12+s10], $0x800, s11, s10, $0x38;
	[tilespmem:$0x12A00] =	vst v63  }
0x1f9: {  	s26 =	simm.s32 $0x5200;
	s13 =	spop (v2sf)  }
0x1fa: {  	[tilespmem:s26], [sflag:$0x1] =	stream.strided.gather [hbm4b:s13+s10], $0x800, s11, s10, $0x38;
	[tilespmem:$0x12A00] =	vst v63  }
0x1fb: {  	s14 =	spop (v2sf);
	s26 =	simm.s32 $0x5A00  }
0x1fc: {  	[tilespmem:s26], [sflag:$0x1] =	stream.strided.gather [hbm4b:s14+s10], $0x800, s11, s10, $0x38;
	[tilespmem:$0x12A00] =	vst v63  }
0x1fd: {  	s28 =	simm.s32 $0x6200;
	s15 =	spop (v2sf)  }
0x1fe: {  	[tilespmem:s28], [sflag:$0x1] =	stream.strided.gather [hbm4b:s15+s10], $0x800, s11, s10, $0x38;
	[tilespmem:$0x12A00] =	vst v63  }
0x1ff: {  	s21 =	spop (v2sf);
	s28 =	simm.s32 $0x6A00  }
0x200: {  	[tilespmem:s28], [sflag:$0x1] =	stream.strided.gather [hbm4b:s21+s10], $0x800, s11, s10, $0x38;
	[tilespmem:$0x12A00] =	vst v63  }
.Ltmp5:
0x201: {  	_ = 	snop;
	(pc) =	sbr.rel .LBB2_4-.Ltmp5, $4  }
0x202: {  	s29 =	simm.s32 $0x7200;
	s30 =	spop (v2sf)  }
0x203: {  	[tilespmem:s29], [sflag:$0x1] =	stream.strided.gather [hbm4b:s30+s10], $0x800, s11, s10, $0x38;
	[tilespmem:$0x12A00] =	vst v63  }
0x204: {  	s31 =	spop (v2sf);
	s29 =	simm.s32 $0x7A00  }
0x205: {  	[tilespmem:s29], [sflag:$0x1] =	stream.strided.gather [hbm4b:s31+s10], $0x800, s11, s10, $0x38;
	[tilespmem:$0x12A00] =	vst v63  }
.LBB2_6:
0x206: {  	_ =	sfence.sel $0x180000  }
0x207: {  	[bflag:$0x0] =	sbarrier.arrive $0xFFFF  }
0x208: {  	_ =	strace $0x90000047  }
0x209: {  	s0 =	stileid.u32;
	[bflag:$0x2] =	sbarrier.arrive $0xFFFF  }
0x20a: {  	p0 =	sne.s32 s0, $0x0;
	s0 =	rddreg [dreg:$0x4]  }
0x20b: {  	s0 =	sadd.s32 @!p0 $0x100000, s0  }
0x20c: {  	[sflag:s0] =	ssyncadd.tile.s32 @!p0 $0x1;
	_ =	shalt  }
.Lfunc_end2:
_tile_overlayer_lowered:
.L_overlay_start_2:
0x20d: {  	(tag) =	ssettag $0x2  }
0x20e: {  	s0 =	rddreg [dreg:$0x0];
	s2 =	stileid.u32  }
0x20f: {  	s1 =	rddreg [dreg:$0x1];
	p0 =	sne.s32 s2, $0x0  }
0x210: {  	s3 =	rddreg [dreg:$0x2];
	[bflag:$0x3] =	sbarrier.arrive $0xFFFF;
	s2 =	simm.s32 @!p0 $0x1C02  }
0x211: {  	[timem:s3], [sflag:s2] =	dma.local @!p0 [hbm:s0], s1  }
0x212: {  	s0 =	simm.s32 @!p0 $0x2  }
0x213: {  	_ =	swait.ge @!p0 [sflag:s0], s1  }
0x214: {  	s1 =	ssub.s32 @!p0 $0x0, s1;
	[sflag:s0] =	ssyncset.done @!p0 $0x0  }
0x215: {  	[sflag:s0] =	ssyncadd.s32 @!p0 s1  }
0x216: {  	[bflag:$0x3] =	sbarrier.arrive $0xFFFF  }
0x217: {  	_ =	shalt  }

</sc_bundles>
